<compile_context>
chip_gen: v7x
topology: tpu7x:2x2x1
jax: 0.10.2.dev20260603
libtpu: 0.0.44.dev20260713+nightly
codegen_flags: <defaults>
</compile_context>

<pallas_src>
import functools

import jax
import jax.numpy as jnp
from jax import lax
from jax.experimental import pallas as pl
from jax.experimental.pallas import tpu as pltpu
from jax.experimental.pallas import tpu_sc as plsc

NUM_CONCEPTS = 1000000
D = 64
S = 50
NW = 32
SL = 8
B_PER_W = 512
NSLAB = B_PER_W // SL
ROWS_PER_W = B_PER_W * S
ROWS_PER_SLAB = SL * S
L = 16


def _make_gather_kernel():
    info = plsc.get_sparse_core_info()
    nc, ns = info.num_cores, info.num_subcores
    assert nc * ns == NW

    mesh = plsc.VectorSubcoreMesh(core_axis_name="c", subcore_axis_name="s")

    @functools.partial(
        pl.kernel,
        mesh=mesh,
        compiler_params=pltpu.CompilerParams(use_tc_tiling_on_sc=True),
        out_type=jax.ShapeDtypeStruct((16384, S, D), jnp.float32),
        scratch_types=[
            pltpu.VMEM((ROWS_PER_SLAB,), jnp.int32),
            pltpu.VMEM((ROWS_PER_SLAB,), jnp.int32),
            pltpu.VMEM((ROWS_PER_SLAB, D), jnp.float32),
            pltpu.VMEM((ROWS_PER_SLAB, D), jnp.float32),
            pltpu.SemaphoreType.DMA,
            pltpu.SemaphoreType.DMA,
            pltpu.SemaphoreType.DMA,
            pltpu.SemaphoreType.DMA,
            pltpu.SemaphoreType.DMA,
            pltpu.SemaphoreType.DMA,
        ],
    )
    def gather_kernel(idx_hbm, table_hbm, out_hbm,
                      idxc0, idxc1, slab0, slab1, i0, i1, g0, g1, s0, s1):
        wid = lax.axis_index("s") * nc + lax.axis_index("c")
        base_b = wid * B_PER_W
        base_r = wid * ROWS_PER_W

        bufs = ((idxc0, slab0, i0, g0, s0), (idxc1, slab1, i1, g1, s1))

        def fire_idx(g, idxc, isem):
            pltpu.async_copy(
                idx_hbm.at[pl.ds(base_r + g * ROWS_PER_SLAB, ROWS_PER_SLAB)],
                idxc, isem,
            )

        def wait_idx(g, idxc, isem):
            pltpu.make_async_copy(
                idx_hbm.at[pl.ds(base_r + g * ROWS_PER_SLAB, ROWS_PER_SLAB)],
                idxc, isem,
            ).wait()

        def fire_gathers(idxc, slab, gsem):
            def body(c, carry):
                vec = idxc[pl.ds(c * L, L)]
                for u in range(L):
                    i = vec[u]
                    t = c * L + u
                    pltpu.async_copy(
                        table_hbm.at[pl.ds(i, 1)],
                        slab.at[pl.ds(t, 1)],
                        gsem,
                    )
                return carry
            lax.fori_loop(0, ROWS_PER_SLAB // L, body, 0)

        def wait_gathers(slab, gsem):
            def body(c, carry):
                for _ in range(L):
                    pltpu.make_async_copy(
                        table_hbm.at[pl.ds(0, 1)],
                        slab.at[pl.ds(0, 1)],
                        gsem,
                    ).wait()
                return carry
            lax.fori_loop(0, ROWS_PER_SLAB // L, body, 0)

        def fire_stores(g, slab, ssem):
            for bb in range(SL):
                pltpu.async_copy(
                    slab.at[pl.ds(bb * S, S)],
                    out_hbm.at[base_b + g * SL + bb],
                    ssem,
                )

        def wait_stores(g, slab, ssem):
            for bb in range(SL):
                pltpu.make_async_copy(
                    slab.at[pl.ds(bb * S, S)],
                    out_hbm.at[base_b + g * SL + bb],
                    ssem,
                ).wait()

        fire_idx(0, bufs[0][0], bufs[0][2])
        fire_idx(1, bufs[1][0], bufs[1][2])
        wait_idx(0, bufs[0][0], bufs[0][2])
        fire_gathers(bufs[0][0], bufs[0][1], bufs[0][3])
        fire_idx(2, bufs[0][0], bufs[0][2])

        def step(k, carry):
            for b, (idxc, slab, isem, gsem, ssem) in enumerate(bufs):
                g = 2 * k + b
                nidxc, nslab, nisem, ngsem, nssem = bufs[1 - b]

                @pl.when(g + 1 < NSLAB)
                def _():
                    @pl.when(g >= 1)
                    def _():
                        wait_stores(g - 1, nslab, nssem)

                    wait_idx(g + 1, nidxc, nisem)
                    fire_gathers(nidxc, nslab, ngsem)

                    @pl.when(g + 3 < NSLAB)
                    def _():
                        fire_idx(g + 3, nidxc, nisem)

                wait_gathers(slab, gsem)
                fire_stores(g, slab, ssem)
            return carry

        lax.fori_loop(0, NSLAB // 2, step, 0)

        for b, (idxc, slab, isem, gsem, ssem) in enumerate(bufs):
            wait_stores(NSLAB - 2 + b, slab, ssem)

    return gather_kernel


def kernel(concept_ids, fiber_memory):
    bsz, seq = concept_ids.shape
    idx = concept_ids.astype(jnp.int32).reshape(NW * ROWS_PER_W)
    return _make_gather_kernel()(idx, fiber_memory)

# --- scband reference (transcript-rebuilt; emitter-appended) ---
"""Pipeline reference for scband-fiber-stream-27659589386343 (READ-ONLY COPY).

The authoritative reference and input builder live on the scoring server;
editing this copy changes nothing except your own understanding.
"""

import jax, jax.numpy as jnp
import numpy as np

NUM_CONCEPTS = 1000000
D_FIBER = 64

def setup_inputs(seed: int = 0) -> dict:
    key = jax.random.key(seed)
    k_idx, k_tab = jax.random.split(key)
    concept_ids = jax.random.randint(k_idx, (16384, 50), 0, NUM_CONCEPTS, dtype=jnp.int64 if jax.config.jax_enable_x64 else jnp.int32)
    fiber_memory = jax.random.normal(k_tab, (NUM_CONCEPTS, D_FIBER), dtype=jnp.float32)
    return {"concept_ids": concept_ids, "fiber_memory": fiber_memory}

def reference(concept_ids, fiber_memory):
    # nn.Embedding lookup: table[idx]
    return jnp.take(fiber_memory, concept_ids, axis=0)

if __name__ == "__main__":
    import jax
    _d = setup_inputs()
    print(jax.jit(kernel)(*tuple(_d.values())))

</pallas_src>

<mosaic_0001>
#map = affine_map<(d0, d1) -> (0)>
#map1 = affine_map<(d0, d1) -> (0, 0)>
#map2 = affine_map<(d0, d1) -> (0, 0, 0)>
module attributes {stable_mosaic.version = 14 : i64} {
  func.func @gather_kernel(%arg0: i32, %arg1: i32, %arg2: memref<819200xi32, #tpu.memory_space<hbm>>, %arg3: memref<1000000x64xf32, #tpu.memory_space<hbm>>, %arg4: memref<16384x50x64xf32, #tpu.memory_space<hbm>>, %arg5: memref<400xi32, #tpu.memory_space<vmem>>, %arg6: memref<400xi32, #tpu.memory_space<vmem>>, %arg7: memref<400x64xf32, #tpu.memory_space<vmem>>, %arg8: memref<400x64xf32, #tpu.memory_space<vmem>>, %arg9: memref<!tpu.dma_semaphore, #tpu.memory_space<semaphore_mem>>, %arg10: memref<!tpu.dma_semaphore, #tpu.memory_space<semaphore_mem>>, %arg11: memref<!tpu.dma_semaphore, #tpu.memory_space<semaphore_mem>>, %arg12: memref<!tpu.dma_semaphore, #tpu.memory_space<semaphore_mem>>, %arg13: memref<!tpu.dma_semaphore, #tpu.memory_space<semaphore_mem>>, %arg14: memref<!tpu.dma_semaphore, #tpu.memory_space<semaphore_mem>>) attributes {dimension_semantics = [#tpu.dimension_semantics<core_parallel>, #tpu.dimension_semantics<subcore_parallel>], iteration_bounds = array<i64: 2, 16>, scalar_prefetch = 0 : i64, scratch_operands = 10 : i64, tpu.core_type = #tpu.core_type<sc_vector_subcore>, window_params = [{transform_indices = #map}, {transform_indices = #map1}, {transform_indices = #map2}]} {
    %mul3A = arith.constant 2 : i32
    %mul3A_0 = arith.muli %arg1, %mul3A : i32
    %add3A = arith.addi %mul3A_0, %arg0 : i32
    %mul3A_1 = arith.constant 512 : i32
    %mul3A_2 = arith.muli %add3A, %mul3A_1 : i32
    %mul3A_3 = arith.constant 25600 : i32
    %mul3A_4 = arith.muli %add3A, %mul3A_3 : i32
    %add3A_5 = arith.constant 0 : i32
    %add3A_6 = arith.addi %mul3A_4, %add3A_5 : i32
    %dma_start3A = tpu.memref_slice %arg2[%add3A_6] : memref<819200xi32, #tpu.memory_space<hbm>> -> memref<400xi32, #tpu.memory_space<hbm>>
    %dma_start3A_7 = tpu.memref_slice %arg2[%add3A_6] : memref<819200xi32, #tpu.memory_space<hbm>> -> memref<400xi32, #tpu.memory_space<hbm>>
    tpu.enqueue_dma source(%dma_start3A_7 : memref<400xi32, #tpu.memory_space<hbm>>) target(%arg5 : memref<400xi32, #tpu.memory_space<vmem>>) target_semaphore(%arg9 : memref<!tpu.dma_semaphore, #tpu.memory_space<semaphore_mem>>)
    %add3A_8 = arith.constant 400 : i32
    %add3A_9 = arith.addi %mul3A_4, %add3A_8 : i32
    %dma_start3A_10 = tpu.memref_slice %arg2[%add3A_9] : memref<819200xi32, #tpu.memory_space<hbm>> -> memref<400xi32, #tpu.memory_space<hbm>>
    %dma_start3A_11 = tpu.memref_slice %arg2[%add3A_9] : memref<819200xi32, #tpu.memory_space<hbm>> -> memref<400xi32, #tpu.memory_space<hbm>>
    tpu.enqueue_dma source(%dma_start3A_11 : memref<400xi32, #tpu.memory_space<hbm>>) target(%arg6 : memref<400xi32, #tpu.memory_space<vmem>>) target_semaphore(%arg10 : memref<!tpu.dma_semaphore, #tpu.memory_space<semaphore_mem>>)
    %add3A_12 = arith.constant 0 : i32
    %add3A_13 = arith.addi %mul3A_4, %add3A_12 : i32
    %dma_wait3A = tpu.memref_slice %arg2[%add3A_13] : memref<819200xi32, #tpu.memory_space<hbm>> -> memref<400xi32, #tpu.memory_space<hbm>>
    %dma_wait3A_14 = tpu.memref_slice %arg2[%add3A_13] : memref<819200xi32, #tpu.memory_space<hbm>> -> memref<400xi32, #tpu.memory_space<hbm>>
    tpu.wait_dma2 semaphore(%arg9 : memref<!tpu.dma_semaphore, #tpu.memory_space<semaphore_mem>>) src(%dma_wait3A_14 : memref<400xi32, #tpu.memory_space<hbm>>) dst(%arg5 : memref<400xi32, #tpu.memory_space<vmem>>)
    %scan3A = arith.constant 0 : i32
    %scan3A_15 = arith.constant 0 : i32
    %scan3A_16 = arith.constant 25 : i32
    %scan3A_17 = arith.addi %scan3A_15, %scan3A_16 : i32
    %scan3A_18 = arith.constant 1 : i32
    scf.for %scan3A_318 = %scan3A_15 to %scan3A_17 step %scan3A_18  : i32 {
      %mul3A_319 = arith.constant 16 : i32
      %mul3A_320 = arith.muli %scan3A_318, %mul3A_319 : i32
      %get3A = arith.index_cast %mul3A_320 : i32 to index
      %get3A_321 = tpu.vector_load %arg5[%get3A] {strides = array<i32>} : memref<400xi32, #tpu.memory_space<vmem>>, vector<16xi32>,
      %get3A_322 = vector.shape_cast %get3A_321 : vector<16xi32> to vector<16xi32>
      %slice3A = vector.extract_strided_slice %get3A_322 {offsets = [0], sizes = [1], strides = [1]} : vector<16xi32> to vector<1xi32>
      %squeeze3A = vector.extract %slice3A[0] : i32 from vector<1xi32>
      %mul3A_323 = arith.constant 16 : i32
      %mul3A_324 = arith.muli %scan3A_318, %mul3A_323 : i32
      %add3A_325 = arith.constant 0 : i32
      %add3A_326 = arith.addi %mul3A_324, %add3A_325 : i32
      %dma_start3A_327 = arith.constant 0 : i32
      %dma_start3A_328 = tpu.memref_slice %arg7[%add3A_326, %dma_start3A_327] : memref<400x64xf32, #tpu.memory_space<vmem>> -> memref<1x64xf32, #tpu.memory_space<vmem>>
      %dma_start3A_329 = arith.constant 0 : i32
      %dma_start3A_330 = tpu.memref_slice %arg3[%squeeze3A, %dma_start3A_329] : memref<1000000x64xf32, #tpu.memory_space<hbm>> -> memref<1x64xf32, #tpu.memory_space<hbm>>
      %dma_start3A_331 = arith.constant 0 : i32
      %dma_start3A_332 = tpu.memref_slice %arg7[%add3A_326, %dma_start3A_331] : memref<400x64xf32, #tpu.memory_space<vmem>> -> memref<1x64xf32, #tpu.memory_space<vmem>>
      %dma_start3A_333 = arith.constant 0 : i32
      %dma_start3A_334 = tpu.memref_slice %arg3[%squeeze3A, %dma_start3A_333] : memref<1000000x64xf32, #tpu.memory_space<hbm>> -> memref<1x64xf32, #tpu.memory_space<hbm>>
      tpu.enqueue_dma source(%dma_start3A_334 : memref<1x64xf32, #tpu.memory_space<hbm>>) target(%dma_start3A_332 : memref<1x64xf32, #tpu.memory_space<vmem>>) target_semaphore(%arg11 : memref<!tpu.dma_semaphore, #tpu.memory_space<semaphore_mem>>)
      %slice3A_335 = vector.extract_strided_slice %get3A_322 {offsets = [1], sizes = [1], strides = [1]} : vector<16xi32> to vector<1xi32>
      %squeeze3A_336 = vector.extract %slice3A_335[0] : i32 from vector<1xi32>
      %mul3A_337 = arith.constant 16 : i32
      %mul3A_338 = arith.muli %scan3A_318, %mul3A_337 : i32
      %add3A_339 = arith.constant 1 : i32
      %add3A_340 = arith.addi %mul3A_338, %add3A_339 : i32
      %dma_start3A_341 = arith.constant 0 : i32
      %dma_start3A_342 = tpu.memref_slice %arg7[%add3A_340, %dma_start3A_341] : memref<400x64xf32, #tpu.memory_space<vmem>> -> memref<1x64xf32, #tpu.memory_space<vmem>>
      %dma_start3A_343 = arith.constant 0 : i32
      %dma_start3A_344 = tpu.memref_slice %arg3[%squeeze3A_336, %dma_start3A_343] : memref<1000000x64xf32, #tpu.memory_space<hbm>> -> memref<1x64xf32, #tpu.memory_space<hbm>>
      %dma_start3A_345 = arith.constant 0 : i32
      %dma_start3A_346 = tpu.memref_slice %arg7[%add3A_340, %dma_start3A_345] : memref<400x64xf32, #tpu.memory_space<vmem>> -> memref<1x64xf32, #tpu.memory_space<vmem>>
      %dma_start3A_347 = arith.constant 0 : i32
      %dma_start3A_348 = tpu.memref_slice %arg3[%squeeze3A_336, %dma_start3A_347] : memref<1000000x64xf32, #tpu.memory_space<hbm>> -> memref<1x64xf32, #tpu.memory_space<hbm>>
      tpu.enqueue_dma source(%dma_start3A_348 : memref<1x64xf32, #tpu.memory_space<hbm>>) target(%dma_start3A_346 : memref<1x64xf32, #tpu.memory_space<vmem>>) target_semaphore(%arg11 : memref<!tpu.dma_semaphore, #tpu.memory_space<semaphore_mem>>)
      %slice3A_349 = vector.extract_strided_slice %get3A_322 {offsets = [2], sizes = [1], strides = [1]} : vector<16xi32> to vector<1xi32>
      %squeeze3A_350 = vector.extract %slice3A_349[0] : i32 from vector<1xi32>
      %mul3A_351 = arith.constant 16 : i32
      %mul3A_352 = arith.muli %scan3A_318, %mul3A_351 : i32
      %add3A_353 = arith.constant 2 : i32
      %add3A_354 = arith.addi %mul3A_352, %add3A_353 : i32
      %dma_start3A_355 = arith.constant 0 : i32
      %dma_start3A_356 = tpu.memref_slice %arg7[%add3A_354, %dma_start3A_355] : memref<400x64xf32, #tpu.memory_space<vmem>> -> memref<1x64xf32, #tpu.memory_space<vmem>>
      %dma_start3A_357 = arith.constant 0 : i32
      %dma_start3A_358 = tpu.memref_slice %arg3[%squeeze3A_350, %dma_start3A_357] : memref<1000000x64xf32, #tpu.memory_space<hbm>> -> memref<1x64xf32, #tpu.memory_space<hbm>>
      %dma_start3A_359 = arith.constant 0 : i32
      %dma_start3A_360 = tpu.memref_slice %arg7[%add3A_354, %dma_start3A_359] : memref<400x64xf32, #tpu.memory_space<vmem>> -> memref<1x64xf32, #tpu.memory_space<vmem>>
      %dma_start3A_361 = arith.constant 0 : i32
      %dma_start3A_362 = tpu.memref_slice %arg3[%squeeze3A_350, %dma_start3A_361] : memref<1000000x64xf32, #tpu.memory_space<hbm>> -> memref<1x64xf32, #tpu.memory_space<hbm>>
      tpu.enqueue_dma source(%dma_start3A_362 : memref<1x64xf32, #tpu.memory_space<hbm>>) target(%dma_start3A_360 : memref<1x64xf32, #tpu.memory_space<vmem>>) target_semaphore(%arg11 : memref<!tpu.dma_semaphore, #tpu.memory_space<semaphore_mem>>)
      %slice3A_363 = vector.extract_strided_slice %get3A_322 {offsets = [3], sizes = [1], strides = [1]} : vector<16xi32> to vector<1xi32>
      %squeeze3A_364 = vector.extract %slice3A_363[0] : i32 from vector<1xi32>
      %mul3A_365 = arith.constant 16 : i32
      %mul3A_366 = arith.muli %scan3A_318, %mul3A_365 : i32
      %add3A_367 = arith.constant 3 : i32
      %add3A_368 = arith.addi %mul3A_366, %add3A_367 : i32
      %dma_start3A_369 = arith.constant 0 : i32
      %dma_start3A_370 = tpu.memref_slice %arg7[%add3A_368, %dma_start3A_369] : memref<400x64xf32, #tpu.memory_space<vmem>> -> memref<1x64xf32, #tpu.memory_space<vmem>>
      %dma_start3A_371 = arith.constant 0 : i32
      %dma_start3A_372 = tpu.memref_slice %arg3[%squeeze3A_364, %dma_start3A_371] : memref<1000000x64xf32, #tpu.memory_space<hbm>> -> memref<1x64xf32, #tpu.memory_space<hbm>>
      %dma_start3A_373 = arith.constant 0 : i32
      %dma_start3A_374 = tpu.memref_slice %arg7[%add3A_368, %dma_start3A_373] : memref<400x64xf32, #tpu.memory_space<vmem>> -> memref<1x64xf32, #tpu.memory_space<vmem>>
      %dma_start3A_375 = arith.constant 0 : i32
      %dma_start3A_376 = tpu.memref_slice %arg3[%squeeze3A_364, %dma_start3A_375] : memref<1000000x64xf32, #tpu.memory_space<hbm>> -> memref<1x64xf32, #tpu.memory_space<hbm>>
      tpu.enqueue_dma source(%dma_start3A_376 : memref<1x64xf32, #tpu.memory_space<hbm>>) target(%dma_start3A_374 : memref<1x64xf32, #tpu.memory_space<vmem>>) target_semaphore(%arg11 : memref<!tpu.dma_semaphore, #tpu.memory_space<semaphore_mem>>)
      %slice3A_377 = vector.extract_strided_slice %get3A_322 {offsets = [4], sizes = [1], strides = [1]} : vector<16xi32> to vector<1xi32>
      %squeeze3A_378 = vector.extract %slice3A_377[0] : i32 from vector<1xi32>
      %mul3A_379 = arith.constant 16 : i32
      %mul3A_380 = arith.muli %scan3A_318, %mul3A_379 : i32
      %add3A_381 = arith.constant 4 : i32
      %add3A_382 = arith.addi %mul3A_380, %add3A_381 : i32
      %dma_start3A_383 = arith.constant 0 : i32
      %dma_start3A_384 = tpu.memref_slice %arg7[%add3A_382, %dma_start3A_383] : memref<400x64xf32, #tpu.memory_space<vmem>> -> memref<1x64xf32, #tpu.memory_space<vmem>>
      %dma_start3A_385 = arith.constant 0 : i32
      %dma_start3A_386 = tpu.memref_slice %arg3[%squeeze3A_378, %dma_start3A_385] : memref<1000000x64xf32, #tpu.memory_space<hbm>> -> memref<1x64xf32, #tpu.memory_space<hbm>>
      %dma_start3A_387 = arith.constant 0 : i32
      %dma_start3A_388 = tpu.memref_slice %arg7[%add3A_382, %dma_start3A_387] : memref<400x64xf32, #tpu.memory_space<vmem>> -> memref<1x64xf32, #tpu.memory_space<vmem>>
      %dma_start3A_389 = arith.constant 0 : i32
      %dma_start3A_390 = tpu.memref_slice %arg3[%squeeze3A_378, %dma_start3A_389] : memref<1000000x64xf32, #tpu.memory_space<hbm>> -> memref<1x64xf32, #tpu.memory_space<hbm>>
      tpu.enqueue_dma source(%dma_start3A_390 : memref<1x64xf32, #tpu.memory_space<hbm>>) target(%dma_start3A_388 : memref<1x64xf32, #tpu.memory_space<vmem>>) target_semaphore(%arg11 : memref<!tpu.dma_semaphore, #tpu.memory_space<semaphore_mem>>)
      %slice3A_391 = vector.extract_strided_slice %get3A_322 {offsets = [5], sizes = [1], strides = [1]} : vector<16xi32> to vector<1xi32>
      %squeeze3A_392 = vector.extract %slice3A_391[0] : i32 from vector<1xi32>
      %mul3A_393 = arith.constant 16 : i32
      %mul3A_394 = arith.muli %scan3A_318, %mul3A_393 : i32
      %add3A_395 = arith.constant 5 : i32
      %add3A_396 = arith.addi %mul3A_394, %add3A_395 : i32
      %dma_start3A_397 = arith.constant 0 : i32
      %dma_start3A_398 = tpu.memref_slice %arg7[%add3A_396, %dma_start3A_397] : memref<400x64xf32, #tpu.memory_space<vmem>> -> memref<1x64xf32, #tpu.memory_space<vmem>>
      %dma_start3A_399 = arith.constant 0 : i32
      %dma_start3A_400 = tpu.memref_slice %arg3[%squeeze3A_392, %dma_start3A_399] : memref<1000000x64xf32, #tpu.memory_space<hbm>> -> memref<1x64xf32, #tpu.memory_space<hbm>>
      %dma_start3A_401 = arith.constant 0 : i32
      %dma_start3A_402 = tpu.memref_slice %arg7[%add3A_396, %dma_start3A_401] : memref<400x64xf32, #tpu.memory_space<vmem>> -> memref<1x64xf32, #tpu.memory_space<vmem>>
      %dma_start3A_403 = arith.constant 0 : i32
      %dma_start3A_404 = tpu.memref_slice %arg3[%squeeze3A_392, %dma_start3A_403] : memref<1000000x64xf32, #tpu.memory_space<hbm>> -> memref<1x64xf32, #tpu.memory_space<hbm>>
      tpu.enqueue_dma source(%dma_start3A_404 : memref<1x64xf32, #tpu.memory_space<hbm>>) target(%dma_start3A_402 : memref<1x64xf32, #tpu.memory_space<vmem>>) target_semaphore(%arg11 : memref<!tpu.dma_semaphore, #tpu.memory_space<semaphore_mem>>)
      %slice3A_405 = vector.extract_strided_slice %get3A_322 {offsets = [6], sizes = [1], strides = [1]} : vector<16xi32> to vector<1xi32>
      %squeeze3A_406 = vector.extract %slice3A_405[0] : i32 from vector<1xi32>
      %mul3A_407 = arith.constant 16 : i32
      %mul3A_408 = arith.muli %scan3A_318, %mul3A_407 : i32
      %add3A_409 = arith.constant 6 : i32
      %add3A_410 = arith.addi %mul3A_408, %add3A_409 : i32
      %dma_start3A_411 = arith.constant 0 : i32
      %dma_start3A_412 = tpu.memref_slice %arg7[%add3A_410, %dma_start3A_411] : memref<400x64xf32, #tpu.memory_space<vmem>> -> memref<1x64xf32, #tpu.memory_space<vmem>>
      %dma_start3A_413 = arith.constant 0 : i32
      %dma_start3A_414 = tpu.memref_slice %arg3[%squeeze3A_406, %dma_start3A_413] : memref<1000000x64xf32, #tpu.memory_space<hbm>> -> memref<1x64xf32, #tpu.memory_space<hbm>>
      %dma_start3A_415 = arith.constant 0 : i32
      %dma_start3A_416 = tpu.memref_slice %arg7[%add3A_410, %dma_start3A_415] : memref<400x64xf32, #tpu.memory_space<vmem>> -> memref<1x64xf32, #tpu.memory_space<vmem>>
      %dma_start3A_417 = arith.constant 0 : i32
      %dma_start3A_418 = tpu.memref_slice %arg3[%squeeze3A_406, %dma_start3A_417] : memref<1000000x64xf32, #tpu.memory_space<hbm>> -> memref<1x64xf32, #tpu.memory_space<hbm>>
      tpu.enqueue_dma source(%dma_start3A_418 : memref<1x64xf32, #tpu.memory_space<hbm>>) target(%dma_start3A_416 : memref<1x64xf32, #tpu.memory_space<vmem>>) target_semaphore(%arg11 : memref<!tpu.dma_semaphore, #tpu.memory_space<semaphore_mem>>)
      %slice3A_419 = vector.extract_strided_slice %get3A_322 {offsets = [7], sizes = [1], strides = [1]} : vector<16xi32> to vector<1xi32>
      %squeeze3A_420 = vector.extract %slice3A_419[0] : i32 from vector<1xi32>
      %mul3A_421 = arith.constant 16 : i32
      %mul3A_422 = arith.muli %scan3A_318, %mul3A_421 : i32
      %add3A_423 = arith.constant 7 : i32
      %add3A_424 = arith.addi %mul3A_422, %add3A_423 : i32
      %dma_start3A_425 = arith.constant 0 : i32
      %dma_start3A_426 = tpu.memref_slice %arg7[%add3A_424, %dma_start3A_425] : memref<400x64xf32, #tpu.memory_space<vmem>> -> memref<1x64xf32, #tpu.memory_space<vmem>>
      %dma_start3A_427 = arith.constant 0 : i32
      %dma_start3A_428 = tpu.memref_slice %arg3[%squeeze3A_420, %dma_start3A_427] : memref<1000000x64xf32, #tpu.memory_space<hbm>> -> memref<1x64xf32, #tpu.memory_space<hbm>>
      %dma_start3A_429 = arith.constant 0 : i32
      %dma_start3A_430 = tpu.memref_slice %arg7[%add3A_424, %dma_start3A_429] : memref<400x64xf32, #tpu.memory_space<vmem>> -> memref<1x64xf32, #tpu.memory_space<vmem>>
      %dma_start3A_431 = arith.constant 0 : i32
      %dma_start3A_432 = tpu.memref_slice %arg3[%squeeze3A_420, %dma_start3A_431] : memref<1000000x64xf32, #tpu.memory_space<hbm>> -> memref<1x64xf32, #tpu.memory_space<hbm>>
      tpu.enqueue_dma source(%dma_start3A_432 : memref<1x64xf32, #tpu.memory_space<hbm>>) target(%dma_start3A_430 : memref<1x64xf32, #tpu.memory_space<vmem>>) target_semaphore(%arg11 : memref<!tpu.dma_semaphore, #tpu.memory_space<semaphore_mem>>)
      %slice3A_433 = vector.extract_strided_slice %get3A_322 {offsets = [8], sizes = [1], strides = [1]} : vector<16xi32> to vector<1xi32>
      %squeeze3A_434 = vector.extract %slice3A_433[0] : i32 from vector<1xi32>
      %mul3A_435 = arith.constant 16 : i32
      %mul3A_436 = arith.muli %scan3A_318, %mul3A_435 : i32
      %add3A_437 = arith.constant 8 : i32
      %add3A_438 = arith.addi %mul3A_436, %add3A_437 : i32
      %dma_start3A_439 = arith.constant 0 : i32
      %dma_start3A_440 = tpu.memref_slice %arg7[%add3A_438, %dma_start3A_439] : memref<400x64xf32, #tpu.memory_space<vmem>> -> memref<1x64xf32, #tpu.memory_space<vmem>>
      %dma_start3A_441 = arith.constant 0 : i32
      %dma_start3A_442 = tpu.memref_slice %arg3[%squeeze3A_434, %dma_start3A_441] : memref<1000000x64xf32, #tpu.memory_space<hbm>> -> memref<1x64xf32, #tpu.memory_space<hbm>>
      %dma_start3A_443 = arith.constant 0 : i32
      %dma_start3A_444 = tpu.memref_slice %arg7[%add3A_438, %dma_start3A_443] : memref<400x64xf32, #tpu.memory_space<vmem>> -> memref<1x64xf32, #tpu.memory_space<vmem>>
      %dma_start3A_445 = arith.constant 0 : i32
      %dma_start3A_446 = tpu.memref_slice %arg3[%squeeze3A_434, %dma_start3A_445] : memref<1000000x64xf32, #tpu.memory_space<hbm>> -> memref<1x64xf32, #tpu.memory_space<hbm>>
      tpu.enqueue_dma source(%dma_start3A_446 : memref<1x64xf32, #tpu.memory_space<hbm>>) target(%dma_start3A_444 : memref<1x64xf32, #tpu.memory_space<vmem>>) target_semaphore(%arg11 : memref<!tpu.dma_semaphore, #tpu.memory_space<semaphore_mem>>)
      %slice3A_447 = vector.extract_strided_slice %get3A_322 {offsets = [9], sizes = [1], strides = [1]} : vector<16xi32> to vector<1xi32>
      %squeeze3A_448 = vector.extract %slice3A_447[0] : i32 from vector<1xi32>
      %mul3A_449 = arith.constant 16 : i32
      %mul3A_450 = arith.muli %scan3A_318, %mul3A_449 : i32
      %add3A_451 = arith.constant 9 : i32
      %add3A_452 = arith.addi %mul3A_450, %add3A_451 : i32
      %dma_start3A_453 = arith.constant 0 : i32
      %dma_start3A_454 = tpu.memref_slice %arg7[%add3A_452, %dma_start3A_453] : memref<400x64xf32, #tpu.memory_space<vmem>> -> memref<1x64xf32, #tpu.memory_space<vmem>>
      %dma_start3A_455 = arith.constant 0 : i32
      %dma_start3A_456 = tpu.memref_slice %arg3[%squeeze3A_448, %dma_start3A_455] : memref<1000000x64xf32, #tpu.memory_space<hbm>> -> memref<1x64xf32, #tpu.memory_space<hbm>>
      %dma_start3A_457 = arith.constant 0 : i32
      %dma_start3A_458 = tpu.memref_slice %arg7[%add3A_452, %dma_start3A_457] : memref<400x64xf32, #tpu.memory_space<vmem>> -> memref<1x64xf32, #tpu.memory_space<vmem>>
      %dma_start3A_459 = arith.constant 0 : i32
      %dma_start3A_460 = tpu.memref_slice %arg3[%squeeze3A_448, %dma_start3A_459] : memref<1000000x64xf32, #tpu.memory_space<hbm>> -> memref<1x64xf32, #tpu.memory_space<hbm>>
      tpu.enqueue_dma source(%dma_start3A_460 : memref<1x64xf32, #tpu.memory_space<hbm>>) target(%dma_start3A_458 : memref<1x64xf32, #tpu.memory_space<vmem>>) target_semaphore(%arg11 : memref<!tpu.dma_semaphore, #tpu.memory_space<semaphore_mem>>)
      %slice3A_461 = vector.extract_strided_slice %get3A_322 {offsets = [10], sizes = [1], strides = [1]} : vector<16xi32> to vector<1xi32>
      %squeeze3A_462 = vector.extract %slice3A_461[0] : i32 from vector<1xi32>
      %mul3A_463 = arith.constant 16 : i32
      %mul3A_464 = arith.muli %scan3A_318, %mul3A_463 : i32
      %add3A_465 = arith.constant 10 : i32
      %add3A_466 = arith.addi %mul3A_464, %add3A_465 : i32
      %dma_start3A_467 = arith.constant 0 : i32
      %dma_start3A_468 = tpu.memref_slice %arg7[%add3A_466, %dma_start3A_467] : memref<400x64xf32, #tpu.memory_space<vmem>> -> memref<1x64xf32, #tpu.memory_space<vmem>>
      %dma_start3A_469 = arith.constant 0 : i32
      %dma_start3A_470 = tpu.memref_slice %arg3[%squeeze3A_462, %dma_start3A_469] : memref<1000000x64xf32, #tpu.memory_space<hbm>> -> memref<1x64xf32, #tpu.memory_space<hbm>>
      %dma_start3A_471 = arith.constant 0 : i32
      %dma_start3A_472 = tpu.memref_slice %arg7[%add3A_466, %dma_start3A_471] : memref<400x64xf32, #tpu.memory_space<vmem>> -> memref<1x64xf32, #tpu.memory_space<vmem>>
      %dma_start3A_473 = arith.constant 0 : i32
      %dma_start3A_474 = tpu.memref_slice %arg3[%squeeze3A_462, %dma_start3A_473] : memref<1000000x64xf32, #tpu.memory_space<hbm>> -> memref<1x64xf32, #tpu.memory_space<hbm>>
      tpu.enqueue_dma source(%dma_start3A_474 : memref<1x64xf32, #tpu.memory_space<hbm>>) target(%dma_start3A_472 : memref<1x64xf32, #tpu.memory_space<vmem>>) target_semaphore(%arg11 : memref<!tpu.dma_semaphore, #tpu.memory_space<semaphore_mem>>)
      %slice3A_475 = vector.extract_strided_slice %get3A_322 {offsets = [11], sizes = [1], strides = [1]} : vector<16xi32> to vector<1xi32>
      %squeeze3A_476 = vector.extract %slice3A_475[0] : i32 from vector<1xi32>
      %mul3A_477 = arith.constant 16 : i32
      %mul3A_478 = arith.muli %scan3A_318, %mul3A_477 : i32
      %add3A_479 = arith.constant 11 : i32
      %add3A_480 = arith.addi %mul3A_478, %add3A_479 : i32
      %dma_start3A_481 = arith.constant 0 : i32
      %dma_start3A_482 = tpu.memref_slice %arg7[%add3A_480, %dma_start3A_481] : memref<400x64xf32, #tpu.memory_space<vmem>> -> memref<1x64xf32, #tpu.memory_space<vmem>>
      %dma_start3A_483 = arith.constant 0 : i32
      %dma_start3A_484 = tpu.memref_slice %arg3[%squeeze3A_476, %dma_start3A_483] : memref<1000000x64xf32, #tpu.memory_space<hbm>> -> memref<1x64xf32, #tpu.memory_space<hbm>>
      %dma_start3A_485 = arith.constant 0 : i32
      %dma_start3A_486 = tpu.memref_slice %arg7[%add3A_480, %dma_start3A_485] : memref<400x64xf32, #tpu.memory_space<vmem>> -> memref<1x64xf32, #tpu.memory_space<vmem>>
      %dma_start3A_487 = arith.constant 0 : i32
      %dma_start3A_488 = tpu.memref_slice %arg3[%squeeze3A_476, %dma_start3A_487] : memref<1000000x64xf32, #tpu.memory_space<hbm>> -> memref<1x64xf32, #tpu.memory_space<hbm>>
      tpu.enqueue_dma source(%dma_start3A_488 : memref<1x64xf32, #tpu.memory_space<hbm>>) target(%dma_start3A_486 : memref<1x64xf32, #tpu.memory_space<vmem>>) target_semaphore(%arg11 : memref<!tpu.dma_semaphore, #tpu.memory_space<semaphore_mem>>)
      %slice3A_489 = vector.extract_strided_slice %get3A_322 {offsets = [12], sizes = [1], strides = [1]} : vector<16xi32> to vector<1xi32>
      %squeeze3A_490 = vector.extract %slice3A_489[0] : i32 from vector<1xi32>
      %mul3A_491 = arith.constant 16 : i32
      %mul3A_492 = arith.muli %scan3A_318, %mul3A_491 : i32
      %add3A_493 = arith.constant 12 : i32
      %add3A_494 = arith.addi %mul3A_492, %add3A_493 : i32
      %dma_start3A_495 = arith.constant 0 : i32
      %dma_start3A_496 = tpu.memref_slice %arg7[%add3A_494, %dma_start3A_495] : memref<400x64xf32, #tpu.memory_space<vmem>> -> memref<1x64xf32, #tpu.memory_space<vmem>>
      %dma_start3A_497 = arith.constant 0 : i32
      %dma_start3A_498 = tpu.memref_slice %arg3[%squeeze3A_490, %dma_start3A_497] : memref<1000000x64xf32, #tpu.memory_space<hbm>> -> memref<1x64xf32, #tpu.memory_space<hbm>>
      %dma_start3A_499 = arith.constant 0 : i32
      %dma_start3A_500 = tpu.memref_slice %arg7[%add3A_494, %dma_start3A_499] : memref<400x64xf32, #tpu.memory_space<vmem>> -> memref<1x64xf32, #tpu.memory_space<vmem>>
      %dma_start3A_501 = arith.constant 0 : i32
      %dma_start3A_502 = tpu.memref_slice %arg3[%squeeze3A_490, %dma_start3A_501] : memref<1000000x64xf32, #tpu.memory_space<hbm>> -> memref<1x64xf32, #tpu.memory_space<hbm>>
      tpu.enqueue_dma source(%dma_start3A_502 : memref<1x64xf32, #tpu.memory_space<hbm>>) target(%dma_start3A_500 : memref<1x64xf32, #tpu.memory_space<vmem>>) target_semaphore(%arg11 : memref<!tpu.dma_semaphore, #tpu.memory_space<semaphore_mem>>)
      %slice3A_503 = vector.extract_strided_slice %get3A_322 {offsets = [13], sizes = [1], strides = [1]} : vector<16xi32> to vector<1xi32>
      %squeeze3A_504 = vector.extract %slice3A_503[0] : i32 from vector<1xi32>
      %mul3A_505 = arith.constant 16 : i32
      %mul3A_506 = arith.muli %scan3A_318, %mul3A_505 : i32
      %add3A_507 = arith.constant 13 : i32
      %add3A_508 = arith.addi %mul3A_506, %add3A_507 : i32
      %dma_start3A_509 = arith.constant 0 : i32
      %dma_start3A_510 = tpu.memref_slice %arg7[%add3A_508, %dma_start3A_509] : memref<400x64xf32, #tpu.memory_space<vmem>> -> memref<1x64xf32, #tpu.memory_space<vmem>>
      %dma_start3A_511 = arith.constant 0 : i32
      %dma_start3A_512 = tpu.memref_slice %arg3[%squeeze3A_504, %dma_start3A_511] : memref<1000000x64xf32, #tpu.memory_space<hbm>> -> memref<1x64xf32, #tpu.memory_space<hbm>>
      %dma_start3A_513 = arith.constant 0 : i32
      %dma_start3A_514 = tpu.memref_slice %arg7[%add3A_508, %dma_start3A_513] : memref<400x64xf32, #tpu.memory_space<vmem>> -> memref<1x64xf32, #tpu.memory_space<vmem>>
      %dma_start3A_515 = arith.constant 0 : i32
      %dma_start3A_516 = tpu.memref_slice %arg3[%squeeze3A_504, %dma_start3A_515] : memref<1000000x64xf32, #tpu.memory_space<hbm>> -> memref<1x64xf32, #tpu.memory_space<hbm>>
      tpu.enqueue_dma source(%dma_start3A_516 : memref<1x64xf32, #tpu.memory_space<hbm>>) target(%dma_start3A_514 : memref<1x64xf32, #tpu.memory_space<vmem>>) target_semaphore(%arg11 : memref<!tpu.dma_semaphore, #tpu.memory_space<semaphore_mem>>)
      %slice3A_517 = vector.extract_strided_slice %get3A_322 {offsets = [14], sizes = [1], strides = [1]} : vector<16xi32> to vector<1xi32>
      %squeeze3A_518 = vector.extract %slice3A_517[0] : i32 from vector<1xi32>
      %mul3A_519 = arith.constant 16 : i32
      %mul3A_520 = arith.muli %scan3A_318, %mul3A_519 : i32
      %add3A_521 = arith.constant 14 : i32
      %add3A_522 = arith.addi %mul3A_520, %add3A_521 : i32
      %dma_start3A_523 = arith.constant 0 : i32
      %dma_start3A_524 = tpu.memref_slice %arg7[%add3A_522, %dma_start3A_523] : memref<400x64xf32, #tpu.memory_space<vmem>> -> memref<1x64xf32, #tpu.memory_space<vmem>>
      %dma_start3A_525 = arith.constant 0 : i32
      %dma_start3A_526 = tpu.memref_slice %arg3[%squeeze3A_518, %dma_start3A_525] : memref<1000000x64xf32, #tpu.memory_space<hbm>> -> memref<1x64xf32, #tpu.memory_space<hbm>>
      %dma_start3A_527 = arith.constant 0 : i32
      %dma_start3A_528 = tpu.memref_slice %arg7[%add3A_522, %dma_start3A_527] : memref<400x64xf32, #tpu.memory_space<vmem>> -> memref<1x64xf32, #tpu.memory_space<vmem>>
      %dma_start3A_529 = arith.constant 0 : i32
      %dma_start3A_530 = tpu.memref_slice %arg3[%squeeze3A_518, %dma_start3A_529] : memref<1000000x64xf32, #tpu.memory_space<hbm>> -> memref<1x64xf32, #tpu.memory_space<hbm>>
      tpu.enqueue_dma source(%dma_start3A_530 : memref<1x64xf32, #tpu.memory_space<hbm>>) target(%dma_start3A_528 : memref<1x64xf32, #tpu.memory_space<vmem>>) target_semaphore(%arg11 : memref<!tpu.dma_semaphore, #tpu.memory_space<semaphore_mem>>)
      %slice3A_531 = vector.extract_strided_slice %get3A_322 {offsets = [15], sizes = [1], strides = [1]} : vector<16xi32> to vector<1xi32>
      %squeeze3A_532 = vector.extract %slice3A_531[0] : i32 from vector<1xi32>
      %mul3A_533 = arith.constant 16 : i32
      %mul3A_534 = arith.muli %scan3A_318, %mul3A_533 : i32
      %add3A_535 = arith.constant 15 : i32
      %add3A_536 = arith.addi %mul3A_534, %add3A_535 : i32
      %dma_start3A_537 = arith.constant 0 : i32
      %dma_start3A_538 = tpu.memref_slice %arg7[%add3A_536, %dma_start3A_537] : memref<400x64xf32, #tpu.memory_space<vmem>> -> memref<1x64xf32, #tpu.memory_space<vmem>>
      %dma_start3A_539 = arith.constant 0 : i32
      %dma_start3A_540 = tpu.memref_slice %arg3[%squeeze3A_532, %dma_start3A_539] : memref<1000000x64xf32, #tpu.memory_space<hbm>> -> memref<1x64xf32, #tpu.memory_space<hbm>>
      %dma_start3A_541 = arith.constant 0 : i32
      %dma_start3A_542 = tpu.memref_slice %arg7[%add3A_536, %dma_start3A_541] : memref<400x64xf32, #tpu.memory_space<vmem>> -> memref<1x64xf32, #tpu.memory_space<vmem>>
      %dma_start3A_543 = arith.constant 0 : i32
      %dma_start3A_544 = tpu.memref_slice %arg3[%squeeze3A_532, %dma_start3A_543] : memref<1000000x64xf32, #tpu.memory_space<hbm>> -> memref<1x64xf32, #tpu.memory_space<hbm>>
      tpu.enqueue_dma source(%dma_start3A_544 : memref<1x64xf32, #tpu.memory_space<hbm>>) target(%dma_start3A_542 : memref<1x64xf32, #tpu.memory_space<vmem>>) target_semaphore(%arg11 : memref<!tpu.dma_semaphore, #tpu.memory_space<semaphore_mem>>)
    }
    %scan3A_19 = arith.constant 25 : i32
    %add3A_20 = arith.constant 800 : i32
    %add3A_21 = arith.addi %mul3A_4, %add3A_20 : i32
    %dma_start3A_22 = tpu.memref_slice %arg2[%add3A_21] : memref<819200xi32, #tpu.memory_space<hbm>> -> memref<400xi32, #tpu.memory_space<hbm>>
    %dma_start3A_23 = tpu.memref_slice %arg2[%add3A_21] : memref<819200xi32, #tpu.memory_space<hbm>> -> memref<400xi32, #tpu.memory_space<hbm>>
    tpu.enqueue_dma source(%dma_start3A_23 : memref<400xi32, #tpu.memory_space<hbm>>) target(%arg5 : memref<400xi32, #tpu.memory_space<vmem>>) target_semaphore(%arg9 : memref<!tpu.dma_semaphore, #tpu.memory_space<semaphore_mem>>)
    %scan3A_24 = arith.constant 0 : i32
    %scan3A_25 = arith.constant 0 : i32
    %scan3A_26 = arith.constant 32 : i32
    %scan3A_27 = arith.addi %scan3A_25, %scan3A_26 : i32
    %scan3A_28 = arith.constant 1 : i32
    scf.for %scan3A_318 = %scan3A_25 to %scan3A_27 step %scan3A_28  : i32 {
      %mul3A_319 = arith.constant 2 : i32
      %mul3A_320 = arith.muli %mul3A_319, %scan3A_318 : i32
      %add3A_321 = arith.constant 0 : i32
      %add3A_322 = arith.addi %mul3A_320, %add3A_321 : i32
      %add3A_323 = arith.constant 1 : i32
      %add3A_324 = arith.addi %add3A_322, %add3A_323 : i32
      %lt3A = arith.constant 64 : i32
      %lt3A_325 = arith.cmpi slt, %add3A_324, %lt3A : i32
      %convert_element_type3A = arith.extui %lt3A_325 : i1 to i32
      %cond3A = arith.constant 0 : i32
      %cond3A_326 = arith.cmpi ne, %convert_element_type3A, %cond3A : i32
      scf.if %cond3A_326 {
        %ge3A = arith.constant 1 : i32
        %ge3A_654 = arith.cmpi sge, %add3A_322, %ge3A : i32
        %convert_element_type3A_655 = arith.extui %ge3A_654 : i1 to i32
        %cond3A_656 = arith.constant 0 : i32
        %cond3A_657 = arith.cmpi ne, %convert_element_type3A_655, %cond3A_656 : i32
        scf.if %cond3A_657 {
          %sub3A = arith.constant 1 : i32
          %sub3A_678 = arith.subi %add3A_322, %sub3A : i32
          %mul3A_679 = arith.constant 8 : i32
          %mul3A_680 = arith.muli %sub3A_678, %mul3A_679 : i32
          %add3A_681 = arith.addi %mul3A_2, %mul3A_680 : i32
          %add3A_682 = arith.constant 0 : i32
          %add3A_683 = arith.addi %add3A_681, %add3A_682 : i32
          %dma_wait3A_684 = arith.constant 0 : i32
          %dma_wait3A_685 = arith.constant 0 : i32
          %dma_wait3A_686 = tpu.memref_slice %arg8[%dma_wait3A_684, %dma_wait3A_685] : memref<400x64xf32, #tpu.memory_space<vmem>> -> memref<50x64xf32, #tpu.memory_space<vmem>>
          %dma_wait3A_687 = arith.constant 0 : i32
          %dma_wait3A_688 = arith.constant 0 : i32
          %dma_wait3A_689 = tpu.memref_slice %arg4[%add3A_683, %dma_wait3A_687, %dma_wait3A_688] : memref<16384x50x64xf32, #tpu.memory_space<hbm>> -> memref<1x50x64xf32, #tpu.memory_space<hbm>>
          %dma_wait3A_690 = tpu.memref_squeeze %dma_wait3A_689 : memref<1x50x64xf32, #tpu.memory_space<hbm>> -> memref<50x64xf32, #tpu.memory_space<hbm>>
          %dma_wait3A_691 = arith.constant 0 : i32
          %dma_wait3A_692 = arith.constant 0 : i32
          %dma_wait3A_693 = tpu.memref_slice %arg4[%add3A_683, %dma_wait3A_691, %dma_wait3A_692] : memref<16384x50x64xf32, #tpu.memory_space<hbm>> -> memref<1x50x64xf32, #tpu.memory_space<hbm>>
          %dma_wait3A_694 = tpu.memref_squeeze %dma_wait3A_693 : memref<1x50x64xf32, #tpu.memory_space<hbm>> -> memref<50x64xf32, #tpu.memory_space<hbm>>
          %dma_wait3A_695 = arith.constant 0 : i32
          %dma_wait3A_696 = arith.constant 0 : i32
          %dma_wait3A_697 = tpu.memref_slice %arg8[%dma_wait3A_695, %dma_wait3A_696] : memref<400x64xf32, #tpu.memory_space<vmem>> -> memref<50x64xf32, #tpu.memory_space<vmem>>
          tpu.wait_dma2 semaphore(%arg14 : memref<!tpu.dma_semaphore, #tpu.memory_space<semaphore_mem>>) src(%dma_wait3A_697 : memref<50x64xf32, #tpu.memory_space<vmem>>) dst(%dma_wait3A_694 : memref<50x64xf32, #tpu.memory_space<hbm>>)
          %mul3A_698 = arith.constant 8 : i32
          %mul3A_699 = arith.muli %sub3A_678, %mul3A_698 : i32
          %add3A_700 = arith.addi %mul3A_2, %mul3A_699 : i32
          %add3A_701 = arith.constant 1 : i32
          %add3A_702 = arith.addi %add3A_700, %add3A_701 : i32
          %dma_wait3A_703 = arith.constant 50 : i32
          %dma_wait3A_704 = arith.constant 0 : i32
          %dma_wait3A_705 = tpu.memref_slice %arg8[%dma_wait3A_703, %dma_wait3A_704] : memref<400x64xf32, #tpu.memory_space<vmem>> -> memref<50x64xf32, #tpu.memory_space<vmem>>
          %dma_wait3A_706 = arith.constant 0 : i32
          %dma_wait3A_707 = arith.constant 0 : i32
          %dma_wait3A_708 = tpu.memref_slice %arg4[%add3A_702, %dma_wait3A_706, %dma_wait3A_707] : memref<16384x50x64xf32, #tpu.memory_space<hbm>> -> memref<1x50x64xf32, #tpu.memory_space<hbm>>
          %dma_wait3A_709 = tpu.memref_squeeze %dma_wait3A_708 : memref<1x50x64xf32, #tpu.memory_space<hbm>> -> memref<50x64xf32, #tpu.memory_space<hbm>>
          %dma_wait3A_710 = arith.constant 0 : i32
          %dma_wait3A_711 = arith.constant 0 : i32
          %dma_wait3A_712 = tpu.memref_slice %arg4[%add3A_702, %dma_wait3A_710, %dma_wait3A_711] : memref<16384x50x64xf32, #tpu.memory_space<hbm>> -> memref<1x50x64xf32, #tpu.memory_space<hbm>>
          %dma_wait3A_713 = tpu.memref_squeeze %dma_wait3A_712 : memref<1x50x64xf32, #tpu.memory_space<hbm>> -> memref<50x64xf32, #tpu.memory_space<hbm>>
          %dma_wait3A_714 = arith.constant 50 : i32
          %dma_wait3A_715 = arith.constant 0 : i32
          %dma_wait3A_716 = tpu.memref_slice %arg8[%dma_wait3A_714, %dma_wait3A_715] : memref<400x64xf32, #tpu.memory_space<vmem>> -> memref<50x64xf32, #tpu.memory_space<vmem>>
          tpu.wait_dma2 semaphore(%arg14 : memref<!tpu.dma_semaphore, #tpu.memory_space<semaphore_mem>>) src(%dma_wait3A_716 : memref<50x64xf32, #tpu.memory_space<vmem>>) dst(%dma_wait3A_713 : memref<50x64xf32, #tpu.memory_space<hbm>>)
          %mul3A_717 = arith.constant 8 : i32
          %mul3A_718 = arith.muli %sub3A_678, %mul3A_717 : i32
          %add3A_719 = arith.addi %mul3A_2, %mul3A_718 : i32
          %add3A_720 = arith.constant 2 : i32
          %add3A_721 = arith.addi %add3A_719, %add3A_720 : i32
          %dma_wait3A_722 = arith.constant 100 : i32
          %dma_wait3A_723 = arith.constant 0 : i32
          %dma_wait3A_724 = tpu.memref_slice %arg8[%dma_wait3A_722, %dma_wait3A_723] : memref<400x64xf32, #tpu.memory_space<vmem>> -> memref<50x64xf32, #tpu.memory_space<vmem>>
          %dma_wait3A_725 = arith.constant 0 : i32
          %dma_wait3A_726 = arith.constant 0 : i32
          %dma_wait3A_727 = tpu.memref_slice %arg4[%add3A_721, %dma_wait3A_725, %dma_wait3A_726] : memref<16384x50x64xf32, #tpu.memory_space<hbm>> -> memref<1x50x64xf32, #tpu.memory_space<hbm>>
          %dma_wait3A_728 = tpu.memref_squeeze %dma_wait3A_727 : memref<1x50x64xf32, #tpu.memory_space<hbm>> -> memref<50x64xf32, #tpu.memory_space<hbm>>
          %dma_wait3A_729 = arith.constant 0 : i32
          %dma_wait3A_730 = arith.constant 0 : i32
          %dma_wait3A_731 = tpu.memref_slice %arg4[%add3A_721, %dma_wait3A_729, %dma_wait3A_730] : memref<16384x50x64xf32, #tpu.memory_space<hbm>> -> memref<1x50x64xf32, #tpu.memory_space<hbm>>
          %dma_wait3A_732 = tpu.memref_squeeze %dma_wait3A_731 : memref<1x50x64xf32, #tpu.memory_space<hbm>> -> memref<50x64xf32, #tpu.memory_space<hbm>>
          %dma_wait3A_733 = arith.constant 100 : i32
          %dma_wait3A_734 = arith.constant 0 : i32
          %dma_wait3A_735 = tpu.memref_slice %arg8[%dma_wait3A_733, %dma_wait3A_734] : memref<400x64xf32, #tpu.memory_space<vmem>> -> memref<50x64xf32, #tpu.memory_space<vmem>>
          tpu.wait_dma2 semaphore(%arg14 : memref<!tpu.dma_semaphore, #tpu.memory_space<semaphore_mem>>) src(%dma_wait3A_735 : memref<50x64xf32, #tpu.memory_space<vmem>>) dst(%dma_wait3A_732 : memref<50x64xf32, #tpu.memory_space<hbm>>)
          %mul3A_736 = arith.constant 8 : i32
          %mul3A_737 = arith.muli %sub3A_678, %mul3A_736 : i32
          %add3A_738 = arith.addi %mul3A_2, %mul3A_737 : i32
          %add3A_739 = arith.constant 3 : i32
          %add3A_740 = arith.addi %add3A_738, %add3A_739 : i32
          %dma_wait3A_741 = arith.constant 150 : i32
          %dma_wait3A_742 = arith.constant 0 : i32
          %dma_wait3A_743 = tpu.memref_slice %arg8[%dma_wait3A_741, %dma_wait3A_742] : memref<400x64xf32, #tpu.memory_space<vmem>> -> memref<50x64xf32, #tpu.memory_space<vmem>>
          %dma_wait3A_744 = arith.constant 0 : i32
          %dma_wait3A_745 = arith.constant 0 : i32
          %dma_wait3A_746 = tpu.memref_slice %arg4[%add3A_740, %dma_wait3A_744, %dma_wait3A_745] : memref<16384x50x64xf32, #tpu.memory_space<hbm>> -> memref<1x50x64xf32, #tpu.memory_space<hbm>>
          %dma_wait3A_747 = tpu.memref_squeeze %dma_wait3A_746 : memref<1x50x64xf32, #tpu.memory_space<hbm>> -> memref<50x64xf32, #tpu.memory_space<hbm>>
          %dma_wait3A_748 = arith.constant 0 : i32
          %dma_wait3A_749 = arith.constant 0 : i32
          %dma_wait3A_750 = tpu.memref_slice %arg4[%add3A_740, %dma_wait3A_748, %dma_wait3A_749] : memref<16384x50x64xf32, #tpu.memory_space<hbm>> -> memref<1x50x64xf32, #tpu.memory_space<hbm>>
          %dma_wait3A_751 = tpu.memref_squeeze %dma_wait3A_750 : memref<1x50x64xf32, #tpu.memory_space<hbm>> -> memref<50x64xf32, #tpu.memory_space<hbm>>
          %dma_wait3A_752 = arith.constant 150 : i32
          %dma_wait3A_753 = arith.constant 0 : i32
          %dma_wait3A_754 = tpu.memref_slice %arg8[%dma_wait3A_752, %dma_wait3A_753] : memref<400x64xf32, #tpu.memory_space<vmem>> -> memref<50x64xf32, #tpu.memory_space<vmem>>
          tpu.wait_dma2 semaphore(%arg14 : memref<!tpu.dma_semaphore, #tpu.memory_space<semaphore_mem>>) src(%dma_wait3A_754 : memref<50x64xf32, #tpu.memory_space<vmem>>) dst(%dma_wait3A_751 : memref<50x64xf32, #tpu.memory_space<hbm>>)
          %mul3A_755 = arith.constant 8 : i32
          %mul3A_756 = arith.muli %sub3A_678, %mul3A_755 : i32
          %add3A_757 = arith.addi %mul3A_2, %mul3A_756 : i32
          %add3A_758 = arith.constant 4 : i32
          %add3A_759 = arith.addi %add3A_757, %add3A_758 : i32
          %dma_wait3A_760 = arith.constant 200 : i32
          %dma_wait3A_761 = arith.constant 0 : i32
          %dma_wait3A_762 = tpu.memref_slice %arg8[%dma_wait3A_760, %dma_wait3A_761] : memref<400x64xf32, #tpu.memory_space<vmem>> -> memref<50x64xf32, #tpu.memory_space<vmem>>
          %dma_wait3A_763 = arith.constant 0 : i32
          %dma_wait3A_764 = arith.constant 0 : i32
          %dma_wait3A_765 = tpu.memref_slice %arg4[%add3A_759, %dma_wait3A_763, %dma_wait3A_764] : memref<16384x50x64xf32, #tpu.memory_space<hbm>> -> memref<1x50x64xf32, #tpu.memory_space<hbm>>
          %dma_wait3A_766 = tpu.memref_squeeze %dma_wait3A_765 : memref<1x50x64xf32, #tpu.memory_space<hbm>> -> memref<50x64xf32, #tpu.memory_space<hbm>>
          %dma_wait3A_767 = arith.constant 0 : i32
          %dma_wait3A_768 = arith.constant 0 : i32
          %dma_wait3A_769 = tpu.memref_slice %arg4[%add3A_759, %dma_wait3A_767, %dma_wait3A_768] : memref<16384x50x64xf32, #tpu.memory_space<hbm>> -> memref<1x50x64xf32, #tpu.memory_space<hbm>>
          %dma_wait3A_770 = tpu.memref_squeeze %dma_wait3A_769 : memref<1x50x64xf32, #tpu.memory_space<hbm>> -> memref<50x64xf32, #tpu.memory_space<hbm>>
          %dma_wait3A_771 = arith.constant 200 : i32
          %dma_wait3A_772 = arith.constant 0 : i32
          %dma_wait3A_773 = tpu.memref_slice %arg8[%dma_wait3A_771, %dma_wait3A_772] : memref<400x64xf32, #tpu.memory_space<vmem>> -> memref<50x64xf32, #tpu.memory_space<vmem>>
          tpu.wait_dma2 semaphore(%arg14 : memref<!tpu.dma_semaphore, #tpu.memory_space<semaphore_mem>>) src(%dma_wait3A_773 : memref<50x64xf32, #tpu.memory_space<vmem>>) dst(%dma_wait3A_770 : memref<50x64xf32, #tpu.memory_space<hbm>>)
          %mul3A_774 = arith.constant 8 : i32
          %mul3A_775 = arith.muli %sub3A_678, %mul3A_774 : i32
          %add3A_776 = arith.addi %mul3A_2, %mul3A_775 : i32
          %add3A_777 = arith.constant 5 : i32
          %add3A_778 = arith.addi %add3A_776, %add3A_777 : i32
          %dma_wait3A_779 = arith.constant 250 : i32
          %dma_wait3A_780 = arith.constant 0 : i32
          %dma_wait3A_781 = tpu.memref_slice %arg8[%dma_wait3A_779, %dma_wait3A_780] : memref<400x64xf32, #tpu.memory_space<vmem>> -> memref<50x64xf32, #tpu.memory_space<vmem>>
          %dma_wait3A_782 = arith.constant 0 : i32
          %dma_wait3A_783 = arith.constant 0 : i32
          %dma_wait3A_784 = tpu.memref_slice %arg4[%add3A_778, %dma_wait3A_782, %dma_wait3A_783] : memref<16384x50x64xf32, #tpu.memory_space<hbm>> -> memref<1x50x64xf32, #tpu.memory_space<hbm>>
          %dma_wait3A_785 = tpu.memref_squeeze %dma_wait3A_784 : memref<1x50x64xf32, #tpu.memory_space<hbm>> -> memref<50x64xf32, #tpu.memory_space<hbm>>
          %dma_wait3A_786 = arith.constant 0 : i32
          %dma_wait3A_787 = arith.constant 0 : i32
          %dma_wait3A_788 = tpu.memref_slice %arg4[%add3A_778, %dma_wait3A_786, %dma_wait3A_787] : memref<16384x50x64xf32, #tpu.memory_space<hbm>> -> memref<1x50x64xf32, #tpu.memory_space<hbm>>
          %dma_wait3A_789 = tpu.memref_squeeze %dma_wait3A_788 : memref<1x50x64xf32, #tpu.memory_space<hbm>> -> memref<50x64xf32, #tpu.memory_space<hbm>>
          %dma_wait3A_790 = arith.constant 250 : i32
          %dma_wait3A_791 = arith.constant 0 : i32
          %dma_wait3A_792 = tpu.memref_slice %arg8[%dma_wait3A_790, %dma_wait3A_791] : memref<400x64xf32, #tpu.memory_space<vmem>> -> memref<50x64xf32, #tpu.memory_space<vmem>>
          tpu.wait_dma2 semaphore(%arg14 : memref<!tpu.dma_semaphore, #tpu.memory_space<semaphore_mem>>) src(%dma_wait3A_792 : memref<50x64xf32, #tpu.memory_space<vmem>>) dst(%dma_wait3A_789 : memref<50x64xf32, #tpu.memory_space<hbm>>)
          %mul3A_793 = arith.constant 8 : i32
          %mul3A_794 = arith.muli %sub3A_678, %mul3A_793 : i32
          %add3A_795 = arith.addi %mul3A_2, %mul3A_794 : i32
          %add3A_796 = arith.constant 6 : i32
          %add3A_797 = arith.addi %add3A_795, %add3A_796 : i32
          %dma_wait3A_798 = arith.constant 300 : i32
          %dma_wait3A_799 = arith.constant 0 : i32
          %dma_wait3A_800 = tpu.memref_slice %arg8[%dma_wait3A_798, %dma_wait3A_799] : memref<400x64xf32, #tpu.memory_space<vmem>> -> memref<50x64xf32, #tpu.memory_space<vmem>>
          %dma_wait3A_801 = arith.constant 0 : i32
          %dma_wait3A_802 = arith.constant 0 : i32
          %dma_wait3A_803 = tpu.memref_slice %arg4[%add3A_797, %dma_wait3A_801, %dma_wait3A_802] : memref<16384x50x64xf32, #tpu.memory_space<hbm>> -> memref<1x50x64xf32, #tpu.memory_space<hbm>>
          %dma_wait3A_804 = tpu.memref_squeeze %dma_wait3A_803 : memref<1x50x64xf32, #tpu.memory_space<hbm>> -> memref<50x64xf32, #tpu.memory_space<hbm>>
          %dma_wait3A_805 = arith.constant 0 : i32
          %dma_wait3A_806 = arith.constant 0 : i32
          %dma_wait3A_807 = tpu.memref_slice %arg4[%add3A_797, %dma_wait3A_805, %dma_wait3A_806] : memref<16384x50x64xf32, #tpu.memory_space<hbm>> -> memref<1x50x64xf32, #tpu.memory_space<hbm>>
          %dma_wait3A_808 = tpu.memref_squeeze %dma_wait3A_807 : memref<1x50x64xf32, #tpu.memory_space<hbm>> -> memref<50x64xf32, #tpu.memory_space<hbm>>
          %dma_wait3A_809 = arith.constant 300 : i32
          %dma_wait3A_810 = arith.constant 0 : i32
          %dma_wait3A_811 = tpu.memref_slice %arg8[%dma_wait3A_809, %dma_wait3A_810] : memref<400x64xf32, #tpu.memory_space<vmem>> -> memref<50x64xf32, #tpu.memory_space<vmem>>
          tpu.wait_dma2 semaphore(%arg14 : memref<!tpu.dma_semaphore, #tpu.memory_space<semaphore_mem>>) src(%dma_wait3A_811 : memref<50x64xf32, #tpu.memory_space<vmem>>) dst(%dma_wait3A_808 : memref<50x64xf32, #tpu.memory_space<hbm>>)
          %mul3A_812 = arith.constant 8 : i32
          %mul3A_813 = arith.muli %sub3A_678, %mul3A_812 : i32
          %add3A_814 = arith.addi %mul3A_2, %mul3A_813 : i32
          %add3A_815 = arith.constant 7 : i32
          %add3A_816 = arith.addi %add3A_814, %add3A_815 : i32
          %dma_wait3A_817 = arith.constant 350 : i32
          %dma_wait3A_818 = arith.constant 0 : i32
          %dma_wait3A_819 = tpu.memref_slice %arg8[%dma_wait3A_817, %dma_wait3A_818] : memref<400x64xf32, #tpu.memory_space<vmem>> -> memref<50x64xf32, #tpu.memory_space<vmem>>
          %dma_wait3A_820 = arith.constant 0 : i32
          %dma_wait3A_821 = arith.constant 0 : i32
          %dma_wait3A_822 = tpu.memref_slice %arg4[%add3A_816, %dma_wait3A_820, %dma_wait3A_821] : memref<16384x50x64xf32, #tpu.memory_space<hbm>> -> memref<1x50x64xf32, #tpu.memory_space<hbm>>
          %dma_wait3A_823 = tpu.memref_squeeze %dma_wait3A_822 : memref<1x50x64xf32, #tpu.memory_space<hbm>> -> memref<50x64xf32, #tpu.memory_space<hbm>>
          %dma_wait3A_824 = arith.constant 0 : i32
          %dma_wait3A_825 = arith.constant 0 : i32
          %dma_wait3A_826 = tpu.memref_slice %arg4[%add3A_816, %dma_wait3A_824, %dma_wait3A_825] : memref<16384x50x64xf32, #tpu.memory_space<hbm>> -> memref<1x50x64xf32, #tpu.memory_space<hbm>>
          %dma_wait3A_827 = tpu.memref_squeeze %dma_wait3A_826 : memref<1x50x64xf32, #tpu.memory_space<hbm>> -> memref<50x64xf32, #tpu.memory_space<hbm>>
          %dma_wait3A_828 = arith.constant 350 : i32
          %dma_wait3A_829 = arith.constant 0 : i32
          %dma_wait3A_830 = tpu.memref_slice %arg8[%dma_wait3A_828, %dma_wait3A_829] : memref<400x64xf32, #tpu.memory_space<vmem>> -> memref<50x64xf32, #tpu.memory_space<vmem>>
          tpu.wait_dma2 semaphore(%arg14 : memref<!tpu.dma_semaphore, #tpu.memory_space<semaphore_mem>>) src(%dma_wait3A_830 : memref<50x64xf32, #tpu.memory_space<vmem>>) dst(%dma_wait3A_827 : memref<50x64xf32, #tpu.memory_space<hbm>>)
        } else {
        }
        %add3A_658 = arith.constant 1 : i32
        %add3A_659 = arith.addi %add3A_322, %add3A_658 : i32
        %mul3A_660 = arith.constant 400 : i32
        %mul3A_661 = arith.muli %add3A_659, %mul3A_660 : i32
        %add3A_662 = arith.addi %mul3A_4, %mul3A_661 : i32
        %dma_wait3A_663 = tpu.memref_slice %arg2[%add3A_662] : memref<819200xi32, #tpu.memory_space<hbm>> -> memref<400xi32, #tpu.memory_space<hbm>>
        %dma_wait3A_664 = tpu.memref_slice %arg2[%add3A_662] : memref<819200xi32, #tpu.memory_space<hbm>> -> memref<400xi32, #tpu.memory_space<hbm>>
        tpu.wait_dma2 semaphore(%arg10 : memref<!tpu.dma_semaphore, #tpu.memory_space<semaphore_mem>>) src(%dma_wait3A_664 : memref<400xi32, #tpu.memory_space<hbm>>) dst(%arg6 : memref<400xi32, #tpu.memory_space<vmem>>)
        %scan3A_665 = arith.constant 0 : i32
        %scan3A_666 = arith.constant 0 : i32
        %scan3A_667 = arith.constant 25 : i32
        %scan3A_668 = arith.addi %scan3A_666, %scan3A_667 : i32
        %scan3A_669 = arith.constant 1 : i32
        scf.for %scan3A_678 = %scan3A_666 to %scan3A_668 step %scan3A_669  : i32 {
          %mul3A_679 = arith.constant 16 : i32
          %mul3A_680 = arith.muli %scan3A_678, %mul3A_679 : i32
          %get3A = arith.index_cast %mul3A_680 : i32 to index
          %get3A_681 = tpu.vector_load %arg6[%get3A] {strides = array<i32>} : memref<400xi32, #tpu.memory_space<vmem>>, vector<16xi32>,
          %get3A_682 = vector.shape_cast %get3A_681 : vector<16xi32> to vector<16xi32>
          %slice3A = vector.extract_strided_slice %get3A_682 {offsets = [0], sizes = [1], strides = [1]} : vector<16xi32> to vector<1xi32>
          %squeeze3A = vector.extract %slice3A[0] : i32 from vector<1xi32>
          %mul3A_683 = arith.constant 16 : i32
          %mul3A_684 = arith.muli %scan3A_678, %mul3A_683 : i32
          %add3A_685 = arith.constant 0 : i32
          %add3A_686 = arith.addi %mul3A_684, %add3A_685 : i32
          %dma_start3A_687 = arith.constant 0 : i32
          %dma_start3A_688 = tpu.memref_slice %arg8[%add3A_686, %dma_start3A_687] : memref<400x64xf32, #tpu.memory_space<vmem>> -> memref<1x64xf32, #tpu.memory_space<vmem>>
          %dma_start3A_689 = arith.constant 0 : i32
          %dma_start3A_690 = tpu.memref_slice %arg3[%squeeze3A, %dma_start3A_689] : memref<1000000x64xf32, #tpu.memory_space<hbm>> -> memref<1x64xf32, #tpu.memory_space<hbm>>
          %dma_start3A_691 = arith.constant 0 : i32
          %dma_start3A_692 = tpu.memref_slice %arg8[%add3A_686, %dma_start3A_691] : memref<400x64xf32, #tpu.memory_space<vmem>> -> memref<1x64xf32, #tpu.memory_space<vmem>>
          %dma_start3A_693 = arith.constant 0 : i32
          %dma_start3A_694 = tpu.memref_slice %arg3[%squeeze3A, %dma_start3A_693] : memref<1000000x64xf32, #tpu.memory_space<hbm>> -> memref<1x64xf32, #tpu.memory_space<hbm>>
          tpu.enqueue_dma source(%dma_start3A_694 : memref<1x64xf32, #tpu.memory_space<hbm>>) target(%dma_start3A_692 : memref<1x64xf32, #tpu.memory_space<vmem>>) target_semaphore(%arg12 : memref<!tpu.dma_semaphore, #tpu.memory_space<semaphore_mem>>)
          %slice3A_695 = vector.extract_strided_slice %get3A_682 {offsets = [1], sizes = [1], strides = [1]} : vector<16xi32> to vector<1xi32>
          %squeeze3A_696 = vector.extract %slice3A_695[0] : i32 from vector<1xi32>
          %mul3A_697 = arith.constant 16 : i32
          %mul3A_698 = arith.muli %scan3A_678, %mul3A_697 : i32
          %add3A_699 = arith.constant 1 : i32
          %add3A_700 = arith.addi %mul3A_698, %add3A_699 : i32
          %dma_start3A_701 = arith.constant 0 : i32
          %dma_start3A_702 = tpu.memref_slice %arg8[%add3A_700, %dma_start3A_701] : memref<400x64xf32, #tpu.memory_space<vmem>> -> memref<1x64xf32, #tpu.memory_space<vmem>>
          %dma_start3A_703 = arith.constant 0 : i32
          %dma_start3A_704 = tpu.memref_slice %arg3[%squeeze3A_696, %dma_start3A_703] : memref<1000000x64xf32, #tpu.memory_space<hbm>> -> memref<1x64xf32, #tpu.memory_space<hbm>>
          %dma_start3A_705 = arith.constant 0 : i32
          %dma_start3A_706 = tpu.memref_slice %arg8[%add3A_700, %dma_start3A_705] : memref<400x64xf32, #tpu.memory_space<vmem>> -> memref<1x64xf32, #tpu.memory_space<vmem>>
          %dma_start3A_707 = arith.constant 0 : i32
          %dma_start3A_708 = tpu.memref_slice %arg3[%squeeze3A_696, %dma_start3A_707] : memref<1000000x64xf32, #tpu.memory_space<hbm>> -> memref<1x64xf32, #tpu.memory_space<hbm>>
          tpu.enqueue_dma source(%dma_start3A_708 : memref<1x64xf32, #tpu.memory_space<hbm>>) target(%dma_start3A_706 : memref<1x64xf32, #tpu.memory_space<vmem>>) target_semaphore(%arg12 : memref<!tpu.dma_semaphore, #tpu.memory_space<semaphore_mem>>)
          %slice3A_709 = vector.extract_strided_slice %get3A_682 {offsets = [2], sizes = [1], strides = [1]} : vector<16xi32> to vector<1xi32>
          %squeeze3A_710 = vector.extract %slice3A_709[0] : i32 from vector<1xi32>
          %mul3A_711 = arith.constant 16 : i32
          %mul3A_712 = arith.muli %scan3A_678, %mul3A_711 : i32
          %add3A_713 = arith.constant 2 : i32
          %add3A_714 = arith.addi %mul3A_712, %add3A_713 : i32
          %dma_start3A_715 = arith.constant 0 : i32
          %dma_start3A_716 = tpu.memref_slice %arg8[%add3A_714, %dma_start3A_715] : memref<400x64xf32, #tpu.memory_space<vmem>> -> memref<1x64xf32, #tpu.memory_space<vmem>>
          %dma_start3A_717 = arith.constant 0 : i32
          %dma_start3A_718 = tpu.memref_slice %arg3[%squeeze3A_710, %dma_start3A_717] : memref<1000000x64xf32, #tpu.memory_space<hbm>> -> memref<1x64xf32, #tpu.memory_space<hbm>>
          %dma_start3A_719 = arith.constant 0 : i32
          %dma_start3A_720 = tpu.memref_slice %arg8[%add3A_714, %dma_start3A_719] : memref<400x64xf32, #tpu.memory_space<vmem>> -> memref<1x64xf32, #tpu.memory_space<vmem>>
          %dma_start3A_721 = arith.constant 0 : i32
          %dma_start3A_722 = tpu.memref_slice %arg3[%squeeze3A_710, %dma_start3A_721] : memref<1000000x64xf32, #tpu.memory_space<hbm>> -> memref<1x64xf32, #tpu.memory_space<hbm>>
          tpu.enqueue_dma source(%dma_start3A_722 : memref<1x64xf32, #tpu.memory_space<hbm>>) target(%dma_start3A_720 : memref<1x64xf32, #tpu.memory_space<vmem>>) target_semaphore(%arg12 : memref<!tpu.dma_semaphore, #tpu.memory_space<semaphore_mem>>)
          %slice3A_723 = vector.extract_strided_slice %get3A_682 {offsets = [3], sizes = [1], strides = [1]} : vector<16xi32> to vector<1xi32>
          %squeeze3A_724 = vector.extract %slice3A_723[0] : i32 from vector<1xi32>
          %mul3A_725 = arith.constant 16 : i32
          %mul3A_726 = arith.muli %scan3A_678, %mul3A_725 : i32
          %add3A_727 = arith.constant 3 : i32
          %add3A_728 = arith.addi %mul3A_726, %add3A_727 : i32
          %dma_start3A_729 = arith.constant 0 : i32
          %dma_start3A_730 = tpu.memref_slice %arg8[%add3A_728, %dma_start3A_729] : memref<400x64xf32, #tpu.memory_space<vmem>> -> memref<1x64xf32, #tpu.memory_space<vmem>>
          %dma_start3A_731 = arith.constant 0 : i32
          %dma_start3A_732 = tpu.memref_slice %arg3[%squeeze3A_724, %dma_start3A_731] : memref<1000000x64xf32, #tpu.memory_space<hbm>> -> memref<1x64xf32, #tpu.memory_space<hbm>>
          %dma_start3A_733 = arith.constant 0 : i32
          %dma_start3A_734 = tpu.memref_slice %arg8[%add3A_728, %dma_start3A_733] : memref<400x64xf32, #tpu.memory_space<vmem>> -> memref<1x64xf32, #tpu.memory_space<vmem>>
          %dma_start3A_735 = arith.constant 0 : i32
          %dma_start3A_736 = tpu.memref_slice %arg3[%squeeze3A_724, %dma_start3A_735] : memref<1000000x64xf32, #tpu.memory_space<hbm>> -> memref<1x64xf32, #tpu.memory_space<hbm>>
          tpu.enqueue_dma source(%dma_start3A_736 : memref<1x64xf32, #tpu.memory_space<hbm>>) target(%dma_start3A_734 : memref<1x64xf32, #tpu.memory_space<vmem>>) target_semaphore(%arg12 : memref<!tpu.dma_semaphore, #tpu.memory_space<semaphore_mem>>)
          %slice3A_737 = vector.extract_strided_slice %get3A_682 {offsets = [4], sizes = [1], strides = [1]} : vector<16xi32> to vector<1xi32>
          %squeeze3A_738 = vector.extract %slice3A_737[0] : i32 from vector<1xi32>
          %mul3A_739 = arith.constant 16 : i32
          %mul3A_740 = arith.muli %scan3A_678, %mul3A_739 : i32
          %add3A_741 = arith.constant 4 : i32
          %add3A_742 = arith.addi %mul3A_740, %add3A_741 : i32
          %dma_start3A_743 = arith.constant 0 : i32
          %dma_start3A_744 = tpu.memref_slice %arg8[%add3A_742, %dma_start3A_743] : memref<400x64xf32, #tpu.memory_space<vmem>> -> memref<1x64xf32, #tpu.memory_space<vmem>>
          %dma_start3A_745 = arith.constant 0 : i32
          %dma_start3A_746 = tpu.memref_slice %arg3[%squeeze3A_738, %dma_start3A_745] : memref<1000000x64xf32, #tpu.memory_space<hbm>> -> memref<1x64xf32, #tpu.memory_space<hbm>>
          %dma_start3A_747 = arith.constant 0 : i32
          %dma_start3A_748 = tpu.memref_slice %arg8[%add3A_742, %dma_start3A_747] : memref<400x64xf32, #tpu.memory_space<vmem>> -> memref<1x64xf32, #tpu.memory_space<vmem>>
          %dma_start3A_749 = arith.constant 0 : i32
          %dma_start3A_750 = tpu.memref_slice %arg3[%squeeze3A_738, %dma_start3A_749] : memref<1000000x64xf32, #tpu.memory_space<hbm>> -> memref<1x64xf32, #tpu.memory_space<hbm>>
          tpu.enqueue_dma source(%dma_start3A_750 : memref<1x64xf32, #tpu.memory_space<hbm>>) target(%dma_start3A_748 : memref<1x64xf32, #tpu.memory_space<vmem>>) target_semaphore(%arg12 : memref<!tpu.dma_semaphore, #tpu.memory_space<semaphore_mem>>)
          %slice3A_751 = vector.extract_strided_slice %get3A_682 {offsets = [5], sizes = [1], strides = [1]} : vector<16xi32> to vector<1xi32>
          %squeeze3A_752 = vector.extract %slice3A_751[0] : i32 from vector<1xi32>
          %mul3A_753 = arith.constant 16 : i32
          %mul3A_754 = arith.muli %scan3A_678, %mul3A_753 : i32
          %add3A_755 = arith.constant 5 : i32
          %add3A_756 = arith.addi %mul3A_754, %add3A_755 : i32
          %dma_start3A_757 = arith.constant 0 : i32
          %dma_start3A_758 = tpu.memref_slice %arg8[%add3A_756, %dma_start3A_757] : memref<400x64xf32, #tpu.memory_space<vmem>> -> memref<1x64xf32, #tpu.memory_space<vmem>>
          %dma_start3A_759 = arith.constant 0 : i32
          %dma_start3A_760 = tpu.memref_slice %arg3[%squeeze3A_752, %dma_start3A_759] : memref<1000000x64xf32, #tpu.memory_space<hbm>> -> memref<1x64xf32, #tpu.memory_space<hbm>>
          %dma_start3A_761 = arith.constant 0 : i32
          %dma_start3A_762 = tpu.memref_slice %arg8[%add3A_756, %dma_start3A_761] : memref<400x64xf32, #tpu.memory_space<vmem>> -> memref<1x64xf32, #tpu.memory_space<vmem>>
          %dma_start3A_763 = arith.constant 0 : i32
          %dma_start3A_764 = tpu.memref_slice %arg3[%squeeze3A_752, %dma_start3A_763] : memref<1000000x64xf32, #tpu.memory_space<hbm>> -> memref<1x64xf32, #tpu.memory_space<hbm>>
          tpu.enqueue_dma source(%dma_start3A_764 : memref<1x64xf32, #tpu.memory_space<hbm>>) target(%dma_start3A_762 : memref<1x64xf32, #tpu.memory_space<vmem>>) target_semaphore(%arg12 : memref<!tpu.dma_semaphore, #tpu.memory_space<semaphore_mem>>)
          %slice3A_765 = vector.extract_strided_slice %get3A_682 {offsets = [6], sizes = [1], strides = [1]} : vector<16xi32> to vector<1xi32>
          %squeeze3A_766 = vector.extract %slice3A_765[0] : i32 from vector<1xi32>
          %mul3A_767 = arith.constant 16 : i32
          %mul3A_768 = arith.muli %scan3A_678, %mul3A_767 : i32
          %add3A_769 = arith.constant 6 : i32
          %add3A_770 = arith.addi %mul3A_768, %add3A_769 : i32
          %dma_start3A_771 = arith.constant 0 : i32
          %dma_start3A_772 = tpu.memref_slice %arg8[%add3A_770, %dma_start3A_771] : memref<400x64xf32, #tpu.memory_space<vmem>> -> memref<1x64xf32, #tpu.memory_space<vmem>>
          %dma_start3A_773 = arith.constant 0 : i32
          %dma_start3A_774 = tpu.memref_slice %arg3[%squeeze3A_766, %dma_start3A_773] : memref<1000000x64xf32, #tpu.memory_space<hbm>> -> memref<1x64xf32, #tpu.memory_space<hbm>>
          %dma_start3A_775 = arith.constant 0 : i32
          %dma_start3A_776 = tpu.memref_slice %arg8[%add3A_770, %dma_start3A_775] : memref<400x64xf32, #tpu.memory_space<vmem>> -> memref<1x64xf32, #tpu.memory_space<vmem>>
          %dma_start3A_777 = arith.constant 0 : i32
          %dma_start3A_778 = tpu.memref_slice %arg3[%squeeze3A_766, %dma_start3A_777] : memref<1000000x64xf32, #tpu.memory_space<hbm>> -> memref<1x64xf32, #tpu.memory_space<hbm>>
          tpu.enqueue_dma source(%dma_start3A_778 : memref<1x64xf32, #tpu.memory_space<hbm>>) target(%dma_start3A_776 : memref<1x64xf32, #tpu.memory_space<vmem>>) target_semaphore(%arg12 : memref<!tpu.dma_semaphore, #tpu.memory_space<semaphore_mem>>)
          %slice3A_779 = vector.extract_strided_slice %get3A_682 {offsets = [7], sizes = [1], strides = [1]} : vector<16xi32> to vector<1xi32>
          %squeeze3A_780 = vector.extract %slice3A_779[0] : i32 from vector<1xi32>
          %mul3A_781 = arith.constant 16 : i32
          %mul3A_782 = arith.muli %scan3A_678, %mul3A_781 : i32
          %add3A_783 = arith.constant 7 : i32
          %add3A_784 = arith.addi %mul3A_782, %add3A_783 : i32
          %dma_start3A_785 = arith.constant 0 : i32
          %dma_start3A_786 = tpu.memref_slice %arg8[%add3A_784, %dma_start3A_785] : memref<400x64xf32, #tpu.memory_space<vmem>> -> memref<1x64xf32, #tpu.memory_space<vmem>>
          %dma_start3A_787 = arith.constant 0 : i32
          %dma_start3A_788 = tpu.memref_slice %arg3[%squeeze3A_780, %dma_start3A_787] : memref<1000000x64xf32, #tpu.memory_space<hbm>> -> memref<1x64xf32, #tpu.memory_space<hbm>>
          %dma_start3A_789 = arith.constant 0 : i32
          %dma_start3A_790 = tpu.memref_slice %arg8[%add3A_784, %dma_start3A_789] : memref<400x64xf32, #tpu.memory_space<vmem>> -> memref<1x64xf32, #tpu.memory_space<vmem>>
          %dma_start3A_791 = arith.constant 0 : i32
          %dma_start3A_792 = tpu.memref_slice %arg3[%squeeze3A_780, %dma_start3A_791] : memref<1000000x64xf32, #tpu.memory_space<hbm>> -> memref<1x64xf32, #tpu.memory_space<hbm>>
          tpu.enqueue_dma source(%dma_start3A_792 : memref<1x64xf32, #tpu.memory_space<hbm>>) target(%dma_start3A_790 : memref<1x64xf32, #tpu.memory_space<vmem>>) target_semaphore(%arg12 : memref<!tpu.dma_semaphore, #tpu.memory_space<semaphore_mem>>)
          %slice3A_793 = vector.extract_strided_slice %get3A_682 {offsets = [8], sizes = [1], strides = [1]} : vector<16xi32> to vector<1xi32>
          %squeeze3A_794 = vector.extract %slice3A_793[0] : i32 from vector<1xi32>
          %mul3A_795 = arith.constant 16 : i32
          %mul3A_796 = arith.muli %scan3A_678, %mul3A_795 : i32
          %add3A_797 = arith.constant 8 : i32
          %add3A_798 = arith.addi %mul3A_796, %add3A_797 : i32
          %dma_start3A_799 = arith.constant 0 : i32
          %dma_start3A_800 = tpu.memref_slice %arg8[%add3A_798, %dma_start3A_799] : memref<400x64xf32, #tpu.memory_space<vmem>> -> memref<1x64xf32, #tpu.memory_space<vmem>>
          %dma_start3A_801 = arith.constant 0 : i32
          %dma_start3A_802 = tpu.memref_slice %arg3[%squeeze3A_794, %dma_start3A_801] : memref<1000000x64xf32, #tpu.memory_space<hbm>> -> memref<1x64xf32, #tpu.memory_space<hbm>>
          %dma_start3A_803 = arith.constant 0 : i32
          %dma_start3A_804 = tpu.memref_slice %arg8[%add3A_798, %dma_start3A_803] : memref<400x64xf32, #tpu.memory_space<vmem>> -> memref<1x64xf32, #tpu.memory_space<vmem>>
          %dma_start3A_805 = arith.constant 0 : i32
          %dma_start3A_806 = tpu.memref_slice %arg3[%squeeze3A_794, %dma_start3A_805] : memref<1000000x64xf32, #tpu.memory_space<hbm>> -> memref<1x64xf32, #tpu.memory_space<hbm>>
          tpu.enqueue_dma source(%dma_start3A_806 : memref<1x64xf32, #tpu.memory_space<hbm>>) target(%dma_start3A_804 : memref<1x64xf32, #tpu.memory_space<vmem>>) target_semaphore(%arg12 : memref<!tpu.dma_semaphore, #tpu.memory_space<semaphore_mem>>)
          %slice3A_807 = vector.extract_strided_slice %get3A_682 {offsets = [9], sizes = [1], strides = [1]} : vector<16xi32> to vector<1xi32>
          %squeeze3A_808 = vector.extract %slice3A_807[0] : i32 from vector<1xi32>
          %mul3A_809 = arith.constant 16 : i32
          %mul3A_810 = arith.muli %scan3A_678, %mul3A_809 : i32
          %add3A_811 = arith.constant 9 : i32
          %add3A_812 = arith.addi %mul3A_810, %add3A_811 : i32
          %dma_start3A_813 = arith.constant 0 : i32
          %dma_start3A_814 = tpu.memref_slice %arg8[%add3A_812, %dma_start3A_813] : memref<400x64xf32, #tpu.memory_space<vmem>> -> memref<1x64xf32, #tpu.memory_space<vmem>>
          %dma_start3A_815 = arith.constant 0 : i32
          %dma_start3A_816 = tpu.memref_slice %arg3[%squeeze3A_808, %dma_start3A_815] : memref<1000000x64xf32, #tpu.memory_space<hbm>> -> memref<1x64xf32, #tpu.memory_space<hbm>>
          %dma_start3A_817 = arith.constant 0 : i32
          %dma_start3A_818 = tpu.memref_slice %arg8[%add3A_812, %dma_start3A_817] : memref<400x64xf32, #tpu.memory_space<vmem>> -> memref<1x64xf32, #tpu.memory_space<vmem>>
          %dma_start3A_819 = arith.constant 0 : i32
          %dma_start3A_820 = tpu.memref_slice %arg3[%squeeze3A_808, %dma_start3A_819] : memref<1000000x64xf32, #tpu.memory_space<hbm>> -> memref<1x64xf32, #tpu.memory_space<hbm>>
          tpu.enqueue_dma source(%dma_start3A_820 : memref<1x64xf32, #tpu.memory_space<hbm>>) target(%dma_start3A_818 : memref<1x64xf32, #tpu.memory_space<vmem>>) target_semaphore(%arg12 : memref<!tpu.dma_semaphore, #tpu.memory_space<semaphore_mem>>)
          %slice3A_821 = vector.extract_strided_slice %get3A_682 {offsets = [10], sizes = [1], strides = [1]} : vector<16xi32> to vector<1xi32>
          %squeeze3A_822 = vector.extract %slice3A_821[0] : i32 from vector<1xi32>
          %mul3A_823 = arith.constant 16 : i32
          %mul3A_824 = arith.muli %scan3A_678, %mul3A_823 : i32
          %add3A_825 = arith.constant 10 : i32
          %add3A_826 = arith.addi %mul3A_824, %add3A_825 : i32
          %dma_start3A_827 = arith.constant 0 : i32
          %dma_start3A_828 = tpu.memref_slice %arg8[%add3A_826, %dma_start3A_827] : memref<400x64xf32, #tpu.memory_space<vmem>> -> memref<1x64xf32, #tpu.memory_space<vmem>>
          %dma_start3A_829 = arith.constant 0 : i32
          %dma_start3A_830 = tpu.memref_slice %arg3[%squeeze3A_822, %dma_start3A_829] : memref<1000000x64xf32, #tpu.memory_space<hbm>> -> memref<1x64xf32, #tpu.memory_space<hbm>>
          %dma_start3A_831 = arith.constant 0 : i32
          %dma_start3A_832 = tpu.memref_slice %arg8[%add3A_826, %dma_start3A_831] : memref<400x64xf32, #tpu.memory_space<vmem>> -> memref<1x64xf32, #tpu.memory_space<vmem>>
          %dma_start3A_833 = arith.constant 0 : i32
          %dma_start3A_834 = tpu.memref_slice %arg3[%squeeze3A_822, %dma_start3A_833] : memref<1000000x64xf32, #tpu.memory_space<hbm>> -> memref<1x64xf32, #tpu.memory_space<hbm>>
          tpu.enqueue_dma source(%dma_start3A_834 : memref<1x64xf32, #tpu.memory_space<hbm>>) target(%dma_start3A_832 : memref<1x64xf32, #tpu.memory_space<vmem>>) target_semaphore(%arg12 : memref<!tpu.dma_semaphore, #tpu.memory_space<semaphore_mem>>)
          %slice3A_835 = vector.extract_strided_slice %get3A_682 {offsets = [11], sizes = [1], strides = [1]} : vector<16xi32> to vector<1xi32>
          %squeeze3A_836 = vector.extract %slice3A_835[0] : i32 from vector<1xi32>
          %mul3A_837 = arith.constant 16 : i32
          %mul3A_838 = arith.muli %scan3A_678, %mul3A_837 : i32
          %add3A_839 = arith.constant 11 : i32
          %add3A_840 = arith.addi %mul3A_838, %add3A_839 : i32
          %dma_start3A_841 = arith.constant 0 : i32
          %dma_start3A_842 = tpu.memref_slice %arg8[%add3A_840, %dma_start3A_841] : memref<400x64xf32, #tpu.memory_space<vmem>> -> memref<1x64xf32, #tpu.memory_space<vmem>>
          %dma_start3A_843 = arith.constant 0 : i32
          %dma_start3A_844 = tpu.memref_slice %arg3[%squeeze3A_836, %dma_start3A_843] : memref<1000000x64xf32, #tpu.memory_space<hbm>> -> memref<1x64xf32, #tpu.memory_space<hbm>>
          %dma_start3A_845 = arith.constant 0 : i32
          %dma_start3A_846 = tpu.memref_slice %arg8[%add3A_840, %dma_start3A_845] : memref<400x64xf32, #tpu.memory_space<vmem>> -> memref<1x64xf32, #tpu.memory_space<vmem>>
          %dma_start3A_847 = arith.constant 0 : i32
          %dma_start3A_848 = tpu.memref_slice %arg3[%squeeze3A_836, %dma_start3A_847] : memref<1000000x64xf32, #tpu.memory_space<hbm>> -> memref<1x64xf32, #tpu.memory_space<hbm>>
          tpu.enqueue_dma source(%dma_start3A_848 : memref<1x64xf32, #tpu.memory_space<hbm>>) target(%dma_start3A_846 : memref<1x64xf32, #tpu.memory_space<vmem>>) target_semaphore(%arg12 : memref<!tpu.dma_semaphore, #tpu.memory_space<semaphore_mem>>)
          %slice3A_849 = vector.extract_strided_slice %get3A_682 {offsets = [12], sizes = [1], strides = [1]} : vector<16xi32> to vector<1xi32>
          %squeeze3A_850 = vector.extract %slice3A_849[0] : i32 from vector<1xi32>
          %mul3A_851 = arith.constant 16 : i32
          %mul3A_852 = arith.muli %scan3A_678, %mul3A_851 : i32
          %add3A_853 = arith.constant 12 : i32
          %add3A_854 = arith.addi %mul3A_852, %add3A_853 : i32
          %dma_start3A_855 = arith.constant 0 : i32
          %dma_start3A_856 = tpu.memref_slice %arg8[%add3A_854, %dma_start3A_855] : memref<400x64xf32, #tpu.memory_space<vmem>> -> memref<1x64xf32, #tpu.memory_space<vmem>>
          %dma_start3A_857 = arith.constant 0 : i32
          %dma_start3A_858 = tpu.memref_slice %arg3[%squeeze3A_850, %dma_start3A_857] : memref<1000000x64xf32, #tpu.memory_space<hbm>> -> memref<1x64xf32, #tpu.memory_space<hbm>>
          %dma_start3A_859 = arith.constant 0 : i32
          %dma_start3A_860 = tpu.memref_slice %arg8[%add3A_854, %dma_start3A_859] : memref<400x64xf32, #tpu.memory_space<vmem>> -> memref<1x64xf32, #tpu.memory_space<vmem>>
          %dma_start3A_861 = arith.constant 0 : i32
          %dma_start3A_862 = tpu.memref_slice %arg3[%squeeze3A_850, %dma_start3A_861] : memref<1000000x64xf32, #tpu.memory_space<hbm>> -> memref<1x64xf32, #tpu.memory_space<hbm>>
          tpu.enqueue_dma source(%dma_start3A_862 : memref<1x64xf32, #tpu.memory_space<hbm>>) target(%dma_start3A_860 : memref<1x64xf32, #tpu.memory_space<vmem>>) target_semaphore(%arg12 : memref<!tpu.dma_semaphore, #tpu.memory_space<semaphore_mem>>)
          %slice3A_863 = vector.extract_strided_slice %get3A_682 {offsets = [13], sizes = [1], strides = [1]} : vector<16xi32> to vector<1xi32>
          %squeeze3A_864 = vector.extract %slice3A_863[0] : i32 from vector<1xi32>
          %mul3A_865 = arith.constant 16 : i32
          %mul3A_866 = arith.muli %scan3A_678, %mul3A_865 : i32
          %add3A_867 = arith.constant 13 : i32
          %add3A_868 = arith.addi %mul3A_866, %add3A_867 : i32
          %dma_start3A_869 = arith.constant 0 : i32
          %dma_start3A_870 = tpu.memref_slice %arg8[%add3A_868, %dma_start3A_869] : memref<400x64xf32, #tpu.memory_space<vmem>> -> memref<1x64xf32, #tpu.memory_space<vmem>>
          %dma_start3A_871 = arith.constant 0 : i32
          %dma_start3A_872 = tpu.memref_slice %arg3[%squeeze3A_864, %dma_start3A_871] : memref<1000000x64xf32, #tpu.memory_space<hbm>> -> memref<1x64xf32, #tpu.memory_space<hbm>>
          %dma_start3A_873 = arith.constant 0 : i32
          %dma_start3A_874 = tpu.memref_slice %arg8[%add3A_868, %dma_start3A_873] : memref<400x64xf32, #tpu.memory_space<vmem>> -> memref<1x64xf32, #tpu.memory_space<vmem>>
          %dma_start3A_875 = arith.constant 0 : i32
          %dma_start3A_876 = tpu.memref_slice %arg3[%squeeze3A_864, %dma_start3A_875] : memref<1000000x64xf32, #tpu.memory_space<hbm>> -> memref<1x64xf32, #tpu.memory_space<hbm>>
          tpu.enqueue_dma source(%dma_start3A_876 : memref<1x64xf32, #tpu.memory_space<hbm>>) target(%dma_start3A_874 : memref<1x64xf32, #tpu.memory_space<vmem>>) target_semaphore(%arg12 : memref<!tpu.dma_semaphore, #tpu.memory_space<semaphore_mem>>)
          %slice3A_877 = vector.extract_strided_slice %get3A_682 {offsets = [14], sizes = [1], strides = [1]} : vector<16xi32> to vector<1xi32>
          %squeeze3A_878 = vector.extract %slice3A_877[0] : i32 from vector<1xi32>
          %mul3A_879 = arith.constant 16 : i32
          %mul3A_880 = arith.muli %scan3A_678, %mul3A_879 : i32
          %add3A_881 = arith.constant 14 : i32
          %add3A_882 = arith.addi %mul3A_880, %add3A_881 : i32
          %dma_start3A_883 = arith.constant 0 : i32
          %dma_start3A_884 = tpu.memref_slice %arg8[%add3A_882, %dma_start3A_883] : memref<400x64xf32, #tpu.memory_space<vmem>> -> memref<1x64xf32, #tpu.memory_space<vmem>>
          %dma_start3A_885 = arith.constant 0 : i32
          %dma_start3A_886 = tpu.memref_slice %arg3[%squeeze3A_878, %dma_start3A_885] : memref<1000000x64xf32, #tpu.memory_space<hbm>> -> memref<1x64xf32, #tpu.memory_space<hbm>>
          %dma_start3A_887 = arith.constant 0 : i32
          %dma_start3A_888 = tpu.memref_slice %arg8[%add3A_882, %dma_start3A_887] : memref<400x64xf32, #tpu.memory_space<vmem>> -> memref<1x64xf32, #tpu.memory_space<vmem>>
          %dma_start3A_889 = arith.constant 0 : i32
          %dma_start3A_890 = tpu.memref_slice %arg3[%squeeze3A_878, %dma_start3A_889] : memref<1000000x64xf32, #tpu.memory_space<hbm>> -> memref<1x64xf32, #tpu.memory_space<hbm>>
          tpu.enqueue_dma source(%dma_start3A_890 : memref<1x64xf32, #tpu.memory_space<hbm>>) target(%dma_start3A_888 : memref<1x64xf32, #tpu.memory_space<vmem>>) target_semaphore(%arg12 : memref<!tpu.dma_semaphore, #tpu.memory_space<semaphore_mem>>)
          %slice3A_891 = vector.extract_strided_slice %get3A_682 {offsets = [15], sizes = [1], strides = [1]} : vector<16xi32> to vector<1xi32>
          %squeeze3A_892 = vector.extract %slice3A_891[0] : i32 from vector<1xi32>
          %mul3A_893 = arith.constant 16 : i32
          %mul3A_894 = arith.muli %scan3A_678, %mul3A_893 : i32
          %add3A_895 = arith.constant 15 : i32
          %add3A_896 = arith.addi %mul3A_894, %add3A_895 : i32
          %dma_start3A_897 = arith.constant 0 : i32
          %dma_start3A_898 = tpu.memref_slice %arg8[%add3A_896, %dma_start3A_897] : memref<400x64xf32, #tpu.memory_space<vmem>> -> memref<1x64xf32, #tpu.memory_space<vmem>>
          %dma_start3A_899 = arith.constant 0 : i32
          %dma_start3A_900 = tpu.memref_slice %arg3[%squeeze3A_892, %dma_start3A_899] : memref<1000000x64xf32, #tpu.memory_space<hbm>> -> memref<1x64xf32, #tpu.memory_space<hbm>>
          %dma_start3A_901 = arith.constant 0 : i32
          %dma_start3A_902 = tpu.memref_slice %arg8[%add3A_896, %dma_start3A_901] : memref<400x64xf32, #tpu.memory_space<vmem>> -> memref<1x64xf32, #tpu.memory_space<vmem>>
          %dma_start3A_903 = arith.constant 0 : i32
          %dma_start3A_904 = tpu.memref_slice %arg3[%squeeze3A_892, %dma_start3A_903] : memref<1000000x64xf32, #tpu.memory_space<hbm>> -> memref<1x64xf32, #tpu.memory_space<hbm>>
          tpu.enqueue_dma source(%dma_start3A_904 : memref<1x64xf32, #tpu.memory_space<hbm>>) target(%dma_start3A_902 : memref<1x64xf32, #tpu.memory_space<vmem>>) target_semaphore(%arg12 : memref<!tpu.dma_semaphore, #tpu.memory_space<semaphore_mem>>)
        }
        %scan3A_670 = arith.constant 25 : i32
        %add3A_671 = arith.constant 3 : i32
        %add3A_672 = arith.addi %add3A_322, %add3A_671 : i32
        %lt3A_673 = arith.constant 64 : i32
        %lt3A_674 = arith.cmpi slt, %add3A_672, %lt3A_673 : i32
        %convert_element_type3A_675 = arith.extui %lt3A_674 : i1 to i32
        %cond3A_676 = arith.constant 0 : i32
        %cond3A_677 = arith.cmpi ne, %convert_element_type3A_675, %cond3A_676 : i32
        scf.if %cond3A_677 {
          %add3A_678 = arith.constant 3 : i32
          %add3A_679 = arith.addi %add3A_322, %add3A_678 : i32
          %mul3A_680 = arith.constant 400 : i32
          %mul3A_681 = arith.muli %add3A_679, %mul3A_680 : i32
          %add3A_682 = arith.addi %mul3A_4, %mul3A_681 : i32
          %dma_start3A_683 = tpu.memref_slice %arg2[%add3A_682] : memref<819200xi32, #tpu.memory_space<hbm>> -> memref<400xi32, #tpu.memory_space<hbm>>
          %dma_start3A_684 = tpu.memref_slice %arg2[%add3A_682] : memref<819200xi32, #tpu.memory_space<hbm>> -> memref<400xi32, #tpu.memory_space<hbm>>
          tpu.enqueue_dma source(%dma_start3A_684 : memref<400xi32, #tpu.memory_space<hbm>>) target(%arg6 : memref<400xi32, #tpu.memory_space<vmem>>) target_semaphore(%arg10 : memref<!tpu.dma_semaphore, #tpu.memory_space<semaphore_mem>>)
        } else {
        }
      } else {
      }
      %scan3A_327 = arith.constant 0 : i32
      %scan3A_328 = arith.constant 0 : i32
      %scan3A_329 = arith.constant 25 : i32
      %scan3A_330 = arith.addi %scan3A_328, %scan3A_329 : i32
      %scan3A_331 = arith.constant 1 : i32
      scf.for %scan3A_654 = %scan3A_328 to %scan3A_330 step %scan3A_331  : i32 {
        %dma_wait3A_655 = arith.constant 0 : i32
        %dma_wait3A_656 = arith.constant 0 : i32
        %dma_wait3A_657 = tpu.memref_slice %arg7[%dma_wait3A_655, %dma_wait3A_656] : memref<400x64xf32, #tpu.memory_space<vmem>> -> memref<1x64xf32, #tpu.memory_space<vmem>>
        %dma_wait3A_658 = arith.constant 0 : i32
        %dma_wait3A_659 = arith.constant 0 : i32
        %dma_wait3A_660 = tpu.memref_slice %arg3[%dma_wait3A_658, %dma_wait3A_659] : memref<1000000x64xf32, #tpu.memory_space<hbm>> -> memref<1x64xf32, #tpu.memory_space<hbm>>
        %dma_wait3A_661 = arith.constant 0 : i32
        %dma_wait3A_662 = arith.constant 0 : i32
        %dma_wait3A_663 = tpu.memref_slice %arg7[%dma_wait3A_661, %dma_wait3A_662] : memref<400x64xf32, #tpu.memory_space<vmem>> -> memref<1x64xf32, #tpu.memory_space<vmem>>
        %dma_wait3A_664 = arith.constant 0 : i32
        %dma_wait3A_665 = arith.constant 0 : i32
        %dma_wait3A_666 = tpu.memref_slice %arg3[%dma_wait3A_664, %dma_wait3A_665] : memref<1000000x64xf32, #tpu.memory_space<hbm>> -> memref<1x64xf32, #tpu.memory_space<hbm>>
        tpu.wait_dma2 semaphore(%arg11 : memref<!tpu.dma_semaphore, #tpu.memory_space<semaphore_mem>>) src(%dma_wait3A_666 : memref<1x64xf32, #tpu.memory_space<hbm>>) dst(%dma_wait3A_663 : memref<1x64xf32, #tpu.memory_space<vmem>>)
        %dma_wait3A_667 = arith.constant 0 : i32
        %dma_wait3A_668 = arith.constant 0 : i32
        %dma_wait3A_669 = tpu.memref_slice %arg7[%dma_wait3A_667, %dma_wait3A_668] : memref<400x64xf32, #tpu.memory_space<vmem>> -> memref<1x64xf32, #tpu.memory_space<vmem>>
        %dma_wait3A_670 = arith.constant 0 : i32
        %dma_wait3A_671 = arith.constant 0 : i32
        %dma_wait3A_672 = tpu.memref_slice %arg3[%dma_wait3A_670, %dma_wait3A_671] : memref<1000000x64xf32, #tpu.memory_space<hbm>> -> memref<1x64xf32, #tpu.memory_space<hbm>>
        %dma_wait3A_673 = arith.constant 0 : i32
        %dma_wait3A_674 = arith.constant 0 : i32
        %dma_wait3A_675 = tpu.memref_slice %arg7[%dma_wait3A_673, %dma_wait3A_674] : memref<400x64xf32, #tpu.memory_space<vmem>> -> memref<1x64xf32, #tpu.memory_space<vmem>>
        %dma_wait3A_676 = arith.constant 0 : i32
        %dma_wait3A_677 = arith.constant 0 : i32
        %dma_wait3A_678 = tpu.memref_slice %arg3[%dma_wait3A_676, %dma_wait3A_677] : memref<1000000x64xf32, #tpu.memory_space<hbm>> -> memref<1x64xf32, #tpu.memory_space<hbm>>
        tpu.wait_dma2 semaphore(%arg11 : memref<!tpu.dma_semaphore, #tpu.memory_space<semaphore_mem>>) src(%dma_wait3A_678 : memref<1x64xf32, #tpu.memory_space<hbm>>) dst(%dma_wait3A_675 : memref<1x64xf32, #tpu.memory_space<vmem>>)
        %dma_wait3A_679 = arith.constant 0 : i32
        %dma_wait3A_680 = arith.constant 0 : i32
        %dma_wait3A_681 = tpu.memref_slice %arg7[%dma_wait3A_679, %dma_wait3A_680] : memref<400x64xf32, #tpu.memory_space<vmem>> -> memref<1x64xf32, #tpu.memory_space<vmem>>
        %dma_wait3A_682 = arith.constant 0 : i32
        %dma_wait3A_683 = arith.constant 0 : i32
        %dma_wait3A_684 = tpu.memref_slice %arg3[%dma_wait3A_682, %dma_wait3A_683] : memref<1000000x64xf32, #tpu.memory_space<hbm>> -> memref<1x64xf32, #tpu.memory_space<hbm>>
        %dma_wait3A_685 = arith.constant 0 : i32
        %dma_wait3A_686 = arith.constant 0 : i32
        %dma_wait3A_687 = tpu.memref_slice %arg7[%dma_wait3A_685, %dma_wait3A_686] : memref<400x64xf32, #tpu.memory_space<vmem>> -> memref<1x64xf32, #tpu.memory_space<vmem>>
        %dma_wait3A_688 = arith.constant 0 : i32
        %dma_wait3A_689 = arith.constant 0 : i32
        %dma_wait3A_690 = tpu.memref_slice %arg3[%dma_wait3A_688, %dma_wait3A_689] : memref<1000000x64xf32, #tpu.memory_space<hbm>> -> memref<1x64xf32, #tpu.memory_space<hbm>>
        tpu.wait_dma2 semaphore(%arg11 : memref<!tpu.dma_semaphore, #tpu.memory_space<semaphore_mem>>) src(%dma_wait3A_690 : memref<1x64xf32, #tpu.memory_space<hbm>>) dst(%dma_wait3A_687 : memref<1x64xf32, #tpu.memory_space<vmem>>)
        %dma_wait3A_691 = arith.constant 0 : i32
        %dma_wait3A_692 = arith.constant 0 : i32
        %dma_wait3A_693 = tpu.memref_slice %arg7[%dma_wait3A_691, %dma_wait3A_692] : memref<400x64xf32, #tpu.memory_space<vmem>> -> memref<1x64xf32, #tpu.memory_space<vmem>>
        %dma_wait3A_694 = arith.constant 0 : i32
        %dma_wait3A_695 = arith.constant 0 : i32
        %dma_wait3A_696 = tpu.memref_slice %arg3[%dma_wait3A_694, %dma_wait3A_695] : memref<1000000x64xf32, #tpu.memory_space<hbm>> -> memref<1x64xf32, #tpu.memory_space<hbm>>
        %dma_wait3A_697 = arith.constant 0 : i32
        %dma_wait3A_698 = arith.constant 0 : i32
        %dma_wait3A_699 = tpu.memref_slice %arg7[%dma_wait3A_697, %dma_wait3A_698] : memref<400x64xf32, #tpu.memory_space<vmem>> -> memref<1x64xf32, #tpu.memory_space<vmem>>
        %dma_wait3A_700 = arith.constant 0 : i32
        %dma_wait3A_701 = arith.constant 0 : i32
        %dma_wait3A_702 = tpu.memref_slice %arg3[%dma_wait3A_700, %dma_wait3A_701] : memref<1000000x64xf32, #tpu.memory_space<hbm>> -> memref<1x64xf32, #tpu.memory_space<hbm>>
        tpu.wait_dma2 semaphore(%arg11 : memref<!tpu.dma_semaphore, #tpu.memory_space<semaphore_mem>>) src(%dma_wait3A_702 : memref<1x64xf32, #tpu.memory_space<hbm>>) dst(%dma_wait3A_699 : memref<1x64xf32, #tpu.memory_space<vmem>>)
        %dma_wait3A_703 = arith.constant 0 : i32
        %dma_wait3A_704 = arith.constant 0 : i32
        %dma_wait3A_705 = tpu.memref_slice %arg7[%dma_wait3A_703, %dma_wait3A_704] : memref<400x64xf32, #tpu.memory_space<vmem>> -> memref<1x64xf32, #tpu.memory_space<vmem>>
        %dma_wait3A_706 = arith.constant 0 : i32
        %dma_wait3A_707 = arith.constant 0 : i32
        %dma_wait3A_708 = tpu.memref_slice %arg3[%dma_wait3A_706, %dma_wait3A_707] : memref<1000000x64xf32, #tpu.memory_space<hbm>> -> memref<1x64xf32, #tpu.memory_space<hbm>>
        %dma_wait3A_709 = arith.constant 0 : i32
        %dma_wait3A_710 = arith.constant 0 : i32
        %dma_wait3A_711 = tpu.memref_slice %arg7[%dma_wait3A_709, %dma_wait3A_710] : memref<400x64xf32, #tpu.memory_space<vmem>> -> memref<1x64xf32, #tpu.memory_space<vmem>>
        %dma_wait3A_712 = arith.constant 0 : i32
        %dma_wait3A_713 = arith.constant 0 : i32
        %dma_wait3A_714 = tpu.memref_slice %arg3[%dma_wait3A_712, %dma_wait3A_713] : memref<1000000x64xf32, #tpu.memory_space<hbm>> -> memref<1x64xf32, #tpu.memory_space<hbm>>
        tpu.wait_dma2 semaphore(%arg11 : memref<!tpu.dma_semaphore, #tpu.memory_space<semaphore_mem>>) src(%dma_wait3A_714 : memref<1x64xf32, #tpu.memory_space<hbm>>) dst(%dma_wait3A_711 : memref<1x64xf32, #tpu.memory_space<vmem>>)
        %dma_wait3A_715 = arith.constant 0 : i32
        %dma_wait3A_716 = arith.constant 0 : i32
        %dma_wait3A_717 = tpu.memref_slice %arg7[%dma_wait3A_715, %dma_wait3A_716] : memref<400x64xf32, #tpu.memory_space<vmem>> -> memref<1x64xf32, #tpu.memory_space<vmem>>
        %dma_wait3A_718 = arith.constant 0 : i32
        %dma_wait3A_719 = arith.constant 0 : i32
        %dma_wait3A_720 = tpu.memref_slice %arg3[%dma_wait3A_718, %dma_wait3A_719] : memref<1000000x64xf32, #tpu.memory_space<hbm>> -> memref<1x64xf32, #tpu.memory_space<hbm>>
        %dma_wait3A_721 = arith.constant 0 : i32
        %dma_wait3A_722 = arith.constant 0 : i32
        %dma_wait3A_723 = tpu.memref_slice %arg7[%dma_wait3A_721, %dma_wait3A_722] : memref<400x64xf32, #tpu.memory_space<vmem>> -> memref<1x64xf32, #tpu.memory_space<vmem>>
        %dma_wait3A_724 = arith.constant 0 : i32
        %dma_wait3A_725 = arith.constant 0 : i32
        %dma_wait3A_726 = tpu.memref_slice %arg3[%dma_wait3A_724, %dma_wait3A_725] : memref<1000000x64xf32, #tpu.memory_space<hbm>> -> memref<1x64xf32, #tpu.memory_space<hbm>>
        tpu.wait_dma2 semaphore(%arg11 : memref<!tpu.dma_semaphore, #tpu.memory_space<semaphore_mem>>) src(%dma_wait3A_726 : memref<1x64xf32, #tpu.memory_space<hbm>>) dst(%dma_wait3A_723 : memref<1x64xf32, #tpu.memory_space<vmem>>)
        %dma_wait3A_727 = arith.constant 0 : i32
        %dma_wait3A_728 = arith.constant 0 : i32
        %dma_wait3A_729 = tpu.memref_slice %arg7[%dma_wait3A_727, %dma_wait3A_728] : memref<400x64xf32, #tpu.memory_space<vmem>> -> memref<1x64xf32, #tpu.memory_space<vmem>>
        %dma_wait3A_730 = arith.constant 0 : i32
        %dma_wait3A_731 = arith.constant 0 : i32
        %dma_wait3A_732 = tpu.memref_slice %arg3[%dma_wait3A_730, %dma_wait3A_731] : memref<1000000x64xf32, #tpu.memory_space<hbm>> -> memref<1x64xf32, #tpu.memory_space<hbm>>
        %dma_wait3A_733 = arith.constant 0 : i32
        %dma_wait3A_734 = arith.constant 0 : i32
        %dma_wait3A_735 = tpu.memref_slice %arg7[%dma_wait3A_733, %dma_wait3A_734] : memref<400x64xf32, #tpu.memory_space<vmem>> -> memref<1x64xf32, #tpu.memory_space<vmem>>
        %dma_wait3A_736 = arith.constant 0 : i32
        %dma_wait3A_737 = arith.constant 0 : i32
        %dma_wait3A_738 = tpu.memref_slice %arg3[%dma_wait3A_736, %dma_wait3A_737] : memref<1000000x64xf32, #tpu.memory_space<hbm>> -> memref<1x64xf32, #tpu.memory_space<hbm>>
        tpu.wait_dma2 semaphore(%arg11 : memref<!tpu.dma_semaphore, #tpu.memory_space<semaphore_mem>>) src(%dma_wait3A_738 : memref<1x64xf32, #tpu.memory_space<hbm>>) dst(%dma_wait3A_735 : memref<1x64xf32, #tpu.memory_space<vmem>>)
        %dma_wait3A_739 = arith.constant 0 : i32
        %dma_wait3A_740 = arith.constant 0 : i32
        %dma_wait3A_741 = tpu.memref_slice %arg7[%dma_wait3A_739, %dma_wait3A_740] : memref<400x64xf32, #tpu.memory_space<vmem>> -> memref<1x64xf32, #tpu.memory_space<vmem>>
        %dma_wait3A_742 = arith.constant 0 : i32
        %dma_wait3A_743 = arith.constant 0 : i32
        %dma_wait3A_744 = tpu.memref_slice %arg3[%dma_wait3A_742, %dma_wait3A_743] : memref<1000000x64xf32, #tpu.memory_space<hbm>> -> memref<1x64xf32, #tpu.memory_space<hbm>>
        %dma_wait3A_745 = arith.constant 0 : i32
        %dma_wait3A_746 = arith.constant 0 : i32
        %dma_wait3A_747 = tpu.memref_slice %arg7[%dma_wait3A_745, %dma_wait3A_746] : memref<400x64xf32, #tpu.memory_space<vmem>> -> memref<1x64xf32, #tpu.memory_space<vmem>>
        %dma_wait3A_748 = arith.constant 0 : i32
        %dma_wait3A_749 = arith.constant 0 : i32
        %dma_wait3A_750 = tpu.memref_slice %arg3[%dma_wait3A_748, %dma_wait3A_749] : memref<1000000x64xf32, #tpu.memory_space<hbm>> -> memref<1x64xf32, #tpu.memory_space<hbm>>
        tpu.wait_dma2 semaphore(%arg11 : memref<!tpu.dma_semaphore, #tpu.memory_space<semaphore_mem>>) src(%dma_wait3A_750 : memref<1x64xf32, #tpu.memory_space<hbm>>) dst(%dma_wait3A_747 : memref<1x64xf32, #tpu.memory_space<vmem>>)
        %dma_wait3A_751 = arith.constant 0 : i32
        %dma_wait3A_752 = arith.constant 0 : i32
        %dma_wait3A_753 = tpu.memref_slice %arg7[%dma_wait3A_751, %dma_wait3A_752] : memref<400x64xf32, #tpu.memory_space<vmem>> -> memref<1x64xf32, #tpu.memory_space<vmem>>
        %dma_wait3A_754 = arith.constant 0 : i32
        %dma_wait3A_755 = arith.constant 0 : i32
        %dma_wait3A_756 = tpu.memref_slice %arg3[%dma_wait3A_754, %dma_wait3A_755] : memref<1000000x64xf32, #tpu.memory_space<hbm>> -> memref<1x64xf32, #tpu.memory_space<hbm>>
        %dma_wait3A_757 = arith.constant 0 : i32
        %dma_wait3A_758 = arith.constant 0 : i32
        %dma_wait3A_759 = tpu.memref_slice %arg7[%dma_wait3A_757, %dma_wait3A_758] : memref<400x64xf32, #tpu.memory_space<vmem>> -> memref<1x64xf32, #tpu.memory_space<vmem>>
        %dma_wait3A_760 = arith.constant 0 : i32
        %dma_wait3A_761 = arith.constant 0 : i32
        %dma_wait3A_762 = tpu.memref_slice %arg3[%dma_wait3A_760, %dma_wait3A_761] : memref<1000000x64xf32, #tpu.memory_space<hbm>> -> memref<1x64xf32, #tpu.memory_space<hbm>>
        tpu.wait_dma2 semaphore(%arg11 : memref<!tpu.dma_semaphore, #tpu.memory_space<semaphore_mem>>) src(%dma_wait3A_762 : memref<1x64xf32, #tpu.memory_space<hbm>>) dst(%dma_wait3A_759 : memref<1x64xf32, #tpu.memory_space<vmem>>)
        %dma_wait3A_763 = arith.constant 0 : i32
        %dma_wait3A_764 = arith.constant 0 : i32
        %dma_wait3A_765 = tpu.memref_slice %arg7[%dma_wait3A_763, %dma_wait3A_764] : memref<400x64xf32, #tpu.memory_space<vmem>> -> memref<1x64xf32, #tpu.memory_space<vmem>>
        %dma_wait3A_766 = arith.constant 0 : i32
        %dma_wait3A_767 = arith.constant 0 : i32
        %dma_wait3A_768 = tpu.memref_slice %arg3[%dma_wait3A_766, %dma_wait3A_767] : memref<1000000x64xf32, #tpu.memory_space<hbm>> -> memref<1x64xf32, #tpu.memory_space<hbm>>
        %dma_wait3A_769 = arith.constant 0 : i32
        %dma_wait3A_770 = arith.constant 0 : i32
        %dma_wait3A_771 = tpu.memref_slice %arg7[%dma_wait3A_769, %dma_wait3A_770] : memref<400x64xf32, #tpu.memory_space<vmem>> -> memref<1x64xf32, #tpu.memory_space<vmem>>
        %dma_wait3A_772 = arith.constant 0 : i32
        %dma_wait3A_773 = arith.constant 0 : i32
        %dma_wait3A_774 = tpu.memref_slice %arg3[%dma_wait3A_772, %dma_wait3A_773] : memref<1000000x64xf32, #tpu.memory_space<hbm>> -> memref<1x64xf32, #tpu.memory_space<hbm>>
        tpu.wait_dma2 semaphore(%arg11 : memref<!tpu.dma_semaphore, #tpu.memory_space<semaphore_mem>>) src(%dma_wait3A_774 : memref<1x64xf32, #tpu.memory_space<hbm>>) dst(%dma_wait3A_771 : memref<1x64xf32, #tpu.memory_space<vmem>>)
        %dma_wait3A_775 = arith.constant 0 : i32
        %dma_wait3A_776 = arith.constant 0 : i32
        %dma_wait3A_777 = tpu.memref_slice %arg7[%dma_wait3A_775, %dma_wait3A_776] : memref<400x64xf32, #tpu.memory_space<vmem>> -> memref<1x64xf32, #tpu.memory_space<vmem>>
        %dma_wait3A_778 = arith.constant 0 : i32
        %dma_wait3A_779 = arith.constant 0 : i32
        %dma_wait3A_780 = tpu.memref_slice %arg3[%dma_wait3A_778, %dma_wait3A_779] : memref<1000000x64xf32, #tpu.memory_space<hbm>> -> memref<1x64xf32, #tpu.memory_space<hbm>>
        %dma_wait3A_781 = arith.constant 0 : i32
        %dma_wait3A_782 = arith.constant 0 : i32
        %dma_wait3A_783 = tpu.memref_slice %arg7[%dma_wait3A_781, %dma_wait3A_782] : memref<400x64xf32, #tpu.memory_space<vmem>> -> memref<1x64xf32, #tpu.memory_space<vmem>>
        %dma_wait3A_784 = arith.constant 0 : i32
        %dma_wait3A_785 = arith.constant 0 : i32
        %dma_wait3A_786 = tpu.memref_slice %arg3[%dma_wait3A_784, %dma_wait3A_785] : memref<1000000x64xf32, #tpu.memory_space<hbm>> -> memref<1x64xf32, #tpu.memory_space<hbm>>
        tpu.wait_dma2 semaphore(%arg11 : memref<!tpu.dma_semaphore, #tpu.memory_space<semaphore_mem>>) src(%dma_wait3A_786 : memref<1x64xf32, #tpu.memory_space<hbm>>) dst(%dma_wait3A_783 : memref<1x64xf32, #tpu.memory_space<vmem>>)
        %dma_wait3A_787 = arith.constant 0 : i32
        %dma_wait3A_788 = arith.constant 0 : i32
        %dma_wait3A_789 = tpu.memref_slice %arg7[%dma_wait3A_787, %dma_wait3A_788] : memref<400x64xf32, #tpu.memory_space<vmem>> -> memref<1x64xf32, #tpu.memory_space<vmem>>
        %dma_wait3A_790 = arith.constant 0 : i32
        %dma_wait3A_791 = arith.constant 0 : i32
        %dma_wait3A_792 = tpu.memref_slice %arg3[%dma_wait3A_790, %dma_wait3A_791] : memref<1000000x64xf32, #tpu.memory_space<hbm>> -> memref<1x64xf32, #tpu.memory_space<hbm>>
        %dma_wait3A_793 = arith.constant 0 : i32
        %dma_wait3A_794 = arith.constant 0 : i32
        %dma_wait3A_795 = tpu.memref_slice %arg7[%dma_wait3A_793, %dma_wait3A_794] : memref<400x64xf32, #tpu.memory_space<vmem>> -> memref<1x64xf32, #tpu.memory_space<vmem>>
        %dma_wait3A_796 = arith.constant 0 : i32
        %dma_wait3A_797 = arith.constant 0 : i32
        %dma_wait3A_798 = tpu.memref_slice %arg3[%dma_wait3A_796, %dma_wait3A_797] : memref<1000000x64xf32, #tpu.memory_space<hbm>> -> memref<1x64xf32, #tpu.memory_space<hbm>>
        tpu.wait_dma2 semaphore(%arg11 : memref<!tpu.dma_semaphore, #tpu.memory_space<semaphore_mem>>) src(%dma_wait3A_798 : memref<1x64xf32, #tpu.memory_space<hbm>>) dst(%dma_wait3A_795 : memref<1x64xf32, #tpu.memory_space<vmem>>)
        %dma_wait3A_799 = arith.constant 0 : i32
        %dma_wait3A_800 = arith.constant 0 : i32
        %dma_wait3A_801 = tpu.memref_slice %arg7[%dma_wait3A_799, %dma_wait3A_800] : memref<400x64xf32, #tpu.memory_space<vmem>> -> memref<1x64xf32, #tpu.memory_space<vmem>>
        %dma_wait3A_802 = arith.constant 0 : i32
        %dma_wait3A_803 = arith.constant 0 : i32
        %dma_wait3A_804 = tpu.memref_slice %arg3[%dma_wait3A_802, %dma_wait3A_803] : memref<1000000x64xf32, #tpu.memory_space<hbm>> -> memref<1x64xf32, #tpu.memory_space<hbm>>
        %dma_wait3A_805 = arith.constant 0 : i32
        %dma_wait3A_806 = arith.constant 0 : i32
        %dma_wait3A_807 = tpu.memref_slice %arg7[%dma_wait3A_805, %dma_wait3A_806] : memref<400x64xf32, #tpu.memory_space<vmem>> -> memref<1x64xf32, #tpu.memory_space<vmem>>
        %dma_wait3A_808 = arith.constant 0 : i32
        %dma_wait3A_809 = arith.constant 0 : i32
        %dma_wait3A_810 = tpu.memref_slice %arg3[%dma_wait3A_808, %dma_wait3A_809] : memref<1000000x64xf32, #tpu.memory_space<hbm>> -> memref<1x64xf32, #tpu.memory_space<hbm>>
        tpu.wait_dma2 semaphore(%arg11 : memref<!tpu.dma_semaphore, #tpu.memory_space<semaphore_mem>>) src(%dma_wait3A_810 : memref<1x64xf32, #tpu.memory_space<hbm>>) dst(%dma_wait3A_807 : memref<1x64xf32, #tpu.memory_space<vmem>>)
        %dma_wait3A_811 = arith.constant 0 : i32
        %dma_wait3A_812 = arith.constant 0 : i32
        %dma_wait3A_813 = tpu.memref_slice %arg7[%dma_wait3A_811, %dma_wait3A_812] : memref<400x64xf32, #tpu.memory_space<vmem>> -> memref<1x64xf32, #tpu.memory_space<vmem>>
        %dma_wait3A_814 = arith.constant 0 : i32
        %dma_wait3A_815 = arith.constant 0 : i32
        %dma_wait3A_816 = tpu.memref_slice %arg3[%dma_wait3A_814, %dma_wait3A_815] : memref<1000000x64xf32, #tpu.memory_space<hbm>> -> memref<1x64xf32, #tpu.memory_space<hbm>>
        %dma_wait3A_817 = arith.constant 0 : i32
        %dma_wait3A_818 = arith.constant 0 : i32
        %dma_wait3A_819 = tpu.memref_slice %arg7[%dma_wait3A_817, %dma_wait3A_818] : memref<400x64xf32, #tpu.memory_space<vmem>> -> memref<1x64xf32, #tpu.memory_space<vmem>>
        %dma_wait3A_820 = arith.constant 0 : i32
        %dma_wait3A_821 = arith.constant 0 : i32
        %dma_wait3A_822 = tpu.memref_slice %arg3[%dma_wait3A_820, %dma_wait3A_821] : memref<1000000x64xf32, #tpu.memory_space<hbm>> -> memref<1x64xf32, #tpu.memory_space<hbm>>
        tpu.wait_dma2 semaphore(%arg11 : memref<!tpu.dma_semaphore, #tpu.memory_space<semaphore_mem>>) src(%dma_wait3A_822 : memref<1x64xf32, #tpu.memory_space<hbm>>) dst(%dma_wait3A_819 : memref<1x64xf32, #tpu.memory_space<vmem>>)
        %dma_wait3A_823 = arith.constant 0 : i32
        %dma_wait3A_824 = arith.constant 0 : i32
        %dma_wait3A_825 = tpu.memref_slice %arg7[%dma_wait3A_823, %dma_wait3A_824] : memref<400x64xf32, #tpu.memory_space<vmem>> -> memref<1x64xf32, #tpu.memory_space<vmem>>
        %dma_wait3A_826 = arith.constant 0 : i32
        %dma_wait3A_827 = arith.constant 0 : i32
        %dma_wait3A_828 = tpu.memref_slice %arg3[%dma_wait3A_826, %dma_wait3A_827] : memref<1000000x64xf32, #tpu.memory_space<hbm>> -> memref<1x64xf32, #tpu.memory_space<hbm>>
        %dma_wait3A_829 = arith.constant 0 : i32
        %dma_wait3A_830 = arith.constant 0 : i32
        %dma_wait3A_831 = tpu.memref_slice %arg7[%dma_wait3A_829, %dma_wait3A_830] : memref<400x64xf32, #tpu.memory_space<vmem>> -> memref<1x64xf32, #tpu.memory_space<vmem>>
        %dma_wait3A_832 = arith.constant 0 : i32
        %dma_wait3A_833 = arith.constant 0 : i32
        %dma_wait3A_834 = tpu.memref_slice %arg3[%dma_wait3A_832, %dma_wait3A_833] : memref<1000000x64xf32, #tpu.memory_space<hbm>> -> memref<1x64xf32, #tpu.memory_space<hbm>>
        tpu.wait_dma2 semaphore(%arg11 : memref<!tpu.dma_semaphore, #tpu.memory_space<semaphore_mem>>) src(%dma_wait3A_834 : memref<1x64xf32, #tpu.memory_space<hbm>>) dst(%dma_wait3A_831 : memref<1x64xf32, #tpu.memory_space<vmem>>)
        %dma_wait3A_835 = arith.constant 0 : i32
        %dma_wait3A_836 = arith.constant 0 : i32
        %dma_wait3A_837 = tpu.memref_slice %arg7[%dma_wait3A_835, %dma_wait3A_836] : memref<400x64xf32, #tpu.memory_space<vmem>> -> memref<1x64xf32, #tpu.memory_space<vmem>>
        %dma_wait3A_838 = arith.constant 0 : i32
        %dma_wait3A_839 = arith.constant 0 : i32
        %dma_wait3A_840 = tpu.memref_slice %arg3[%dma_wait3A_838, %dma_wait3A_839] : memref<1000000x64xf32, #tpu.memory_space<hbm>> -> memref<1x64xf32, #tpu.memory_space<hbm>>
        %dma_wait3A_841 = arith.constant 0 : i32
        %dma_wait3A_842 = arith.constant 0 : i32
        %dma_wait3A_843 = tpu.memref_slice %arg7[%dma_wait3A_841, %dma_wait3A_842] : memref<400x64xf32, #tpu.memory_space<vmem>> -> memref<1x64xf32, #tpu.memory_space<vmem>>
        %dma_wait3A_844 = arith.constant 0 : i32
        %dma_wait3A_845 = arith.constant 0 : i32
        %dma_wait3A_846 = tpu.memref_slice %arg3[%dma_wait3A_844, %dma_wait3A_845] : memref<1000000x64xf32, #tpu.memory_space<hbm>> -> memref<1x64xf32, #tpu.memory_space<hbm>>
        tpu.wait_dma2 semaphore(%arg11 : memref<!tpu.dma_semaphore, #tpu.memory_space<semaphore_mem>>) src(%dma_wait3A_846 : memref<1x64xf32, #tpu.memory_space<hbm>>) dst(%dma_wait3A_843 : memref<1x64xf32, #tpu.memory_space<vmem>>)
      }
      %scan3A_332 = arith.constant 25 : i32
      %mul3A_333 = arith.constant 8 : i32
      %mul3A_334 = arith.muli %add3A_322, %mul3A_333 : i32
      %add3A_335 = arith.addi %mul3A_2, %mul3A_334 : i32
      %add3A_336 = arith.constant 0 : i32
      %add3A_337 = arith.addi %add3A_335, %add3A_336 : i32
      %dma_start3A_338 = arith.constant 0 : i32
      %dma_start3A_339 = arith.constant 0 : i32
      %dma_start3A_340 = tpu.memref_slice %arg7[%dma_start3A_338, %dma_start3A_339] : memref<400x64xf32, #tpu.memory_space<vmem>> -> memref<50x64xf32, #tpu.memory_space<vmem>>
      %dma_start3A_341 = arith.constant 0 : i32
      %dma_start3A_342 = arith.constant 0 : i32
      %dma_start3A_343 = tpu.memref_slice %arg4[%add3A_337, %dma_start3A_341, %dma_start3A_342] : memref<16384x50x64xf32, #tpu.memory_space<hbm>> -> memref<1x50x64xf32, #tpu.memory_space<hbm>>
      %dma_start3A_344 = tpu.memref_squeeze %dma_start3A_343 : memref<1x50x64xf32, #tpu.memory_space<hbm>> -> memref<50x64xf32, #tpu.memory_space<hbm>>
      %dma_start3A_345 = arith.constant 0 : i32
      %dma_start3A_346 = arith.constant 0 : i32
      %dma_start3A_347 = tpu.memref_slice %arg4[%add3A_337, %dma_start3A_345, %dma_start3A_346] : memref<16384x50x64xf32, #tpu.memory_space<hbm>> -> memref<1x50x64xf32, #tpu.memory_space<hbm>>
      %dma_start3A_348 = tpu.memref_squeeze %dma_start3A_347 : memref<1x50x64xf32, #tpu.memory_space<hbm>> -> memref<50x64xf32, #tpu.memory_space<hbm>>
      %dma_start3A_349 = arith.constant 0 : i32
      %dma_start3A_350 = arith.constant 0 : i32
      %dma_start3A_351 = tpu.memref_slice %arg7[%dma_start3A_349, %dma_start3A_350] : memref<400x64xf32, #tpu.memory_space<vmem>> -> memref<50x64xf32, #tpu.memory_space<vmem>>
      tpu.enqueue_dma source(%dma_start3A_351 : memref<50x64xf32, #tpu.memory_space<vmem>>) target(%dma_start3A_348 : memref<50x64xf32, #tpu.memory_space<hbm>>) target_semaphore(%arg13 : memref<!tpu.dma_semaphore, #tpu.memory_space<semaphore_mem>>)
      %mul3A_352 = arith.constant 8 : i32
      %mul3A_353 = arith.muli %add3A_322, %mul3A_352 : i32
      %add3A_354 = arith.addi %mul3A_2, %mul3A_353 : i32
      %add3A_355 = arith.constant 1 : i32
      %add3A_356 = arith.addi %add3A_354, %add3A_355 : i32
      %dma_start3A_357 = arith.constant 50 : i32
      %dma_start3A_358 = arith.constant 0 : i32
      %dma_start3A_359 = tpu.memref_slice %arg7[%dma_start3A_357, %dma_start3A_358] : memref<400x64xf32, #tpu.memory_space<vmem>> -> memref<50x64xf32, #tpu.memory_space<vmem>>
      %dma_start3A_360 = arith.constant 0 : i32
      %dma_start3A_361 = arith.constant 0 : i32
      %dma_start3A_362 = tpu.memref_slice %arg4[%add3A_356, %dma_start3A_360, %dma_start3A_361] : memref<16384x50x64xf32, #tpu.memory_space<hbm>> -> memref<1x50x64xf32, #tpu.memory_space<hbm>>
      %dma_start3A_363 = tpu.memref_squeeze %dma_start3A_362 : memref<1x50x64xf32, #tpu.memory_space<hbm>> -> memref<50x64xf32, #tpu.memory_space<hbm>>
      %dma_start3A_364 = arith.constant 0 : i32
      %dma_start3A_365 = arith.constant 0 : i32
      %dma_start3A_366 = tpu.memref_slice %arg4[%add3A_356, %dma_start3A_364, %dma_start3A_365] : memref<16384x50x64xf32, #tpu.memory_space<hbm>> -> memref<1x50x64xf32, #tpu.memory_space<hbm>>
      %dma_start3A_367 = tpu.memref_squeeze %dma_start3A_366 : memref<1x50x64xf32, #tpu.memory_space<hbm>> -> memref<50x64xf32, #tpu.memory_space<hbm>>
      %dma_start3A_368 = arith.constant 50 : i32
      %dma_start3A_369 = arith.constant 0 : i32
      %dma_start3A_370 = tpu.memref_slice %arg7[%dma_start3A_368, %dma_start3A_369] : memref<400x64xf32, #tpu.memory_space<vmem>> -> memref<50x64xf32, #tpu.memory_space<vmem>>
      tpu.enqueue_dma source(%dma_start3A_370 : memref<50x64xf32, #tpu.memory_space<vmem>>) target(%dma_start3A_367 : memref<50x64xf32, #tpu.memory_space<hbm>>) target_semaphore(%arg13 : memref<!tpu.dma_semaphore, #tpu.memory_space<semaphore_mem>>)
      %mul3A_371 = arith.constant 8 : i32
      %mul3A_372 = arith.muli %add3A_322, %mul3A_371 : i32
      %add3A_373 = arith.addi %mul3A_2, %mul3A_372 : i32
      %add3A_374 = arith.constant 2 : i32
      %add3A_375 = arith.addi %add3A_373, %add3A_374 : i32
      %dma_start3A_376 = arith.constant 100 : i32
      %dma_start3A_377 = arith.constant 0 : i32
      %dma_start3A_378 = tpu.memref_slice %arg7[%dma_start3A_376, %dma_start3A_377] : memref<400x64xf32, #tpu.memory_space<vmem>> -> memref<50x64xf32, #tpu.memory_space<vmem>>
      %dma_start3A_379 = arith.constant 0 : i32
      %dma_start3A_380 = arith.constant 0 : i32
      %dma_start3A_381 = tpu.memref_slice %arg4[%add3A_375, %dma_start3A_379, %dma_start3A_380] : memref<16384x50x64xf32, #tpu.memory_space<hbm>> -> memref<1x50x64xf32, #tpu.memory_space<hbm>>
      %dma_start3A_382 = tpu.memref_squeeze %dma_start3A_381 : memref<1x50x64xf32, #tpu.memory_space<hbm>> -> memref<50x64xf32, #tpu.memory_space<hbm>>
      %dma_start3A_383 = arith.constant 0 : i32
      %dma_start3A_384 = arith.constant 0 : i32
      %dma_start3A_385 = tpu.memref_slice %arg4[%add3A_375, %dma_start3A_383, %dma_start3A_384] : memref<16384x50x64xf32, #tpu.memory_space<hbm>> -> memref<1x50x64xf32, #tpu.memory_space<hbm>>
      %dma_start3A_386 = tpu.memref_squeeze %dma_start3A_385 : memref<1x50x64xf32, #tpu.memory_space<hbm>> -> memref<50x64xf32, #tpu.memory_space<hbm>>
      %dma_start3A_387 = arith.constant 100 : i32
      %dma_start3A_388 = arith.constant 0 : i32
      %dma_start3A_389 = tpu.memref_slice %arg7[%dma_start3A_387, %dma_start3A_388] : memref<400x64xf32, #tpu.memory_space<vmem>> -> memref<50x64xf32, #tpu.memory_space<vmem>>
      tpu.enqueue_dma source(%dma_start3A_389 : memref<50x64xf32, #tpu.memory_space<vmem>>) target(%dma_start3A_386 : memref<50x64xf32, #tpu.memory_space<hbm>>) target_semaphore(%arg13 : memref<!tpu.dma_semaphore, #tpu.memory_space<semaphore_mem>>)
      %mul3A_390 = arith.constant 8 : i32
      %mul3A_391 = arith.muli %add3A_322, %mul3A_390 : i32
      %add3A_392 = arith.addi %mul3A_2, %mul3A_391 : i32
      %add3A_393 = arith.constant 3 : i32
      %add3A_394 = arith.addi %add3A_392, %add3A_393 : i32
      %dma_start3A_395 = arith.constant 150 : i32
      %dma_start3A_396 = arith.constant 0 : i32
      %dma_start3A_397 = tpu.memref_slice %arg7[%dma_start3A_395, %dma_start3A_396] : memref<400x64xf32, #tpu.memory_space<vmem>> -> memref<50x64xf32, #tpu.memory_space<vmem>>
      %dma_start3A_398 = arith.constant 0 : i32
      %dma_start3A_399 = arith.constant 0 : i32
      %dma_start3A_400 = tpu.memref_slice %arg4[%add3A_394, %dma_start3A_398, %dma_start3A_399] : memref<16384x50x64xf32, #tpu.memory_space<hbm>> -> memref<1x50x64xf32, #tpu.memory_space<hbm>>
      %dma_start3A_401 = tpu.memref_squeeze %dma_start3A_400 : memref<1x50x64xf32, #tpu.memory_space<hbm>> -> memref<50x64xf32, #tpu.memory_space<hbm>>
      %dma_start3A_402 = arith.constant 0 : i32
      %dma_start3A_403 = arith.constant 0 : i32
      %dma_start3A_404 = tpu.memref_slice %arg4[%add3A_394, %dma_start3A_402, %dma_start3A_403] : memref<16384x50x64xf32, #tpu.memory_space<hbm>> -> memref<1x50x64xf32, #tpu.memory_space<hbm>>
      %dma_start3A_405 = tpu.memref_squeeze %dma_start3A_404 : memref<1x50x64xf32, #tpu.memory_space<hbm>> -> memref<50x64xf32, #tpu.memory_space<hbm>>
      %dma_start3A_406 = arith.constant 150 : i32
      %dma_start3A_407 = arith.constant 0 : i32
      %dma_start3A_408 = tpu.memref_slice %arg7[%dma_start3A_406, %dma_start3A_407] : memref<400x64xf32, #tpu.memory_space<vmem>> -> memref<50x64xf32, #tpu.memory_space<vmem>>
      tpu.enqueue_dma source(%dma_start3A_408 : memref<50x64xf32, #tpu.memory_space<vmem>>) target(%dma_start3A_405 : memref<50x64xf32, #tpu.memory_space<hbm>>) target_semaphore(%arg13 : memref<!tpu.dma_semaphore, #tpu.memory_space<semaphore_mem>>)
      %mul3A_409 = arith.constant 8 : i32
      %mul3A_410 = arith.muli %add3A_322, %mul3A_409 : i32
      %add3A_411 = arith.addi %mul3A_2, %mul3A_410 : i32
      %add3A_412 = arith.constant 4 : i32
      %add3A_413 = arith.addi %add3A_411, %add3A_412 : i32
      %dma_start3A_414 = arith.constant 200 : i32
      %dma_start3A_415 = arith.constant 0 : i32
      %dma_start3A_416 = tpu.memref_slice %arg7[%dma_start3A_414, %dma_start3A_415] : memref<400x64xf32, #tpu.memory_space<vmem>> -> memref<50x64xf32, #tpu.memory_space<vmem>>
      %dma_start3A_417 = arith.constant 0 : i32
      %dma_start3A_418 = arith.constant 0 : i32
      %dma_start3A_419 = tpu.memref_slice %arg4[%add3A_413, %dma_start3A_417, %dma_start3A_418] : memref<16384x50x64xf32, #tpu.memory_space<hbm>> -> memref<1x50x64xf32, #tpu.memory_space<hbm>>
      %dma_start3A_420 = tpu.memref_squeeze %dma_start3A_419 : memref<1x50x64xf32, #tpu.memory_space<hbm>> -> memref<50x64xf32, #tpu.memory_space<hbm>>
      %dma_start3A_421 = arith.constant 0 : i32
      %dma_start3A_422 = arith.constant 0 : i32
      %dma_start3A_423 = tpu.memref_slice %arg4[%add3A_413, %dma_start3A_421, %dma_start3A_422] : memref<16384x50x64xf32, #tpu.memory_space<hbm>> -> memref<1x50x64xf32, #tpu.memory_space<hbm>>
      %dma_start3A_424 = tpu.memref_squeeze %dma_start3A_423 : memref<1x50x64xf32, #tpu.memory_space<hbm>> -> memref<50x64xf32, #tpu.memory_space<hbm>>
      %dma_start3A_425 = arith.constant 200 : i32
      %dma_start3A_426 = arith.constant 0 : i32
      %dma_start3A_427 = tpu.memref_slice %arg7[%dma_start3A_425, %dma_start3A_426] : memref<400x64xf32, #tpu.memory_space<vmem>> -> memref<50x64xf32, #tpu.memory_space<vmem>>
      tpu.enqueue_dma source(%dma_start3A_427 : memref<50x64xf32, #tpu.memory_space<vmem>>) target(%dma_start3A_424 : memref<50x64xf32, #tpu.memory_space<hbm>>) target_semaphore(%arg13 : memref<!tpu.dma_semaphore, #tpu.memory_space<semaphore_mem>>)
      %mul3A_428 = arith.constant 8 : i32
      %mul3A_429 = arith.muli %add3A_322, %mul3A_428 : i32
      %add3A_430 = arith.addi %mul3A_2, %mul3A_429 : i32
      %add3A_431 = arith.constant 5 : i32
      %add3A_432 = arith.addi %add3A_430, %add3A_431 : i32
      %dma_start3A_433 = arith.constant 250 : i32
      %dma_start3A_434 = arith.constant 0 : i32
      %dma_start3A_435 = tpu.memref_slice %arg7[%dma_start3A_433, %dma_start3A_434] : memref<400x64xf32, #tpu.memory_space<vmem>> -> memref<50x64xf32, #tpu.memory_space<vmem>>
      %dma_start3A_436 = arith.constant 0 : i32
      %dma_start3A_437 = arith.constant 0 : i32
      %dma_start3A_438 = tpu.memref_slice %arg4[%add3A_432, %dma_start3A_436, %dma_start3A_437] : memref<16384x50x64xf32, #tpu.memory_space<hbm>> -> memref<1x50x64xf32, #tpu.memory_space<hbm>>
      %dma_start3A_439 = tpu.memref_squeeze %dma_start3A_438 : memref<1x50x64xf32, #tpu.memory_space<hbm>> -> memref<50x64xf32, #tpu.memory_space<hbm>>
      %dma_start3A_440 = arith.constant 0 : i32
      %dma_start3A_441 = arith.constant 0 : i32
      %dma_start3A_442 = tpu.memref_slice %arg4[%add3A_432, %dma_start3A_440, %dma_start3A_441] : memref<16384x50x64xf32, #tpu.memory_space<hbm>> -> memref<1x50x64xf32, #tpu.memory_space<hbm>>
      %dma_start3A_443 = tpu.memref_squeeze %dma_start3A_442 : memref<1x50x64xf32, #tpu.memory_space<hbm>> -> memref<50x64xf32, #tpu.memory_space<hbm>>
      %dma_start3A_444 = arith.constant 250 : i32
      %dma_start3A_445 = arith.constant 0 : i32
      %dma_start3A_446 = tpu.memref_slice %arg7[%dma_start3A_444, %dma_start3A_445] : memref<400x64xf32, #tpu.memory_space<vmem>> -> memref<50x64xf32, #tpu.memory_space<vmem>>
      tpu.enqueue_dma source(%dma_start3A_446 : memref<50x64xf32, #tpu.memory_space<vmem>>) target(%dma_start3A_443 : memref<50x64xf32, #tpu.memory_space<hbm>>) target_semaphore(%arg13 : memref<!tpu.dma_semaphore, #tpu.memory_space<semaphore_mem>>)
      %mul3A_447 = arith.constant 8 : i32
      %mul3A_448 = arith.muli %add3A_322, %mul3A_447 : i32
      %add3A_449 = arith.addi %mul3A_2, %mul3A_448 : i32
      %add3A_450 = arith.constant 6 : i32
      %add3A_451 = arith.addi %add3A_449, %add3A_450 : i32
      %dma_start3A_452 = arith.constant 300 : i32
      %dma_start3A_453 = arith.constant 0 : i32
      %dma_start3A_454 = tpu.memref_slice %arg7[%dma_start3A_452, %dma_start3A_453] : memref<400x64xf32, #tpu.memory_space<vmem>> -> memref<50x64xf32, #tpu.memory_space<vmem>>
      %dma_start3A_455 = arith.constant 0 : i32
      %dma_start3A_456 = arith.constant 0 : i32
      %dma_start3A_457 = tpu.memref_slice %arg4[%add3A_451, %dma_start3A_455, %dma_start3A_456] : memref<16384x50x64xf32, #tpu.memory_space<hbm>> -> memref<1x50x64xf32, #tpu.memory_space<hbm>>
      %dma_start3A_458 = tpu.memref_squeeze %dma_start3A_457 : memref<1x50x64xf32, #tpu.memory_space<hbm>> -> memref<50x64xf32, #tpu.memory_space<hbm>>
      %dma_start3A_459 = arith.constant 0 : i32
      %dma_start3A_460 = arith.constant 0 : i32
      %dma_start3A_461 = tpu.memref_slice %arg4[%add3A_451, %dma_start3A_459, %dma_start3A_460] : memref<16384x50x64xf32, #tpu.memory_space<hbm>> -> memref<1x50x64xf32, #tpu.memory_space<hbm>>
      %dma_start3A_462 = tpu.memref_squeeze %dma_start3A_461 : memref<1x50x64xf32, #tpu.memory_space<hbm>> -> memref<50x64xf32, #tpu.memory_space<hbm>>
      %dma_start3A_463 = arith.constant 300 : i32
      %dma_start3A_464 = arith.constant 0 : i32
      %dma_start3A_465 = tpu.memref_slice %arg7[%dma_start3A_463, %dma_start3A_464] : memref<400x64xf32, #tpu.memory_space<vmem>> -> memref<50x64xf32, #tpu.memory_space<vmem>>
      tpu.enqueue_dma source(%dma_start3A_465 : memref<50x64xf32, #tpu.memory_space<vmem>>) target(%dma_start3A_462 : memref<50x64xf32, #tpu.memory_space<hbm>>) target_semaphore(%arg13 : memref<!tpu.dma_semaphore, #tpu.memory_space<semaphore_mem>>)
      %mul3A_466 = arith.constant 8 : i32
      %mul3A_467 = arith.muli %add3A_322, %mul3A_466 : i32
      %add3A_468 = arith.addi %mul3A_2, %mul3A_467 : i32
      %add3A_469 = arith.constant 7 : i32
      %add3A_470 = arith.addi %add3A_468, %add3A_469 : i32
      %dma_start3A_471 = arith.constant 350 : i32
      %dma_start3A_472 = arith.constant 0 : i32
      %dma_start3A_473 = tpu.memref_slice %arg7[%dma_start3A_471, %dma_start3A_472] : memref<400x64xf32, #tpu.memory_space<vmem>> -> memref<50x64xf32, #tpu.memory_space<vmem>>
      %dma_start3A_474 = arith.constant 0 : i32
      %dma_start3A_475 = arith.constant 0 : i32
      %dma_start3A_476 = tpu.memref_slice %arg4[%add3A_470, %dma_start3A_474, %dma_start3A_475] : memref<16384x50x64xf32, #tpu.memory_space<hbm>> -> memref<1x50x64xf32, #tpu.memory_space<hbm>>
      %dma_start3A_477 = tpu.memref_squeeze %dma_start3A_476 : memref<1x50x64xf32, #tpu.memory_space<hbm>> -> memref<50x64xf32, #tpu.memory_space<hbm>>
      %dma_start3A_478 = arith.constant 0 : i32
      %dma_start3A_479 = arith.constant 0 : i32
      %dma_start3A_480 = tpu.memref_slice %arg4[%add3A_470, %dma_start3A_478, %dma_start3A_479] : memref<16384x50x64xf32, #tpu.memory_space<hbm>> -> memref<1x50x64xf32, #tpu.memory_space<hbm>>
      %dma_start3A_481 = tpu.memref_squeeze %dma_start3A_480 : memref<1x50x64xf32, #tpu.memory_space<hbm>> -> memref<50x64xf32, #tpu.memory_space<hbm>>
      %dma_start3A_482 = arith.constant 350 : i32
      %dma_start3A_483 = arith.constant 0 : i32
      %dma_start3A_484 = tpu.memref_slice %arg7[%dma_start3A_482, %dma_start3A_483] : memref<400x64xf32, #tpu.memory_space<vmem>> -> memref<50x64xf32, #tpu.memory_space<vmem>>
      tpu.enqueue_dma source(%dma_start3A_484 : memref<50x64xf32, #tpu.memory_space<vmem>>) target(%dma_start3A_481 : memref<50x64xf32, #tpu.memory_space<hbm>>) target_semaphore(%arg13 : memref<!tpu.dma_semaphore, #tpu.memory_space<semaphore_mem>>)
      %mul3A_485 = arith.constant 2 : i32
      %mul3A_486 = arith.muli %mul3A_485, %scan3A_318 : i32
      %add3A_487 = arith.constant 1 : i32
      %add3A_488 = arith.addi %mul3A_486, %add3A_487 : i32
      %add3A_489 = arith.constant 1 : i32
      %add3A_490 = arith.addi %add3A_488, %add3A_489 : i32
      %lt3A_491 = arith.constant 64 : i32
      %lt3A_492 = arith.cmpi slt, %add3A_490, %lt3A_491 : i32
      %convert_element_type3A_493 = arith.extui %lt3A_492 : i1 to i32
      %cond3A_494 = arith.constant 0 : i32
      %cond3A_495 = arith.cmpi ne, %convert_element_type3A_493, %cond3A_494 : i32
      scf.if %cond3A_495 {
        %ge3A = arith.constant 1 : i32
        %ge3A_654 = arith.cmpi sge, %add3A_488, %ge3A : i32
        %convert_element_type3A_655 = arith.extui %ge3A_654 : i1 to i32
        %cond3A_656 = arith.constant 0 : i32
        %cond3A_657 = arith.cmpi ne, %convert_element_type3A_655, %cond3A_656 : i32
        scf.if %cond3A_657 {
          %sub3A = arith.constant 1 : i32
          %sub3A_678 = arith.subi %add3A_488, %sub3A : i32
          %mul3A_679 = arith.constant 8 : i32
          %mul3A_680 = arith.muli %sub3A_678, %mul3A_679 : i32
          %add3A_681 = arith.addi %mul3A_2, %mul3A_680 : i32
          %add3A_682 = arith.constant 0 : i32
          %add3A_683 = arith.addi %add3A_681, %add3A_682 : i32
          %dma_wait3A_684 = arith.constant 0 : i32
          %dma_wait3A_685 = arith.constant 0 : i32
          %dma_wait3A_686 = tpu.memref_slice %arg7[%dma_wait3A_684, %dma_wait3A_685] : memref<400x64xf32, #tpu.memory_space<vmem>> -> memref<50x64xf32, #tpu.memory_space<vmem>>
          %dma_wait3A_687 = arith.constant 0 : i32
          %dma_wait3A_688 = arith.constant 0 : i32
          %dma_wait3A_689 = tpu.memref_slice %arg4[%add3A_683, %dma_wait3A_687, %dma_wait3A_688] : memref<16384x50x64xf32, #tpu.memory_space<hbm>> -> memref<1x50x64xf32, #tpu.memory_space<hbm>>
          %dma_wait3A_690 = tpu.memref_squeeze %dma_wait3A_689 : memref<1x50x64xf32, #tpu.memory_space<hbm>> -> memref<50x64xf32, #tpu.memory_space<hbm>>
          %dma_wait3A_691 = arith.constant 0 : i32
          %dma_wait3A_692 = arith.constant 0 : i32
          %dma_wait3A_693 = tpu.memref_slice %arg4[%add3A_683, %dma_wait3A_691, %dma_wait3A_692] : memref<16384x50x64xf32, #tpu.memory_space<hbm>> -> memref<1x50x64xf32, #tpu.memory_space<hbm>>
          %dma_wait3A_694 = tpu.memref_squeeze %dma_wait3A_693 : memref<1x50x64xf32, #tpu.memory_space<hbm>> -> memref<50x64xf32, #tpu.memory_space<hbm>>
          %dma_wait3A_695 = arith.constant 0 : i32
          %dma_wait3A_696 = arith.constant 0 : i32
          %dma_wait3A_697 = tpu.memref_slice %arg7[%dma_wait3A_695, %dma_wait3A_696] : memref<400x64xf32, #tpu.memory_space<vmem>> -> memref<50x64xf32, #tpu.memory_space<vmem>>
          tpu.wait_dma2 semaphore(%arg13 : memref<!tpu.dma_semaphore, #tpu.memory_space<semaphore_mem>>) src(%dma_wait3A_697 : memref<50x64xf32, #tpu.memory_space<vmem>>) dst(%dma_wait3A_694 : memref<50x64xf32, #tpu.memory_space<hbm>>)
          %mul3A_698 = arith.constant 8 : i32
          %mul3A_699 = arith.muli %sub3A_678, %mul3A_698 : i32
          %add3A_700 = arith.addi %mul3A_2, %mul3A_699 : i32
          %add3A_701 = arith.constant 1 : i32
          %add3A_702 = arith.addi %add3A_700, %add3A_701 : i32
          %dma_wait3A_703 = arith.constant 50 : i32
          %dma_wait3A_704 = arith.constant 0 : i32
          %dma_wait3A_705 = tpu.memref_slice %arg7[%dma_wait3A_703, %dma_wait3A_704] : memref<400x64xf32, #tpu.memory_space<vmem>> -> memref<50x64xf32, #tpu.memory_space<vmem>>
          %dma_wait3A_706 = arith.constant 0 : i32
          %dma_wait3A_707 = arith.constant 0 : i32
          %dma_wait3A_708 = tpu.memref_slice %arg4[%add3A_702, %dma_wait3A_706, %dma_wait3A_707] : memref<16384x50x64xf32, #tpu.memory_space<hbm>> -> memref<1x50x64xf32, #tpu.memory_space<hbm>>
          %dma_wait3A_709 = tpu.memref_squeeze %dma_wait3A_708 : memref<1x50x64xf32, #tpu.memory_space<hbm>> -> memref<50x64xf32, #tpu.memory_space<hbm>>
          %dma_wait3A_710 = arith.constant 0 : i32
          %dma_wait3A_711 = arith.constant 0 : i32
          %dma_wait3A_712 = tpu.memref_slice %arg4[%add3A_702, %dma_wait3A_710, %dma_wait3A_711] : memref<16384x50x64xf32, #tpu.memory_space<hbm>> -> memref<1x50x64xf32, #tpu.memory_space<hbm>>
          %dma_wait3A_713 = tpu.memref_squeeze %dma_wait3A_712 : memref<1x50x64xf32, #tpu.memory_space<hbm>> -> memref<50x64xf32, #tpu.memory_space<hbm>>
          %dma_wait3A_714 = arith.constant 50 : i32
          %dma_wait3A_715 = arith.constant 0 : i32
          %dma_wait3A_716 = tpu.memref_slice %arg7[%dma_wait3A_714, %dma_wait3A_715] : memref<400x64xf32, #tpu.memory_space<vmem>> -> memref<50x64xf32, #tpu.memory_space<vmem>>
          tpu.wait_dma2 semaphore(%arg13 : memref<!tpu.dma_semaphore, #tpu.memory_space<semaphore_mem>>) src(%dma_wait3A_716 : memref<50x64xf32, #tpu.memory_space<vmem>>) dst(%dma_wait3A_713 : memref<50x64xf32, #tpu.memory_space<hbm>>)
          %mul3A_717 = arith.constant 8 : i32
          %mul3A_718 = arith.muli %sub3A_678, %mul3A_717 : i32
          %add3A_719 = arith.addi %mul3A_2, %mul3A_718 : i32
          %add3A_720 = arith.constant 2 : i32
          %add3A_721 = arith.addi %add3A_719, %add3A_720 : i32
          %dma_wait3A_722 = arith.constant 100 : i32
          %dma_wait3A_723 = arith.constant 0 : i32
          %dma_wait3A_724 = tpu.memref_slice %arg7[%dma_wait3A_722, %dma_wait3A_723] : memref<400x64xf32, #tpu.memory_space<vmem>> -> memref<50x64xf32, #tpu.memory_space<vmem>>
          %dma_wait3A_725 = arith.constant 0 : i32
          %dma_wait3A_726 = arith.constant 0 : i32
          %dma_wait3A_727 = tpu.memref_slice %arg4[%add3A_721, %dma_wait3A_725, %dma_wait3A_726] : memref<16384x50x64xf32, #tpu.memory_space<hbm>> -> memref<1x50x64xf32, #tpu.memory_space<hbm>>
          %dma_wait3A_728 = tpu.memref_squeeze %dma_wait3A_727 : memref<1x50x64xf32, #tpu.memory_space<hbm>> -> memref<50x64xf32, #tpu.memory_space<hbm>>
          %dma_wait3A_729 = arith.constant 0 : i32
          %dma_wait3A_730 = arith.constant 0 : i32
          %dma_wait3A_731 = tpu.memref_slice %arg4[%add3A_721, %dma_wait3A_729, %dma_wait3A_730] : memref<16384x50x64xf32, #tpu.memory_space<hbm>> -> memref<1x50x64xf32, #tpu.memory_space<hbm>>
          %dma_wait3A_732 = tpu.memref_squeeze %dma_wait3A_731 : memref<1x50x64xf32, #tpu.memory_space<hbm>> -> memref<50x64xf32, #tpu.memory_space<hbm>>
          %dma_wait3A_733 = arith.constant 100 : i32
          %dma_wait3A_734 = arith.constant 0 : i32
          %dma_wait3A_735 = tpu.memref_slice %arg7[%dma_wait3A_733, %dma_wait3A_734] : memref<400x64xf32, #tpu.memory_space<vmem>> -> memref<50x64xf32, #tpu.memory_space<vmem>>
          tpu.wait_dma2 semaphore(%arg13 : memref<!tpu.dma_semaphore, #tpu.memory_space<semaphore_mem>>) src(%dma_wait3A_735 : memref<50x64xf32, #tpu.memory_space<vmem>>) dst(%dma_wait3A_732 : memref<50x64xf32, #tpu.memory_space<hbm>>)
          %mul3A_736 = arith.constant 8 : i32
          %mul3A_737 = arith.muli %sub3A_678, %mul3A_736 : i32
          %add3A_738 = arith.addi %mul3A_2, %mul3A_737 : i32
          %add3A_739 = arith.constant 3 : i32
          %add3A_740 = arith.addi %add3A_738, %add3A_739 : i32
          %dma_wait3A_741 = arith.constant 150 : i32
          %dma_wait3A_742 = arith.constant 0 : i32
          %dma_wait3A_743 = tpu.memref_slice %arg7[%dma_wait3A_741, %dma_wait3A_742] : memref<400x64xf32, #tpu.memory_space<vmem>> -> memref<50x64xf32, #tpu.memory_space<vmem>>
          %dma_wait3A_744 = arith.constant 0 : i32
          %dma_wait3A_745 = arith.constant 0 : i32
          %dma_wait3A_746 = tpu.memref_slice %arg4[%add3A_740, %dma_wait3A_744, %dma_wait3A_745] : memref<16384x50x64xf32, #tpu.memory_space<hbm>> -> memref<1x50x64xf32, #tpu.memory_space<hbm>>
          %dma_wait3A_747 = tpu.memref_squeeze %dma_wait3A_746 : memref<1x50x64xf32, #tpu.memory_space<hbm>> -> memref<50x64xf32, #tpu.memory_space<hbm>>
          %dma_wait3A_748 = arith.constant 0 : i32
          %dma_wait3A_749 = arith.constant 0 : i32
          %dma_wait3A_750 = tpu.memref_slice %arg4[%add3A_740, %dma_wait3A_748, %dma_wait3A_749] : memref<16384x50x64xf32, #tpu.memory_space<hbm>> -> memref<1x50x64xf32, #tpu.memory_space<hbm>>
          %dma_wait3A_751 = tpu.memref_squeeze %dma_wait3A_750 : memref<1x50x64xf32, #tpu.memory_space<hbm>> -> memref<50x64xf32, #tpu.memory_space<hbm>>
          %dma_wait3A_752 = arith.constant 150 : i32
          %dma_wait3A_753 = arith.constant 0 : i32
          %dma_wait3A_754 = tpu.memref_slice %arg7[%dma_wait3A_752, %dma_wait3A_753] : memref<400x64xf32, #tpu.memory_space<vmem>> -> memref<50x64xf32, #tpu.memory_space<vmem>>
          tpu.wait_dma2 semaphore(%arg13 : memref<!tpu.dma_semaphore, #tpu.memory_space<semaphore_mem>>) src(%dma_wait3A_754 : memref<50x64xf32, #tpu.memory_space<vmem>>) dst(%dma_wait3A_751 : memref<50x64xf32, #tpu.memory_space<hbm>>)
          %mul3A_755 = arith.constant 8 : i32
          %mul3A_756 = arith.muli %sub3A_678, %mul3A_755 : i32
          %add3A_757 = arith.addi %mul3A_2, %mul3A_756 : i32
          %add3A_758 = arith.constant 4 : i32
          %add3A_759 = arith.addi %add3A_757, %add3A_758 : i32
          %dma_wait3A_760 = arith.constant 200 : i32
          %dma_wait3A_761 = arith.constant 0 : i32
          %dma_wait3A_762 = tpu.memref_slice %arg7[%dma_wait3A_760, %dma_wait3A_761] : memref<400x64xf32, #tpu.memory_space<vmem>> -> memref<50x64xf32, #tpu.memory_space<vmem>>
          %dma_wait3A_763 = arith.constant 0 : i32
          %dma_wait3A_764 = arith.constant 0 : i32
          %dma_wait3A_765 = tpu.memref_slice %arg4[%add3A_759, %dma_wait3A_763, %dma_wait3A_764] : memref<16384x50x64xf32, #tpu.memory_space<hbm>> -> memref<1x50x64xf32, #tpu.memory_space<hbm>>
          %dma_wait3A_766 = tpu.memref_squeeze %dma_wait3A_765 : memref<1x50x64xf32, #tpu.memory_space<hbm>> -> memref<50x64xf32, #tpu.memory_space<hbm>>
          %dma_wait3A_767 = arith.constant 0 : i32
          %dma_wait3A_768 = arith.constant 0 : i32
          %dma_wait3A_769 = tpu.memref_slice %arg4[%add3A_759, %dma_wait3A_767, %dma_wait3A_768] : memref<16384x50x64xf32, #tpu.memory_space<hbm>> -> memref<1x50x64xf32, #tpu.memory_space<hbm>>
          %dma_wait3A_770 = tpu.memref_squeeze %dma_wait3A_769 : memref<1x50x64xf32, #tpu.memory_space<hbm>> -> memref<50x64xf32, #tpu.memory_space<hbm>>
          %dma_wait3A_771 = arith.constant 200 : i32
          %dma_wait3A_772 = arith.constant 0 : i32
          %dma_wait3A_773 = tpu.memref_slice %arg7[%dma_wait3A_771, %dma_wait3A_772] : memref<400x64xf32, #tpu.memory_space<vmem>> -> memref<50x64xf32, #tpu.memory_space<vmem>>
          tpu.wait_dma2 semaphore(%arg13 : memref<!tpu.dma_semaphore, #tpu.memory_space<semaphore_mem>>) src(%dma_wait3A_773 : memref<50x64xf32, #tpu.memory_space<vmem>>) dst(%dma_wait3A_770 : memref<50x64xf32, #tpu.memory_space<hbm>>)
          %mul3A_774 = arith.constant 8 : i32
          %mul3A_775 = arith.muli %sub3A_678, %mul3A_774 : i32
          %add3A_776 = arith.addi %mul3A_2, %mul3A_775 : i32
          %add3A_777 = arith.constant 5 : i32
          %add3A_778 = arith.addi %add3A_776, %add3A_777 : i32
          %dma_wait3A_779 = arith.constant 250 : i32
          %dma_wait3A_780 = arith.constant 0 : i32
          %dma_wait3A_781 = tpu.memref_slice %arg7[%dma_wait3A_779, %dma_wait3A_780] : memref<400x64xf32, #tpu.memory_space<vmem>> -> memref<50x64xf32, #tpu.memory_space<vmem>>
          %dma_wait3A_782 = arith.constant 0 : i32
          %dma_wait3A_783 = arith.constant 0 : i32
          %dma_wait3A_784 = tpu.memref_slice %arg4[%add3A_778, %dma_wait3A_782, %dma_wait3A_783] : memref<16384x50x64xf32, #tpu.memory_space<hbm>> -> memref<1x50x64xf32, #tpu.memory_space<hbm>>
          %dma_wait3A_785 = tpu.memref_squeeze %dma_wait3A_784 : memref<1x50x64xf32, #tpu.memory_space<hbm>> -> memref<50x64xf32, #tpu.memory_space<hbm>>
          %dma_wait3A_786 = arith.constant 0 : i32
          %dma_wait3A_787 = arith.constant 0 : i32
          %dma_wait3A_788 = tpu.memref_slice %arg4[%add3A_778, %dma_wait3A_786, %dma_wait3A_787] : memref<16384x50x64xf32, #tpu.memory_space<hbm>> -> memref<1x50x64xf32, #tpu.memory_space<hbm>>
          %dma_wait3A_789 = tpu.memref_squeeze %dma_wait3A_788 : memref<1x50x64xf32, #tpu.memory_space<hbm>> -> memref<50x64xf32, #tpu.memory_space<hbm>>
          %dma_wait3A_790 = arith.constant 250 : i32
          %dma_wait3A_791 = arith.constant 0 : i32
          %dma_wait3A_792 = tpu.memref_slice %arg7[%dma_wait3A_790, %dma_wait3A_791] : memref<400x64xf32, #tpu.memory_space<vmem>> -> memref<50x64xf32, #tpu.memory_space<vmem>>
          tpu.wait_dma2 semaphore(%arg13 : memref<!tpu.dma_semaphore, #tpu.memory_space<semaphore_mem>>) src(%dma_wait3A_792 : memref<50x64xf32, #tpu.memory_space<vmem>>) dst(%dma_wait3A_789 : memref<50x64xf32, #tpu.memory_space<hbm>>)
          %mul3A_793 = arith.constant 8 : i32
          %mul3A_794 = arith.muli %sub3A_678, %mul3A_793 : i32
          %add3A_795 = arith.addi %mul3A_2, %mul3A_794 : i32
          %add3A_796 = arith.constant 6 : i32
          %add3A_797 = arith.addi %add3A_795, %add3A_796 : i32
          %dma_wait3A_798 = arith.constant 300 : i32
          %dma_wait3A_799 = arith.constant 0 : i32
          %dma_wait3A_800 = tpu.memref_slice %arg7[%dma_wait3A_798, %dma_wait3A_799] : memref<400x64xf32, #tpu.memory_space<vmem>> -> memref<50x64xf32, #tpu.memory_space<vmem>>
          %dma_wait3A_801 = arith.constant 0 : i32
          %dma_wait3A_802 = arith.constant 0 : i32
          %dma_wait3A_803 = tpu.memref_slice %arg4[%add3A_797, %dma_wait3A_801, %dma_wait3A_802] : memref<16384x50x64xf32, #tpu.memory_space<hbm>> -> memref<1x50x64xf32, #tpu.memory_space<hbm>>
          %dma_wait3A_804 = tpu.memref_squeeze %dma_wait3A_803 : memref<1x50x64xf32, #tpu.memory_space<hbm>> -> memref<50x64xf32, #tpu.memory_space<hbm>>
          %dma_wait3A_805 = arith.constant 0 : i32
          %dma_wait3A_806 = arith.constant 0 : i32
          %dma_wait3A_807 = tpu.memref_slice %arg4[%add3A_797, %dma_wait3A_805, %dma_wait3A_806] : memref<16384x50x64xf32, #tpu.memory_space<hbm>> -> memref<1x50x64xf32, #tpu.memory_space<hbm>>
          %dma_wait3A_808 = tpu.memref_squeeze %dma_wait3A_807 : memref<1x50x64xf32, #tpu.memory_space<hbm>> -> memref<50x64xf32, #tpu.memory_space<hbm>>
          %dma_wait3A_809 = arith.constant 300 : i32
          %dma_wait3A_810 = arith.constant 0 : i32
          %dma_wait3A_811 = tpu.memref_slice %arg7[%dma_wait3A_809, %dma_wait3A_810] : memref<400x64xf32, #tpu.memory_space<vmem>> -> memref<50x64xf32, #tpu.memory_space<vmem>>
          tpu.wait_dma2 semaphore(%arg13 : memref<!tpu.dma_semaphore, #tpu.memory_space<semaphore_mem>>) src(%dma_wait3A_811 : memref<50x64xf32, #tpu.memory_space<vmem>>) dst(%dma_wait3A_808 : memref<50x64xf32, #tpu.memory_space<hbm>>)
          %mul3A_812 = arith.constant 8 : i32
          %mul3A_813 = arith.muli %sub3A_678, %mul3A_812 : i32
          %add3A_814 = arith.addi %mul3A_2, %mul3A_813 : i32
          %add3A_815 = arith.constant 7 : i32
          %add3A_816 = arith.addi %add3A_814, %add3A_815 : i32
          %dma_wait3A_817 = arith.constant 350 : i32
          %dma_wait3A_818 = arith.constant 0 : i32
          %dma_wait3A_819 = tpu.memref_slice %arg7[%dma_wait3A_817, %dma_wait3A_818] : memref<400x64xf32, #tpu.memory_space<vmem>> -> memref<50x64xf32, #tpu.memory_space<vmem>>
          %dma_wait3A_820 = arith.constant 0 : i32
          %dma_wait3A_821 = arith.constant 0 : i32
          %dma_wait3A_822 = tpu.memref_slice %arg4[%add3A_816, %dma_wait3A_820, %dma_wait3A_821] : memref<16384x50x64xf32, #tpu.memory_space<hbm>> -> memref<1x50x64xf32, #tpu.memory_space<hbm>>
          %dma_wait3A_823 = tpu.memref_squeeze %dma_wait3A_822 : memref<1x50x64xf32, #tpu.memory_space<hbm>> -> memref<50x64xf32, #tpu.memory_space<hbm>>
          %dma_wait3A_824 = arith.constant 0 : i32
          %dma_wait3A_825 = arith.constant 0 : i32
          %dma_wait3A_826 = tpu.memref_slice %arg4[%add3A_816, %dma_wait3A_824, %dma_wait3A_825] : memref<16384x50x64xf32, #tpu.memory_space<hbm>> -> memref<1x50x64xf32, #tpu.memory_space<hbm>>
          %dma_wait3A_827 = tpu.memref_squeeze %dma_wait3A_826 : memref<1x50x64xf32, #tpu.memory_space<hbm>> -> memref<50x64xf32, #tpu.memory_space<hbm>>
          %dma_wait3A_828 = arith.constant 350 : i32
          %dma_wait3A_829 = arith.constant 0 : i32
          %dma_wait3A_830 = tpu.memref_slice %arg7[%dma_wait3A_828, %dma_wait3A_829] : memref<400x64xf32, #tpu.memory_space<vmem>> -> memref<50x64xf32, #tpu.memory_space<vmem>>
          tpu.wait_dma2 semaphore(%arg13 : memref<!tpu.dma_semaphore, #tpu.memory_space<semaphore_mem>>) src(%dma_wait3A_830 : memref<50x64xf32, #tpu.memory_space<vmem>>) dst(%dma_wait3A_827 : memref<50x64xf32, #tpu.memory_space<hbm>>)
        } else {
        }
        %add3A_658 = arith.constant 1 : i32
        %add3A_659 = arith.addi %add3A_488, %add3A_658 : i32
        %mul3A_660 = arith.constant 400 : i32
        %mul3A_661 = arith.muli %add3A_659, %mul3A_660 : i32
        %add3A_662 = arith.addi %mul3A_4, %mul3A_661 : i32
        %dma_wait3A_663 = tpu.memref_slice %arg2[%add3A_662] : memref<819200xi32, #tpu.memory_space<hbm>> -> memref<400xi32, #tpu.memory_space<hbm>>
        %dma_wait3A_664 = tpu.memref_slice %arg2[%add3A_662] : memref<819200xi32, #tpu.memory_space<hbm>> -> memref<400xi32, #tpu.memory_space<hbm>>
        tpu.wait_dma2 semaphore(%arg9 : memref<!tpu.dma_semaphore, #tpu.memory_space<semaphore_mem>>) src(%dma_wait3A_664 : memref<400xi32, #tpu.memory_space<hbm>>) dst(%arg5 : memref<400xi32, #tpu.memory_space<vmem>>)
        %scan3A_665 = arith.constant 0 : i32
        %scan3A_666 = arith.constant 0 : i32
        %scan3A_667 = arith.constant 25 : i32
        %scan3A_668 = arith.addi %scan3A_666, %scan3A_667 : i32
        %scan3A_669 = arith.constant 1 : i32
        scf.for %scan3A_678 = %scan3A_666 to %scan3A_668 step %scan3A_669  : i32 {
          %mul3A_679 = arith.constant 16 : i32
          %mul3A_680 = arith.muli %scan3A_678, %mul3A_679 : i32
          %get3A = arith.index_cast %mul3A_680 : i32 to index
          %get3A_681 = tpu.vector_load %arg5[%get3A] {strides = array<i32>} : memref<400xi32, #tpu.memory_space<vmem>>, vector<16xi32>,
          %get3A_682 = vector.shape_cast %get3A_681 : vector<16xi32> to vector<16xi32>
          %slice3A = vector.extract_strided_slice %get3A_682 {offsets = [0], sizes = [1], strides = [1]} : vector<16xi32> to vector<1xi32>
          %squeeze3A = vector.extract %slice3A[0] : i32 from vector<1xi32>
          %mul3A_683 = arith.constant 16 : i32
          %mul3A_684 = arith.muli %scan3A_678, %mul3A_683 : i32
          %add3A_685 = arith.constant 0 : i32
          %add3A_686 = arith.addi %mul3A_684, %add3A_685 : i32
          %dma_start3A_687 = arith.constant 0 : i32
          %dma_start3A_688 = tpu.memref_slice %arg7[%add3A_686, %dma_start3A_687] : memref<400x64xf32, #tpu.memory_space<vmem>> -> memref<1x64xf32, #tpu.memory_space<vmem>>
          %dma_start3A_689 = arith.constant 0 : i32
          %dma_start3A_690 = tpu.memref_slice %arg3[%squeeze3A, %dma_start3A_689] : memref<1000000x64xf32, #tpu.memory_space<hbm>> -> memref<1x64xf32, #tpu.memory_space<hbm>>
          %dma_start3A_691 = arith.constant 0 : i32
          %dma_start3A_692 = tpu.memref_slice %arg7[%add3A_686, %dma_start3A_691] : memref<400x64xf32, #tpu.memory_space<vmem>> -> memref<1x64xf32, #tpu.memory_space<vmem>>
          %dma_start3A_693 = arith.constant 0 : i32
          %dma_start3A_694 = tpu.memref_slice %arg3[%squeeze3A, %dma_start3A_693] : memref<1000000x64xf32, #tpu.memory_space<hbm>> -> memref<1x64xf32, #tpu.memory_space<hbm>>
          tpu.enqueue_dma source(%dma_start3A_694 : memref<1x64xf32, #tpu.memory_space<hbm>>) target(%dma_start3A_692 : memref<1x64xf32, #tpu.memory_space<vmem>>) target_semaphore(%arg11 : memref<!tpu.dma_semaphore, #tpu.memory_space<semaphore_mem>>)
          %slice3A_695 = vector.extract_strided_slice %get3A_682 {offsets = [1], sizes = [1], strides = [1]} : vector<16xi32> to vector<1xi32>
          %squeeze3A_696 = vector.extract %slice3A_695[0] : i32 from vector<1xi32>
          %mul3A_697 = arith.constant 16 : i32
          %mul3A_698 = arith.muli %scan3A_678, %mul3A_697 : i32
          %add3A_699 = arith.constant 1 : i32
          %add3A_700 = arith.addi %mul3A_698, %add3A_699 : i32
          %dma_start3A_701 = arith.constant 0 : i32
          %dma_start3A_702 = tpu.memref_slice %arg7[%add3A_700, %dma_start3A_701] : memref<400x64xf32, #tpu.memory_space<vmem>> -> memref<1x64xf32, #tpu.memory_space<vmem>>
          %dma_start3A_703 = arith.constant 0 : i32
          %dma_start3A_704 = tpu.memref_slice %arg3[%squeeze3A_696, %dma_start3A_703] : memref<1000000x64xf32, #tpu.memory_space<hbm>> -> memref<1x64xf32, #tpu.memory_space<hbm>>
          %dma_start3A_705 = arith.constant 0 : i32
          %dma_start3A_706 = tpu.memref_slice %arg7[%add3A_700, %dma_start3A_705] : memref<400x64xf32, #tpu.memory_space<vmem>> -> memref<1x64xf32, #tpu.memory_space<vmem>>
          %dma_start3A_707 = arith.constant 0 : i32
          %dma_start3A_708 = tpu.memref_slice %arg3[%squeeze3A_696, %dma_start3A_707] : memref<1000000x64xf32, #tpu.memory_space<hbm>> -> memref<1x64xf32, #tpu.memory_space<hbm>>
          tpu.enqueue_dma source(%dma_start3A_708 : memref<1x64xf32, #tpu.memory_space<hbm>>) target(%dma_start3A_706 : memref<1x64xf32, #tpu.memory_space<vmem>>) target_semaphore(%arg11 : memref<!tpu.dma_semaphore, #tpu.memory_space<semaphore_mem>>)
          %slice3A_709 = vector.extract_strided_slice %get3A_682 {offsets = [2], sizes = [1], strides = [1]} : vector<16xi32> to vector<1xi32>
          %squeeze3A_710 = vector.extract %slice3A_709[0] : i32 from vector<1xi32>
          %mul3A_711 = arith.constant 16 : i32
          %mul3A_712 = arith.muli %scan3A_678, %mul3A_711 : i32
          %add3A_713 = arith.constant 2 : i32
          %add3A_714 = arith.addi %mul3A_712, %add3A_713 : i32
          %dma_start3A_715 = arith.constant 0 : i32
          %dma_start3A_716 = tpu.memref_slice %arg7[%add3A_714, %dma_start3A_715] : memref<400x64xf32, #tpu.memory_space<vmem>> -> memref<1x64xf32, #tpu.memory_space<vmem>>
          %dma_start3A_717 = arith.constant 0 : i32
          %dma_start3A_718 = tpu.memref_slice %arg3[%squeeze3A_710, %dma_start3A_717] : memref<1000000x64xf32, #tpu.memory_space<hbm>> -> memref<1x64xf32, #tpu.memory_space<hbm>>
          %dma_start3A_719 = arith.constant 0 : i32
          %dma_start3A_720 = tpu.memref_slice %arg7[%add3A_714, %dma_start3A_719] : memref<400x64xf32, #tpu.memory_space<vmem>> -> memref<1x64xf32, #tpu.memory_space<vmem>>
          %dma_start3A_721 = arith.constant 0 : i32
          %dma_start3A_722 = tpu.memref_slice %arg3[%squeeze3A_710, %dma_start3A_721] : memref<1000000x64xf32, #tpu.memory_space<hbm>> -> memref<1x64xf32, #tpu.memory_space<hbm>>
          tpu.enqueue_dma source(%dma_start3A_722 : memref<1x64xf32, #tpu.memory_space<hbm>>) target(%dma_start3A_720 : memref<1x64xf32, #tpu.memory_space<vmem>>) target_semaphore(%arg11 : memref<!tpu.dma_semaphore, #tpu.memory_space<semaphore_mem>>)
          %slice3A_723 = vector.extract_strided_slice %get3A_682 {offsets = [3], sizes = [1], strides = [1]} : vector<16xi32> to vector<1xi32>
          %squeeze3A_724 = vector.extract %slice3A_723[0] : i32 from vector<1xi32>
          %mul3A_725 = arith.constant 16 : i32
          %mul3A_726 = arith.muli %scan3A_678, %mul3A_725 : i32
          %add3A_727 = arith.constant 3 : i32
          %add3A_728 = arith.addi %mul3A_726, %add3A_727 : i32
          %dma_start3A_729 = arith.constant 0 : i32
          %dma_start3A_730 = tpu.memref_slice %arg7[%add3A_728, %dma_start3A_729] : memref<400x64xf32, #tpu.memory_space<vmem>> -> memref<1x64xf32, #tpu.memory_space<vmem>>
          %dma_start3A_731 = arith.constant 0 : i32
          %dma_start3A_732 = tpu.memref_slice %arg3[%squeeze3A_724, %dma_start3A_731] : memref<1000000x64xf32, #tpu.memory_space<hbm>> -> memref<1x64xf32, #tpu.memory_space<hbm>>
          %dma_start3A_733 = arith.constant 0 : i32
          %dma_start3A_734 = tpu.memref_slice %arg7[%add3A_728, %dma_start3A_733] : memref<400x64xf32, #tpu.memory_space<vmem>> -> memref<1x64xf32, #tpu.memory_space<vmem>>
          %dma_start3A_735 = arith.constant 0 : i32
          %dma_start3A_736 = tpu.memref_slice %arg3[%squeeze3A_724, %dma_start3A_735] : memref<1000000x64xf32, #tpu.memory_space<hbm>> -> memref<1x64xf32, #tpu.memory_space<hbm>>
          tpu.enqueue_dma source(%dma_start3A_736 : memref<1x64xf32, #tpu.memory_space<hbm>>) target(%dma_start3A_734 : memref<1x64xf32, #tpu.memory_space<vmem>>) target_semaphore(%arg11 : memref<!tpu.dma_semaphore, #tpu.memory_space<semaphore_mem>>)
          %slice3A_737 = vector.extract_strided_slice %get3A_682 {offsets = [4], sizes = [1], strides = [1]} : vector<16xi32> to vector<1xi32>
          %squeeze3A_738 = vector.extract %slice3A_737[0] : i32 from vector<1xi32>
          %mul3A_739 = arith.constant 16 : i32
          %mul3A_740 = arith.muli %scan3A_678, %mul3A_739 : i32
          %add3A_741 = arith.constant 4 : i32
          %add3A_742 = arith.addi %mul3A_740, %add3A_741 : i32
          %dma_start3A_743 = arith.constant 0 : i32
          %dma_start3A_744 = tpu.memref_slice %arg7[%add3A_742, %dma_start3A_743] : memref<400x64xf32, #tpu.memory_space<vmem>> -> memref<1x64xf32, #tpu.memory_space<vmem>>
          %dma_start3A_745 = arith.constant 0 : i32
          %dma_start3A_746 = tpu.memref_slice %arg3[%squeeze3A_738, %dma_start3A_745] : memref<1000000x64xf32, #tpu.memory_space<hbm>> -> memref<1x64xf32, #tpu.memory_space<hbm>>
          %dma_start3A_747 = arith.constant 0 : i32
          %dma_start3A_748 = tpu.memref_slice %arg7[%add3A_742, %dma_start3A_747] : memref<400x64xf32, #tpu.memory_space<vmem>> -> memref<1x64xf32, #tpu.memory_space<vmem>>
          %dma_start3A_749 = arith.constant 0 : i32
          %dma_start3A_750 = tpu.memref_slice %arg3[%squeeze3A_738, %dma_start3A_749] : memref<1000000x64xf32, #tpu.memory_space<hbm>> -> memref<1x64xf32, #tpu.memory_space<hbm>>
          tpu.enqueue_dma source(%dma_start3A_750 : memref<1x64xf32, #tpu.memory_space<hbm>>) target(%dma_start3A_748 : memref<1x64xf32, #tpu.memory_space<vmem>>) target_semaphore(%arg11 : memref<!tpu.dma_semaphore, #tpu.memory_space<semaphore_mem>>)
          %slice3A_751 = vector.extract_strided_slice %get3A_682 {offsets = [5], sizes = [1], strides = [1]} : vector<16xi32> to vector<1xi32>
          %squeeze3A_752 = vector.extract %slice3A_751[0] : i32 from vector<1xi32>
          %mul3A_753 = arith.constant 16 : i32
          %mul3A_754 = arith.muli %scan3A_678, %mul3A_753 : i32
          %add3A_755 = arith.constant 5 : i32
          %add3A_756 = arith.addi %mul3A_754, %add3A_755 : i32
          %dma_start3A_757 = arith.constant 0 : i32
          %dma_start3A_758 = tpu.memref_slice %arg7[%add3A_756, %dma_start3A_757] : memref<400x64xf32, #tpu.memory_space<vmem>> -> memref<1x64xf32, #tpu.memory_space<vmem>>
          %dma_start3A_759 = arith.constant 0 : i32
          %dma_start3A_760 = tpu.memref_slice %arg3[%squeeze3A_752, %dma_start3A_759] : memref<1000000x64xf32, #tpu.memory_space<hbm>> -> memref<1x64xf32, #tpu.memory_space<hbm>>
          %dma_start3A_761 = arith.constant 0 : i32
          %dma_start3A_762 = tpu.memref_slice %arg7[%add3A_756, %dma_start3A_761] : memref<400x64xf32, #tpu.memory_space<vmem>> -> memref<1x64xf32, #tpu.memory_space<vmem>>
          %dma_start3A_763 = arith.constant 0 : i32
          %dma_start3A_764 = tpu.memref_slice %arg3[%squeeze3A_752, %dma_start3A_763] : memref<1000000x64xf32, #tpu.memory_space<hbm>> -> memref<1x64xf32, #tpu.memory_space<hbm>>
          tpu.enqueue_dma source(%dma_start3A_764 : memref<1x64xf32, #tpu.memory_space<hbm>>) target(%dma_start3A_762 : memref<1x64xf32, #tpu.memory_space<vmem>>) target_semaphore(%arg11 : memref<!tpu.dma_semaphore, #tpu.memory_space<semaphore_mem>>)
          %slice3A_765 = vector.extract_strided_slice %get3A_682 {offsets = [6], sizes = [1], strides = [1]} : vector<16xi32> to vector<1xi32>
          %squeeze3A_766 = vector.extract %slice3A_765[0] : i32 from vector<1xi32>
          %mul3A_767 = arith.constant 16 : i32
          %mul3A_768 = arith.muli %scan3A_678, %mul3A_767 : i32
          %add3A_769 = arith.constant 6 : i32
          %add3A_770 = arith.addi %mul3A_768, %add3A_769 : i32
          %dma_start3A_771 = arith.constant 0 : i32
          %dma_start3A_772 = tpu.memref_slice %arg7[%add3A_770, %dma_start3A_771] : memref<400x64xf32, #tpu.memory_space<vmem>> -> memref<1x64xf32, #tpu.memory_space<vmem>>
          %dma_start3A_773 = arith.constant 0 : i32
          %dma_start3A_774 = tpu.memref_slice %arg3[%squeeze3A_766, %dma_start3A_773] : memref<1000000x64xf32, #tpu.memory_space<hbm>> -> memref<1x64xf32, #tpu.memory_space<hbm>>
          %dma_start3A_775 = arith.constant 0 : i32
          %dma_start3A_776 = tpu.memref_slice %arg7[%add3A_770, %dma_start3A_775] : memref<400x64xf32, #tpu.memory_space<vmem>> -> memref<1x64xf32, #tpu.memory_space<vmem>>
          %dma_start3A_777 = arith.constant 0 : i32
          %dma_start3A_778 = tpu.memref_slice %arg3[%squeeze3A_766, %dma_start3A_777] : memref<1000000x64xf32, #tpu.memory_space<hbm>> -> memref<1x64xf32, #tpu.memory_space<hbm>>
          tpu.enqueue_dma source(%dma_start3A_778 : memref<1x64xf32, #tpu.memory_space<hbm>>) target(%dma_start3A_776 : memref<1x64xf32, #tpu.memory_space<vmem>>) target_semaphore(%arg11 : memref<!tpu.dma_semaphore, #tpu.memory_space<semaphore_mem>>)
          %slice3A_779 = vector.extract_strided_slice %get3A_682 {offsets = [7], sizes = [1], strides = [1]} : vector<16xi32> to vector<1xi32>
          %squeeze3A_780 = vector.extract %slice3A_779[0] : i32 from vector<1xi32>
          %mul3A_781 = arith.constant 16 : i32
          %mul3A_782 = arith.muli %scan3A_678, %mul3A_781 : i32
          %add3A_783 = arith.constant 7 : i32
          %add3A_784 = arith.addi %mul3A_782, %add3A_783 : i32
          %dma_start3A_785 = arith.constant 0 : i32
          %dma_start3A_786 = tpu.memref_slice %arg7[%add3A_784, %dma_start3A_785] : memref<400x64xf32, #tpu.memory_space<vmem>> -> memref<1x64xf32, #tpu.memory_space<vmem>>
          %dma_start3A_787 = arith.constant 0 : i32
          %dma_start3A_788 = tpu.memref_slice %arg3[%squeeze3A_780, %dma_start3A_787] : memref<1000000x64xf32, #tpu.memory_space<hbm>> -> memref<1x64xf32, #tpu.memory_space<hbm>>
          %dma_start3A_789 = arith.constant 0 : i32
          %dma_start3A_790 = tpu.memref_slice %arg7[%add3A_784, %dma_start3A_789] : memref<400x64xf32, #tpu.memory_space<vmem>> -> memref<1x64xf32, #tpu.memory_space<vmem>>
          %dma_start3A_791 = arith.constant 0 : i32
          %dma_start3A_792 = tpu.memref_slice %arg3[%squeeze3A_780, %dma_start3A_791] : memref<1000000x64xf32, #tpu.memory_space<hbm>> -> memref<1x64xf32, #tpu.memory_space<hbm>>
          tpu.enqueue_dma source(%dma_start3A_792 : memref<1x64xf32, #tpu.memory_space<hbm>>) target(%dma_start3A_790 : memref<1x64xf32, #tpu.memory_space<vmem>>) target_semaphore(%arg11 : memref<!tpu.dma_semaphore, #tpu.memory_space<semaphore_mem>>)
          %slice3A_793 = vector.extract_strided_slice %get3A_682 {offsets = [8], sizes = [1], strides = [1]} : vector<16xi32> to vector<1xi32>
          %squeeze3A_794 = vector.extract %slice3A_793[0] : i32 from vector<1xi32>
          %mul3A_795 = arith.constant 16 : i32
          %mul3A_796 = arith.muli %scan3A_678, %mul3A_795 : i32
          %add3A_797 = arith.constant 8 : i32
          %add3A_798 = arith.addi %mul3A_796, %add3A_797 : i32
          %dma_start3A_799 = arith.constant 0 : i32
          %dma_start3A_800 = tpu.memref_slice %arg7[%add3A_798, %dma_start3A_799] : memref<400x64xf32, #tpu.memory_space<vmem>> -> memref<1x64xf32, #tpu.memory_space<vmem>>
          %dma_start3A_801 = arith.constant 0 : i32
          %dma_start3A_802 = tpu.memref_slice %arg3[%squeeze3A_794, %dma_start3A_801] : memref<1000000x64xf32, #tpu.memory_space<hbm>> -> memref<1x64xf32, #tpu.memory_space<hbm>>
          %dma_start3A_803 = arith.constant 0 : i32
          %dma_start3A_804 = tpu.memref_slice %arg7[%add3A_798, %dma_start3A_803] : memref<400x64xf32, #tpu.memory_space<vmem>> -> memref<1x64xf32, #tpu.memory_space<vmem>>
          %dma_start3A_805 = arith.constant 0 : i32
          %dma_start3A_806 = tpu.memref_slice %arg3[%squeeze3A_794, %dma_start3A_805] : memref<1000000x64xf32, #tpu.memory_space<hbm>> -> memref<1x64xf32, #tpu.memory_space<hbm>>
          tpu.enqueue_dma source(%dma_start3A_806 : memref<1x64xf32, #tpu.memory_space<hbm>>) target(%dma_start3A_804 : memref<1x64xf32, #tpu.memory_space<vmem>>) target_semaphore(%arg11 : memref<!tpu.dma_semaphore, #tpu.memory_space<semaphore_mem>>)
          %slice3A_807 = vector.extract_strided_slice %get3A_682 {offsets = [9], sizes = [1], strides = [1]} : vector<16xi32> to vector<1xi32>
          %squeeze3A_808 = vector.extract %slice3A_807[0] : i32 from vector<1xi32>
          %mul3A_809 = arith.constant 16 : i32
          %mul3A_810 = arith.muli %scan3A_678, %mul3A_809 : i32
          %add3A_811 = arith.constant 9 : i32
          %add3A_812 = arith.addi %mul3A_810, %add3A_811 : i32
          %dma_start3A_813 = arith.constant 0 : i32
          %dma_start3A_814 = tpu.memref_slice %arg7[%add3A_812, %dma_start3A_813] : memref<400x64xf32, #tpu.memory_space<vmem>> -> memref<1x64xf32, #tpu.memory_space<vmem>>
          %dma_start3A_815 = arith.constant 0 : i32
          %dma_start3A_816 = tpu.memref_slice %arg3[%squeeze3A_808, %dma_start3A_815] : memref<1000000x64xf32, #tpu.memory_space<hbm>> -> memref<1x64xf32, #tpu.memory_space<hbm>>
          %dma_start3A_817 = arith.constant 0 : i32
          %dma_start3A_818 = tpu.memref_slice %arg7[%add3A_812, %dma_start3A_817] : memref<400x64xf32, #tpu.memory_space<vmem>> -> memref<1x64xf32, #tpu.memory_space<vmem>>
          %dma_start3A_819 = arith.constant 0 : i32
          %dma_start3A_820 = tpu.memref_slice %arg3[%squeeze3A_808, %dma_start3A_819] : memref<1000000x64xf32, #tpu.memory_space<hbm>> -> memref<1x64xf32, #tpu.memory_space<hbm>>
          tpu.enqueue_dma source(%dma_start3A_820 : memref<1x64xf32, #tpu.memory_space<hbm>>) target(%dma_start3A_818 : memref<1x64xf32, #tpu.memory_space<vmem>>) target_semaphore(%arg11 : memref<!tpu.dma_semaphore, #tpu.memory_space<semaphore_mem>>)
          %slice3A_821 = vector.extract_strided_slice %get3A_682 {offsets = [10], sizes = [1], strides = [1]} : vector<16xi32> to vector<1xi32>
          %squeeze3A_822 = vector.extract %slice3A_821[0] : i32 from vector<1xi32>
          %mul3A_823 = arith.constant 16 : i32
          %mul3A_824 = arith.muli %scan3A_678, %mul3A_823 : i32
          %add3A_825 = arith.constant 10 : i32
          %add3A_826 = arith.addi %mul3A_824, %add3A_825 : i32
          %dma_start3A_827 = arith.constant 0 : i32
          %dma_start3A_828 = tpu.memref_slice %arg7[%add3A_826, %dma_start3A_827] : memref<400x64xf32, #tpu.memory_space<vmem>> -> memref<1x64xf32, #tpu.memory_space<vmem>>
          %dma_start3A_829 = arith.constant 0 : i32
          %dma_start3A_830 = tpu.memref_slice %arg3[%squeeze3A_822, %dma_start3A_829] : memref<1000000x64xf32, #tpu.memory_space<hbm>> -> memref<1x64xf32, #tpu.memory_space<hbm>>
          %dma_start3A_831 = arith.constant 0 : i32
          %dma_start3A_832 = tpu.memref_slice %arg7[%add3A_826, %dma_start3A_831] : memref<400x64xf32, #tpu.memory_space<vmem>> -> memref<1x64xf32, #tpu.memory_space<vmem>>
          %dma_start3A_833 = arith.constant 0 : i32
          %dma_start3A_834 = tpu.memref_slice %arg3[%squeeze3A_822, %dma_start3A_833] : memref<1000000x64xf32, #tpu.memory_space<hbm>> -> memref<1x64xf32, #tpu.memory_space<hbm>>
          tpu.enqueue_dma source(%dma_start3A_834 : memref<1x64xf32, #tpu.memory_space<hbm>>) target(%dma_start3A_832 : memref<1x64xf32, #tpu.memory_space<vmem>>) target_semaphore(%arg11 : memref<!tpu.dma_semaphore, #tpu.memory_space<semaphore_mem>>)
          %slice3A_835 = vector.extract_strided_slice %get3A_682 {offsets = [11], sizes = [1], strides = [1]} : vector<16xi32> to vector<1xi32>
          %squeeze3A_836 = vector.extract %slice3A_835[0] : i32 from vector<1xi32>
          %mul3A_837 = arith.constant 16 : i32
          %mul3A_838 = arith.muli %scan3A_678, %mul3A_837 : i32
          %add3A_839 = arith.constant 11 : i32
          %add3A_840 = arith.addi %mul3A_838, %add3A_839 : i32
          %dma_start3A_841 = arith.constant 0 : i32
          %dma_start3A_842 = tpu.memref_slice %arg7[%add3A_840, %dma_start3A_841] : memref<400x64xf32, #tpu.memory_space<vmem>> -> memref<1x64xf32, #tpu.memory_space<vmem>>
          %dma_start3A_843 = arith.constant 0 : i32
          %dma_start3A_844 = tpu.memref_slice %arg3[%squeeze3A_836, %dma_start3A_843] : memref<1000000x64xf32, #tpu.memory_space<hbm>> -> memref<1x64xf32, #tpu.memory_space<hbm>>
          %dma_start3A_845 = arith.constant 0 : i32
          %dma_start3A_846 = tpu.memref_slice %arg7[%add3A_840, %dma_start3A_845] : memref<400x64xf32, #tpu.memory_space<vmem>> -> memref<1x64xf32, #tpu.memory_space<vmem>>
          %dma_start3A_847 = arith.constant 0 : i32
          %dma_start3A_848 = tpu.memref_slice %arg3[%squeeze3A_836, %dma_start3A_847] : memref<1000000x64xf32, #tpu.memory_space<hbm>> -> memref<1x64xf32, #tpu.memory_space<hbm>>
          tpu.enqueue_dma source(%dma_start3A_848 : memref<1x64xf32, #tpu.memory_space<hbm>>) target(%dma_start3A_846 : memref<1x64xf32, #tpu.memory_space<vmem>>) target_semaphore(%arg11 : memref<!tpu.dma_semaphore, #tpu.memory_space<semaphore_mem>>)
          %slice3A_849 = vector.extract_strided_slice %get3A_682 {offsets = [12], sizes = [1], strides = [1]} : vector<16xi32> to vector<1xi32>
          %squeeze3A_850 = vector.extract %slice3A_849[0] : i32 from vector<1xi32>
          %mul3A_851 = arith.constant 16 : i32
          %mul3A_852 = arith.muli %scan3A_678, %mul3A_851 : i32
          %add3A_853 = arith.constant 12 : i32
          %add3A_854 = arith.addi %mul3A_852, %add3A_853 : i32
          %dma_start3A_855 = arith.constant 0 : i32
          %dma_start3A_856 = tpu.memref_slice %arg7[%add3A_854, %dma_start3A_855] : memref<400x64xf32, #tpu.memory_space<vmem>> -> memref<1x64xf32, #tpu.memory_space<vmem>>
          %dma_start3A_857 = arith.constant 0 : i32
          %dma_start3A_858 = tpu.memref_slice %arg3[%squeeze3A_850, %dma_start3A_857] : memref<1000000x64xf32, #tpu.memory_space<hbm>> -> memref<1x64xf32, #tpu.memory_space<hbm>>
          %dma_start3A_859 = arith.constant 0 : i32
          %dma_start3A_860 = tpu.memref_slice %arg7[%add3A_854, %dma_start3A_859] : memref<400x64xf32, #tpu.memory_space<vmem>> -> memref<1x64xf32, #tpu.memory_space<vmem>>
          %dma_start3A_861 = arith.constant 0 : i32
          %dma_start3A_862 = tpu.memref_slice %arg3[%squeeze3A_850, %dma_start3A_861] : memref<1000000x64xf32, #tpu.memory_space<hbm>> -> memref<1x64xf32, #tpu.memory_space<hbm>>
          tpu.enqueue_dma source(%dma_start3A_862 : memref<1x64xf32, #tpu.memory_space<hbm>>) target(%dma_start3A_860 : memref<1x64xf32, #tpu.memory_space<vmem>>) target_semaphore(%arg11 : memref<!tpu.dma_semaphore, #tpu.memory_space<semaphore_mem>>)
          %slice3A_863 = vector.extract_strided_slice %get3A_682 {offsets = [13], sizes = [1], strides = [1]} : vector<16xi32> to vector<1xi32>
          %squeeze3A_864 = vector.extract %slice3A_863[0] : i32 from vector<1xi32>
          %mul3A_865 = arith.constant 16 : i32
          %mul3A_866 = arith.muli %scan3A_678, %mul3A_865 : i32
          %add3A_867 = arith.constant 13 : i32
          %add3A_868 = arith.addi %mul3A_866, %add3A_867 : i32
          %dma_start3A_869 = arith.constant 0 : i32
          %dma_start3A_870 = tpu.memref_slice %arg7[%add3A_868, %dma_start3A_869] : memref<400x64xf32, #tpu.memory_space<vmem>> -> memref<1x64xf32, #tpu.memory_space<vmem>>
          %dma_start3A_871 = arith.constant 0 : i32
          %dma_start3A_872 = tpu.memref_slice %arg3[%squeeze3A_864, %dma_start3A_871] : memref<1000000x64xf32, #tpu.memory_space<hbm>> -> memref<1x64xf32, #tpu.memory_space<hbm>>
          %dma_start3A_873 = arith.constant 0 : i32
          %dma_start3A_874 = tpu.memref_slice %arg7[%add3A_868, %dma_start3A_873] : memref<400x64xf32, #tpu.memory_space<vmem>> -> memref<1x64xf32, #tpu.memory_space<vmem>>
          %dma_start3A_875 = arith.constant 0 : i32
          %dma_start3A_876 = tpu.memref_slice %arg3[%squeeze3A_864, %dma_start3A_875] : memref<1000000x64xf32, #tpu.memory_space<hbm>> -> memref<1x64xf32, #tpu.memory_space<hbm>>
          tpu.enqueue_dma source(%dma_start3A_876 : memref<1x64xf32, #tpu.memory_space<hbm>>) target(%dma_start3A_874 : memref<1x64xf32, #tpu.memory_space<vmem>>) target_semaphore(%arg11 : memref<!tpu.dma_semaphore, #tpu.memory_space<semaphore_mem>>)
          %slice3A_877 = vector.extract_strided_slice %get3A_682 {offsets = [14], sizes = [1], strides = [1]} : vector<16xi32> to vector<1xi32>
          %squeeze3A_878 = vector.extract %slice3A_877[0] : i32 from vector<1xi32>
          %mul3A_879 = arith.constant 16 : i32
          %mul3A_880 = arith.muli %scan3A_678, %mul3A_879 : i32
          %add3A_881 = arith.constant 14 : i32
          %add3A_882 = arith.addi %mul3A_880, %add3A_881 : i32
          %dma_start3A_883 = arith.constant 0 : i32
          %dma_start3A_884 = tpu.memref_slice %arg7[%add3A_882, %dma_start3A_883] : memref<400x64xf32, #tpu.memory_space<vmem>> -> memref<1x64xf32, #tpu.memory_space<vmem>>
          %dma_start3A_885 = arith.constant 0 : i32
          %dma_start3A_886 = tpu.memref_slice %arg3[%squeeze3A_878, %dma_start3A_885] : memref<1000000x64xf32, #tpu.memory_space<hbm>> -> memref<1x64xf32, #tpu.memory_space<hbm>>
          %dma_start3A_887 = arith.constant 0 : i32
          %dma_start3A_888 = tpu.memref_slice %arg7[%add3A_882, %dma_start3A_887] : memref<400x64xf32, #tpu.memory_space<vmem>> -> memref<1x64xf32, #tpu.memory_space<vmem>>
          %dma_start3A_889 = arith.constant 0 : i32
          %dma_start3A_890 = tpu.memref_slice %arg3[%squeeze3A_878, %dma_start3A_889] : memref<1000000x64xf32, #tpu.memory_space<hbm>> -> memref<1x64xf32, #tpu.memory_space<hbm>>
          tpu.enqueue_dma source(%dma_start3A_890 : memref<1x64xf32, #tpu.memory_space<hbm>>) target(%dma_start3A_888 : memref<1x64xf32, #tpu.memory_space<vmem>>) target_semaphore(%arg11 : memref<!tpu.dma_semaphore, #tpu.memory_space<semaphore_mem>>)
          %slice3A_891 = vector.extract_strided_slice %get3A_682 {offsets = [15], sizes = [1], strides = [1]} : vector<16xi32> to vector<1xi32>
          %squeeze3A_892 = vector.extract %slice3A_891[0] : i32 from vector<1xi32>
          %mul3A_893 = arith.constant 16 : i32
          %mul3A_894 = arith.muli %scan3A_678, %mul3A_893 : i32
          %add3A_895 = arith.constant 15 : i32
          %add3A_896 = arith.addi %mul3A_894, %add3A_895 : i32
          %dma_start3A_897 = arith.constant 0 : i32
          %dma_start3A_898 = tpu.memref_slice %arg7[%add3A_896, %dma_start3A_897] : memref<400x64xf32, #tpu.memory_space<vmem>> -> memref<1x64xf32, #tpu.memory_space<vmem>>
          %dma_start3A_899 = arith.constant 0 : i32
          %dma_start3A_900 = tpu.memref_slice %arg3[%squeeze3A_892, %dma_start3A_899] : memref<1000000x64xf32, #tpu.memory_space<hbm>> -> memref<1x64xf32, #tpu.memory_space<hbm>>
          %dma_start3A_901 = arith.constant 0 : i32
          %dma_start3A_902 = tpu.memref_slice %arg7[%add3A_896, %dma_start3A_901] : memref<400x64xf32, #tpu.memory_space<vmem>> -> memref<1x64xf32, #tpu.memory_space<vmem>>
          %dma_start3A_903 = arith.constant 0 : i32
          %dma_start3A_904 = tpu.memref_slice %arg3[%squeeze3A_892, %dma_start3A_903] : memref<1000000x64xf32, #tpu.memory_space<hbm>> -> memref<1x64xf32, #tpu.memory_space<hbm>>
          tpu.enqueue_dma source(%dma_start3A_904 : memref<1x64xf32, #tpu.memory_space<hbm>>) target(%dma_start3A_902 : memref<1x64xf32, #tpu.memory_space<vmem>>) target_semaphore(%arg11 : memref<!tpu.dma_semaphore, #tpu.memory_space<semaphore_mem>>)
        }
        %scan3A_670 = arith.constant 25 : i32
        %add3A_671 = arith.constant 3 : i32
        %add3A_672 = arith.addi %add3A_488, %add3A_671 : i32
        %lt3A_673 = arith.constant 64 : i32
        %lt3A_674 = arith.cmpi slt, %add3A_672, %lt3A_673 : i32
        %convert_element_type3A_675 = arith.extui %lt3A_674 : i1 to i32
        %cond3A_676 = arith.constant 0 : i32
        %cond3A_677 = arith.cmpi ne, %convert_element_type3A_675, %cond3A_676 : i32
        scf.if %cond3A_677 {
          %add3A_678 = arith.constant 3 : i32
          %add3A_679 = arith.addi %add3A_488, %add3A_678 : i32
          %mul3A_680 = arith.constant 400 : i32
          %mul3A_681 = arith.muli %add3A_679, %mul3A_680 : i32
          %add3A_682 = arith.addi %mul3A_4, %mul3A_681 : i32
          %dma_start3A_683 = tpu.memref_slice %arg2[%add3A_682] : memref<819200xi32, #tpu.memory_space<hbm>> -> memref<400xi32, #tpu.memory_space<hbm>>
          %dma_start3A_684 = tpu.memref_slice %arg2[%add3A_682] : memref<819200xi32, #tpu.memory_space<hbm>> -> memref<400xi32, #tpu.memory_space<hbm>>
          tpu.enqueue_dma source(%dma_start3A_684 : memref<400xi32, #tpu.memory_space<hbm>>) target(%arg5 : memref<400xi32, #tpu.memory_space<vmem>>) target_semaphore(%arg9 : memref<!tpu.dma_semaphore, #tpu.memory_space<semaphore_mem>>)
        } else {
        }
      } else {
      }
      %scan3A_496 = arith.constant 0 : i32
      %scan3A_497 = arith.constant 0 : i32
      %scan3A_498 = arith.constant 25 : i32
      %scan3A_499 = arith.addi %scan3A_497, %scan3A_498 : i32
      %scan3A_500 = arith.constant 1 : i32
      scf.for %scan3A_654 = %scan3A_497 to %scan3A_499 step %scan3A_500  : i32 {
        %dma_wait3A_655 = arith.constant 0 : i32
        %dma_wait3A_656 = arith.constant 0 : i32
        %dma_wait3A_657 = tpu.memref_slice %arg8[%dma_wait3A_655, %dma_wait3A_656] : memref<400x64xf32, #tpu.memory_space<vmem>> -> memref<1x64xf32, #tpu.memory_space<vmem>>
        %dma_wait3A_658 = arith.constant 0 : i32
        %dma_wait3A_659 = arith.constant 0 : i32
        %dma_wait3A_660 = tpu.memref_slice %arg3[%dma_wait3A_658, %dma_wait3A_659] : memref<1000000x64xf32, #tpu.memory_space<hbm>> -> memref<1x64xf32, #tpu.memory_space<hbm>>
        %dma_wait3A_661 = arith.constant 0 : i32
        %dma_wait3A_662 = arith.constant 0 : i32
        %dma_wait3A_663 = tpu.memref_slice %arg8[%dma_wait3A_661, %dma_wait3A_662] : memref<400x64xf32, #tpu.memory_space<vmem>> -> memref<1x64xf32, #tpu.memory_space<vmem>>
        %dma_wait3A_664 = arith.constant 0 : i32
        %dma_wait3A_665 = arith.constant 0 : i32
        %dma_wait3A_666 = tpu.memref_slice %arg3[%dma_wait3A_664, %dma_wait3A_665] : memref<1000000x64xf32, #tpu.memory_space<hbm>> -> memref<1x64xf32, #tpu.memory_space<hbm>>
        tpu.wait_dma2 semaphore(%arg12 : memref<!tpu.dma_semaphore, #tpu.memory_space<semaphore_mem>>) src(%dma_wait3A_666 : memref<1x64xf32, #tpu.memory_space<hbm>>) dst(%dma_wait3A_663 : memref<1x64xf32, #tpu.memory_space<vmem>>)
        %dma_wait3A_667 = arith.constant 0 : i32
        %dma_wait3A_668 = arith.constant 0 : i32
        %dma_wait3A_669 = tpu.memref_slice %arg8[%dma_wait3A_667, %dma_wait3A_668] : memref<400x64xf32, #tpu.memory_space<vmem>> -> memref<1x64xf32, #tpu.memory_space<vmem>>
        %dma_wait3A_670 = arith.constant 0 : i32
        %dma_wait3A_671 = arith.constant 0 : i32
        %dma_wait3A_672 = tpu.memref_slice %arg3[%dma_wait3A_670, %dma_wait3A_671] : memref<1000000x64xf32, #tpu.memory_space<hbm>> -> memref<1x64xf32, #tpu.memory_space<hbm>>
        %dma_wait3A_673 = arith.constant 0 : i32
        %dma_wait3A_674 = arith.constant 0 : i32
        %dma_wait3A_675 = tpu.memref_slice %arg8[%dma_wait3A_673, %dma_wait3A_674] : memref<400x64xf32, #tpu.memory_space<vmem>> -> memref<1x64xf32, #tpu.memory_space<vmem>>
        %dma_wait3A_676 = arith.constant 0 : i32
        %dma_wait3A_677 = arith.constant 0 : i32
        %dma_wait3A_678 = tpu.memref_slice %arg3[%dma_wait3A_676, %dma_wait3A_677] : memref<1000000x64xf32, #tpu.memory_space<hbm>> -> memref<1x64xf32, #tpu.memory_space<hbm>>
        tpu.wait_dma2 semaphore(%arg12 : memref<!tpu.dma_semaphore, #tpu.memory_space<semaphore_mem>>) src(%dma_wait3A_678 : memref<1x64xf32, #tpu.memory_space<hbm>>) dst(%dma_wait3A_675 : memref<1x64xf32, #tpu.memory_space<vmem>>)
        %dma_wait3A_679 = arith.constant 0 : i32
        %dma_wait3A_680 = arith.constant 0 : i32
        %dma_wait3A_681 = tpu.memref_slice %arg8[%dma_wait3A_679, %dma_wait3A_680] : memref<400x64xf32, #tpu.memory_space<vmem>> -> memref<1x64xf32, #tpu.memory_space<vmem>>
        %dma_wait3A_682 = arith.constant 0 : i32
        %dma_wait3A_683 = arith.constant 0 : i32
        %dma_wait3A_684 = tpu.memref_slice %arg3[%dma_wait3A_682, %dma_wait3A_683] : memref<1000000x64xf32, #tpu.memory_space<hbm>> -> memref<1x64xf32, #tpu.memory_space<hbm>>
        %dma_wait3A_685 = arith.constant 0 : i32
        %dma_wait3A_686 = arith.constant 0 : i32
        %dma_wait3A_687 = tpu.memref_slice %arg8[%dma_wait3A_685, %dma_wait3A_686] : memref<400x64xf32, #tpu.memory_space<vmem>> -> memref<1x64xf32, #tpu.memory_space<vmem>>
        %dma_wait3A_688 = arith.constant 0 : i32
        %dma_wait3A_689 = arith.constant 0 : i32
        %dma_wait3A_690 = tpu.memref_slice %arg3[%dma_wait3A_688, %dma_wait3A_689] : memref<1000000x64xf32, #tpu.memory_space<hbm>> -> memref<1x64xf32, #tpu.memory_space<hbm>>
        tpu.wait_dma2 semaphore(%arg12 : memref<!tpu.dma_semaphore, #tpu.memory_space<semaphore_mem>>) src(%dma_wait3A_690 : memref<1x64xf32, #tpu.memory_space<hbm>>) dst(%dma_wait3A_687 : memref<1x64xf32, #tpu.memory_space<vmem>>)
        %dma_wait3A_691 = arith.constant 0 : i32
        %dma_wait3A_692 = arith.constant 0 : i32
        %dma_wait3A_693 = tpu.memref_slice %arg8[%dma_wait3A_691, %dma_wait3A_692] : memref<400x64xf32, #tpu.memory_space<vmem>> -> memref<1x64xf32, #tpu.memory_space<vmem>>
        %dma_wait3A_694 = arith.constant 0 : i32
        %dma_wait3A_695 = arith.constant 0 : i32
        %dma_wait3A_696 = tpu.memref_slice %arg3[%dma_wait3A_694, %dma_wait3A_695] : memref<1000000x64xf32, #tpu.memory_space<hbm>> -> memref<1x64xf32, #tpu.memory_space<hbm>>
        %dma_wait3A_697 = arith.constant 0 : i32
        %dma_wait3A_698 = arith.constant 0 : i32
        %dma_wait3A_699 = tpu.memref_slice %arg8[%dma_wait3A_697, %dma_wait3A_698] : memref<400x64xf32, #tpu.memory_space<vmem>> -> memref<1x64xf32, #tpu.memory_space<vmem>>
        %dma_wait3A_700 = arith.constant 0 : i32
        %dma_wait3A_701 = arith.constant 0 : i32
        %dma_wait3A_702 = tpu.memref_slice %arg3[%dma_wait3A_700, %dma_wait3A_701] : memref<1000000x64xf32, #tpu.memory_space<hbm>> -> memref<1x64xf32, #tpu.memory_space<hbm>>
        tpu.wait_dma2 semaphore(%arg12 : memref<!tpu.dma_semaphore, #tpu.memory_space<semaphore_mem>>) src(%dma_wait3A_702 : memref<1x64xf32, #tpu.memory_space<hbm>>) dst(%dma_wait3A_699 : memref<1x64xf32, #tpu.memory_space<vmem>>)
        %dma_wait3A_703 = arith.constant 0 : i32
        %dma_wait3A_704 = arith.constant 0 : i32
        %dma_wait3A_705 = tpu.memref_slice %arg8[%dma_wait3A_703, %dma_wait3A_704] : memref<400x64xf32, #tpu.memory_space<vmem>> -> memref<1x64xf32, #tpu.memory_space<vmem>>
        %dma_wait3A_706 = arith.constant 0 : i32
        %dma_wait3A_707 = arith.constant 0 : i32
        %dma_wait3A_708 = tpu.memref_slice %arg3[%dma_wait3A_706, %dma_wait3A_707] : memref<1000000x64xf32, #tpu.memory_space<hbm>> -> memref<1x64xf32, #tpu.memory_space<hbm>>
        %dma_wait3A_709 = arith.constant 0 : i32
        %dma_wait3A_710 = arith.constant 0 : i32
        %dma_wait3A_711 = tpu.memref_slice %arg8[%dma_wait3A_709, %dma_wait3A_710] : memref<400x64xf32, #tpu.memory_space<vmem>> -> memref<1x64xf32, #tpu.memory_space<vmem>>
        %dma_wait3A_712 = arith.constant 0 : i32
        %dma_wait3A_713 = arith.constant 0 : i32
        %dma_wait3A_714 = tpu.memref_slice %arg3[%dma_wait3A_712, %dma_wait3A_713] : memref<1000000x64xf32, #tpu.memory_space<hbm>> -> memref<1x64xf32, #tpu.memory_space<hbm>>
        tpu.wait_dma2 semaphore(%arg12 : memref<!tpu.dma_semaphore, #tpu.memory_space<semaphore_mem>>) src(%dma_wait3A_714 : memref<1x64xf32, #tpu.memory_space<hbm>>) dst(%dma_wait3A_711 : memref<1x64xf32, #tpu.memory_space<vmem>>)
        %dma_wait3A_715 = arith.constant 0 : i32
        %dma_wait3A_716 = arith.constant 0 : i32
        %dma_wait3A_717 = tpu.memref_slice %arg8[%dma_wait3A_715, %dma_wait3A_716] : memref<400x64xf32, #tpu.memory_space<vmem>> -> memref<1x64xf32, #tpu.memory_space<vmem>>
        %dma_wait3A_718 = arith.constant 0 : i32
        %dma_wait3A_719 = arith.constant 0 : i32
        %dma_wait3A_720 = tpu.memref_slice %arg3[%dma_wait3A_718, %dma_wait3A_719] : memref<1000000x64xf32, #tpu.memory_space<hbm>> -> memref<1x64xf32, #tpu.memory_space<hbm>>
        %dma_wait3A_721 = arith.constant 0 : i32
        %dma_wait3A_722 = arith.constant 0 : i32
        %dma_wait3A_723 = tpu.memref_slice %arg8[%dma_wait3A_721, %dma_wait3A_722] : memref<400x64xf32, #tpu.memory_space<vmem>> -> memref<1x64xf32, #tpu.memory_space<vmem>>
        %dma_wait3A_724 = arith.constant 0 : i32
        %dma_wait3A_725 = arith.constant 0 : i32
        %dma_wait3A_726 = tpu.memref_slice %arg3[%dma_wait3A_724, %dma_wait3A_725] : memref<1000000x64xf32, #tpu.memory_space<hbm>> -> memref<1x64xf32, #tpu.memory_space<hbm>>
        tpu.wait_dma2 semaphore(%arg12 : memref<!tpu.dma_semaphore, #tpu.memory_space<semaphore_mem>>) src(%dma_wait3A_726 : memref<1x64xf32, #tpu.memory_space<hbm>>) dst(%dma_wait3A_723 : memref<1x64xf32, #tpu.memory_space<vmem>>)
        %dma_wait3A_727 = arith.constant 0 : i32
        %dma_wait3A_728 = arith.constant 0 : i32
        %dma_wait3A_729 = tpu.memref_slice %arg8[%dma_wait3A_727, %dma_wait3A_728] : memref<400x64xf32, #tpu.memory_space<vmem>> -> memref<1x64xf32, #tpu.memory_space<vmem>>
        %dma_wait3A_730 = arith.constant 0 : i32
        %dma_wait3A_731 = arith.constant 0 : i32
        %dma_wait3A_732 = tpu.memref_slice %arg3[%dma_wait3A_730, %dma_wait3A_731] : memref<1000000x64xf32, #tpu.memory_space<hbm>> -> memref<1x64xf32, #tpu.memory_space<hbm>>
        %dma_wait3A_733 = arith.constant 0 : i32
        %dma_wait3A_734 = arith.constant 0 : i32
        %dma_wait3A_735 = tpu.memref_slice %arg8[%dma_wait3A_733, %dma_wait3A_734] : memref<400x64xf32, #tpu.memory_space<vmem>> -> memref<1x64xf32, #tpu.memory_space<vmem>>
        %dma_wait3A_736 = arith.constant 0 : i32
        %dma_wait3A_737 = arith.constant 0 : i32
        %dma_wait3A_738 = tpu.memref_slice %arg3[%dma_wait3A_736, %dma_wait3A_737] : memref<1000000x64xf32, #tpu.memory_space<hbm>> -> memref<1x64xf32, #tpu.memory_space<hbm>>
        tpu.wait_dma2 semaphore(%arg12 : memref<!tpu.dma_semaphore, #tpu.memory_space<semaphore_mem>>) src(%dma_wait3A_738 : memref<1x64xf32, #tpu.memory_space<hbm>>) dst(%dma_wait3A_735 : memref<1x64xf32, #tpu.memory_space<vmem>>)
        %dma_wait3A_739 = arith.constant 0 : i32
        %dma_wait3A_740 = arith.constant 0 : i32
        %dma_wait3A_741 = tpu.memref_slice %arg8[%dma_wait3A_739, %dma_wait3A_740] : memref<400x64xf32, #tpu.memory_space<vmem>> -> memref<1x64xf32, #tpu.memory_space<vmem>>
        %dma_wait3A_742 = arith.constant 0 : i32
        %dma_wait3A_743 = arith.constant 0 : i32
        %dma_wait3A_744 = tpu.memref_slice %arg3[%dma_wait3A_742, %dma_wait3A_743] : memref<1000000x64xf32, #tpu.memory_space<hbm>> -> memref<1x64xf32, #tpu.memory_space<hbm>>
        %dma_wait3A_745 = arith.constant 0 : i32
        %dma_wait3A_746 = arith.constant 0 : i32
        %dma_wait3A_747 = tpu.memref_slice %arg8[%dma_wait3A_745, %dma_wait3A_746] : memref<400x64xf32, #tpu.memory_space<vmem>> -> memref<1x64xf32, #tpu.memory_space<vmem>>
        %dma_wait3A_748 = arith.constant 0 : i32
        %dma_wait3A_749 = arith.constant 0 : i32
        %dma_wait3A_750 = tpu.memref_slice %arg3[%dma_wait3A_748, %dma_wait3A_749] : memref<1000000x64xf32, #tpu.memory_space<hbm>> -> memref<1x64xf32, #tpu.memory_space<hbm>>
        tpu.wait_dma2 semaphore(%arg12 : memref<!tpu.dma_semaphore, #tpu.memory_space<semaphore_mem>>) src(%dma_wait3A_750 : memref<1x64xf32, #tpu.memory_space<hbm>>) dst(%dma_wait3A_747 : memref<1x64xf32, #tpu.memory_space<vmem>>)
        %dma_wait3A_751 = arith.constant 0 : i32
        %dma_wait3A_752 = arith.constant 0 : i32
        %dma_wait3A_753 = tpu.memref_slice %arg8[%dma_wait3A_751, %dma_wait3A_752] : memref<400x64xf32, #tpu.memory_space<vmem>> -> memref<1x64xf32, #tpu.memory_space<vmem>>
        %dma_wait3A_754 = arith.constant 0 : i32
        %dma_wait3A_755 = arith.constant 0 : i32
        %dma_wait3A_756 = tpu.memref_slice %arg3[%dma_wait3A_754, %dma_wait3A_755] : memref<1000000x64xf32, #tpu.memory_space<hbm>> -> memref<1x64xf32, #tpu.memory_space<hbm>>
        %dma_wait3A_757 = arith.constant 0 : i32
        %dma_wait3A_758 = arith.constant 0 : i32
        %dma_wait3A_759 = tpu.memref_slice %arg8[%dma_wait3A_757, %dma_wait3A_758] : memref<400x64xf32, #tpu.memory_space<vmem>> -> memref<1x64xf32, #tpu.memory_space<vmem>>
        %dma_wait3A_760 = arith.constant 0 : i32
        %dma_wait3A_761 = arith.constant 0 : i32
        %dma_wait3A_762 = tpu.memref_slice %arg3[%dma_wait3A_760, %dma_wait3A_761] : memref<1000000x64xf32, #tpu.memory_space<hbm>> -> memref<1x64xf32, #tpu.memory_space<hbm>>
        tpu.wait_dma2 semaphore(%arg12 : memref<!tpu.dma_semaphore, #tpu.memory_space<semaphore_mem>>) src(%dma_wait3A_762 : memref<1x64xf32, #tpu.memory_space<hbm>>) dst(%dma_wait3A_759 : memref<1x64xf32, #tpu.memory_space<vmem>>)
        %dma_wait3A_763 = arith.constant 0 : i32
        %dma_wait3A_764 = arith.constant 0 : i32
        %dma_wait3A_765 = tpu.memref_slice %arg8[%dma_wait3A_763, %dma_wait3A_764] : memref<400x64xf32, #tpu.memory_space<vmem>> -> memref<1x64xf32, #tpu.memory_space<vmem>>
        %dma_wait3A_766 = arith.constant 0 : i32
        %dma_wait3A_767 = arith.constant 0 : i32
        %dma_wait3A_768 = tpu.memref_slice %arg3[%dma_wait3A_766, %dma_wait3A_767] : memref<1000000x64xf32, #tpu.memory_space<hbm>> -> memref<1x64xf32, #tpu.memory_space<hbm>>
        %dma_wait3A_769 = arith.constant 0 : i32
        %dma_wait3A_770 = arith.constant 0 : i32
        %dma_wait3A_771 = tpu.memref_slice %arg8[%dma_wait3A_769, %dma_wait3A_770] : memref<400x64xf32, #tpu.memory_space<vmem>> -> memref<1x64xf32, #tpu.memory_space<vmem>>
        %dma_wait3A_772 = arith.constant 0 : i32
        %dma_wait3A_773 = arith.constant 0 : i32
        %dma_wait3A_774 = tpu.memref_slice %arg3[%dma_wait3A_772, %dma_wait3A_773] : memref<1000000x64xf32, #tpu.memory_space<hbm>> -> memref<1x64xf32, #tpu.memory_space<hbm>>
        tpu.wait_dma2 semaphore(%arg12 : memref<!tpu.dma_semaphore, #tpu.memory_space<semaphore_mem>>) src(%dma_wait3A_774 : memref<1x64xf32, #tpu.memory_space<hbm>>) dst(%dma_wait3A_771 : memref<1x64xf32, #tpu.memory_space<vmem>>)
        %dma_wait3A_775 = arith.constant 0 : i32
        %dma_wait3A_776 = arith.constant 0 : i32
        %dma_wait3A_777 = tpu.memref_slice %arg8[%dma_wait3A_775, %dma_wait3A_776] : memref<400x64xf32, #tpu.memory_space<vmem>> -> memref<1x64xf32, #tpu.memory_space<vmem>>
        %dma_wait3A_778 = arith.constant 0 : i32
        %dma_wait3A_779 = arith.constant 0 : i32
        %dma_wait3A_780 = tpu.memref_slice %arg3[%dma_wait3A_778, %dma_wait3A_779] : memref<1000000x64xf32, #tpu.memory_space<hbm>> -> memref<1x64xf32, #tpu.memory_space<hbm>>
        %dma_wait3A_781 = arith.constant 0 : i32
        %dma_wait3A_782 = arith.constant 0 : i32
        %dma_wait3A_783 = tpu.memref_slice %arg8[%dma_wait3A_781, %dma_wait3A_782] : memref<400x64xf32, #tpu.memory_space<vmem>> -> memref<1x64xf32, #tpu.memory_space<vmem>>
        %dma_wait3A_784 = arith.constant 0 : i32
        %dma_wait3A_785 = arith.constant 0 : i32
        %dma_wait3A_786 = tpu.memref_slice %arg3[%dma_wait3A_784, %dma_wait3A_785] : memref<1000000x64xf32, #tpu.memory_space<hbm>> -> memref<1x64xf32, #tpu.memory_space<hbm>>
        tpu.wait_dma2 semaphore(%arg12 : memref<!tpu.dma_semaphore, #tpu.memory_space<semaphore_mem>>) src(%dma_wait3A_786 : memref<1x64xf32, #tpu.memory_space<hbm>>) dst(%dma_wait3A_783 : memref<1x64xf32, #tpu.memory_space<vmem>>)
        %dma_wait3A_787 = arith.constant 0 : i32
        %dma_wait3A_788 = arith.constant 0 : i32
        %dma_wait3A_789 = tpu.memref_slice %arg8[%dma_wait3A_787, %dma_wait3A_788] : memref<400x64xf32, #tpu.memory_space<vmem>> -> memref<1x64xf32, #tpu.memory_space<vmem>>
        %dma_wait3A_790 = arith.constant 0 : i32
        %dma_wait3A_791 = arith.constant 0 : i32
        %dma_wait3A_792 = tpu.memref_slice %arg3[%dma_wait3A_790, %dma_wait3A_791] : memref<1000000x64xf32, #tpu.memory_space<hbm>> -> memref<1x64xf32, #tpu.memory_space<hbm>>
        %dma_wait3A_793 = arith.constant 0 : i32
        %dma_wait3A_794 = arith.constant 0 : i32
        %dma_wait3A_795 = tpu.memref_slice %arg8[%dma_wait3A_793, %dma_wait3A_794] : memref<400x64xf32, #tpu.memory_space<vmem>> -> memref<1x64xf32, #tpu.memory_space<vmem>>
        %dma_wait3A_796 = arith.constant 0 : i32
        %dma_wait3A_797 = arith.constant 0 : i32
        %dma_wait3A_798 = tpu.memref_slice %arg3[%dma_wait3A_796, %dma_wait3A_797] : memref<1000000x64xf32, #tpu.memory_space<hbm>> -> memref<1x64xf32, #tpu.memory_space<hbm>>
        tpu.wait_dma2 semaphore(%arg12 : memref<!tpu.dma_semaphore, #tpu.memory_space<semaphore_mem>>) src(%dma_wait3A_798 : memref<1x64xf32, #tpu.memory_space<hbm>>) dst(%dma_wait3A_795 : memref<1x64xf32, #tpu.memory_space<vmem>>)
        %dma_wait3A_799 = arith.constant 0 : i32
        %dma_wait3A_800 = arith.constant 0 : i32
        %dma_wait3A_801 = tpu.memref_slice %arg8[%dma_wait3A_799, %dma_wait3A_800] : memref<400x64xf32, #tpu.memory_space<vmem>> -> memref<1x64xf32, #tpu.memory_space<vmem>>
        %dma_wait3A_802 = arith.constant 0 : i32
        %dma_wait3A_803 = arith.constant 0 : i32
        %dma_wait3A_804 = tpu.memref_slice %arg3[%dma_wait3A_802, %dma_wait3A_803] : memref<1000000x64xf32, #tpu.memory_space<hbm>> -> memref<1x64xf32, #tpu.memory_space<hbm>>
        %dma_wait3A_805 = arith.constant 0 : i32
        %dma_wait3A_806 = arith.constant 0 : i32
        %dma_wait3A_807 = tpu.memref_slice %arg8[%dma_wait3A_805, %dma_wait3A_806] : memref<400x64xf32, #tpu.memory_space<vmem>> -> memref<1x64xf32, #tpu.memory_space<vmem>>
        %dma_wait3A_808 = arith.constant 0 : i32
        %dma_wait3A_809 = arith.constant 0 : i32
        %dma_wait3A_810 = tpu.memref_slice %arg3[%dma_wait3A_808, %dma_wait3A_809] : memref<1000000x64xf32, #tpu.memory_space<hbm>> -> memref<1x64xf32, #tpu.memory_space<hbm>>
        tpu.wait_dma2 semaphore(%arg12 : memref<!tpu.dma_semaphore, #tpu.memory_space<semaphore_mem>>) src(%dma_wait3A_810 : memref<1x64xf32, #tpu.memory_space<hbm>>) dst(%dma_wait3A_807 : memref<1x64xf32, #tpu.memory_space<vmem>>)
        %dma_wait3A_811 = arith.constant 0 : i32
        %dma_wait3A_812 = arith.constant 0 : i32
        %dma_wait3A_813 = tpu.memref_slice %arg8[%dma_wait3A_811, %dma_wait3A_812] : memref<400x64xf32, #tpu.memory_space<vmem>> -> memref<1x64xf32, #tpu.memory_space<vmem>>
        %dma_wait3A_814 = arith.constant 0 : i32
        %dma_wait3A_815 = arith.constant 0 : i32
        %dma_wait3A_816 = tpu.memref_slice %arg3[%dma_wait3A_814, %dma_wait3A_815] : memref<1000000x64xf32, #tpu.memory_space<hbm>> -> memref<1x64xf32, #tpu.memory_space<hbm>>
        %dma_wait3A_817 = arith.constant 0 : i32
        %dma_wait3A_818 = arith.constant 0 : i32
        %dma_wait3A_819 = tpu.memref_slice %arg8[%dma_wait3A_817, %dma_wait3A_818] : memref<400x64xf32, #tpu.memory_space<vmem>> -> memref<1x64xf32, #tpu.memory_space<vmem>>
        %dma_wait3A_820 = arith.constant 0 : i32
        %dma_wait3A_821 = arith.constant 0 : i32
        %dma_wait3A_822 = tpu.memref_slice %arg3[%dma_wait3A_820, %dma_wait3A_821] : memref<1000000x64xf32, #tpu.memory_space<hbm>> -> memref<1x64xf32, #tpu.memory_space<hbm>>
        tpu.wait_dma2 semaphore(%arg12 : memref<!tpu.dma_semaphore, #tpu.memory_space<semaphore_mem>>) src(%dma_wait3A_822 : memref<1x64xf32, #tpu.memory_space<hbm>>) dst(%dma_wait3A_819 : memref<1x64xf32, #tpu.memory_space<vmem>>)
        %dma_wait3A_823 = arith.constant 0 : i32
        %dma_wait3A_824 = arith.constant 0 : i32
        %dma_wait3A_825 = tpu.memref_slice %arg8[%dma_wait3A_823, %dma_wait3A_824] : memref<400x64xf32, #tpu.memory_space<vmem>> -> memref<1x64xf32, #tpu.memory_space<vmem>>
        %dma_wait3A_826 = arith.constant 0 : i32
        %dma_wait3A_827 = arith.constant 0 : i32
        %dma_wait3A_828 = tpu.memref_slice %arg3[%dma_wait3A_826, %dma_wait3A_827] : memref<1000000x64xf32, #tpu.memory_space<hbm>> -> memref<1x64xf32, #tpu.memory_space<hbm>>
        %dma_wait3A_829 = arith.constant 0 : i32
        %dma_wait3A_830 = arith.constant 0 : i32
        %dma_wait3A_831 = tpu.memref_slice %arg8[%dma_wait3A_829, %dma_wait3A_830] : memref<400x64xf32, #tpu.memory_space<vmem>> -> memref<1x64xf32, #tpu.memory_space<vmem>>
        %dma_wait3A_832 = arith.constant 0 : i32
        %dma_wait3A_833 = arith.constant 0 : i32
        %dma_wait3A_834 = tpu.memref_slice %arg3[%dma_wait3A_832, %dma_wait3A_833] : memref<1000000x64xf32, #tpu.memory_space<hbm>> -> memref<1x64xf32, #tpu.memory_space<hbm>>
        tpu.wait_dma2 semaphore(%arg12 : memref<!tpu.dma_semaphore, #tpu.memory_space<semaphore_mem>>) src(%dma_wait3A_834 : memref<1x64xf32, #tpu.memory_space<hbm>>) dst(%dma_wait3A_831 : memref<1x64xf32, #tpu.memory_space<vmem>>)
        %dma_wait3A_835 = arith.constant 0 : i32
        %dma_wait3A_836 = arith.constant 0 : i32
        %dma_wait3A_837 = tpu.memref_slice %arg8[%dma_wait3A_835, %dma_wait3A_836] : memref<400x64xf32, #tpu.memory_space<vmem>> -> memref<1x64xf32, #tpu.memory_space<vmem>>
        %dma_wait3A_838 = arith.constant 0 : i32
        %dma_wait3A_839 = arith.constant 0 : i32
        %dma_wait3A_840 = tpu.memref_slice %arg3[%dma_wait3A_838, %dma_wait3A_839] : memref<1000000x64xf32, #tpu.memory_space<hbm>> -> memref<1x64xf32, #tpu.memory_space<hbm>>
        %dma_wait3A_841 = arith.constant 0 : i32
        %dma_wait3A_842 = arith.constant 0 : i32
        %dma_wait3A_843 = tpu.memref_slice %arg8[%dma_wait3A_841, %dma_wait3A_842] : memref<400x64xf32, #tpu.memory_space<vmem>> -> memref<1x64xf32, #tpu.memory_space<vmem>>
        %dma_wait3A_844 = arith.constant 0 : i32
        %dma_wait3A_845 = arith.constant 0 : i32
        %dma_wait3A_846 = tpu.memref_slice %arg3[%dma_wait3A_844, %dma_wait3A_845] : memref<1000000x64xf32, #tpu.memory_space<hbm>> -> memref<1x64xf32, #tpu.memory_space<hbm>>
        tpu.wait_dma2 semaphore(%arg12 : memref<!tpu.dma_semaphore, #tpu.memory_space<semaphore_mem>>) src(%dma_wait3A_846 : memref<1x64xf32, #tpu.memory_space<hbm>>) dst(%dma_wait3A_843 : memref<1x64xf32, #tpu.memory_space<vmem>>)
      }
      %scan3A_501 = arith.constant 25 : i32
      %mul3A_502 = arith.constant 8 : i32
      %mul3A_503 = arith.muli %add3A_488, %mul3A_502 : i32
      %add3A_504 = arith.addi %mul3A_2, %mul3A_503 : i32
      %add3A_505 = arith.constant 0 : i32
      %add3A_506 = arith.addi %add3A_504, %add3A_505 : i32
      %dma_start3A_507 = arith.constant 0 : i32
      %dma_start3A_508 = arith.constant 0 : i32
      %dma_start3A_509 = tpu.memref_slice %arg8[%dma_start3A_507, %dma_start3A_508] : memref<400x64xf32, #tpu.memory_space<vmem>> -> memref<50x64xf32, #tpu.memory_space<vmem>>
      %dma_start3A_510 = arith.constant 0 : i32
      %dma_start3A_511 = arith.constant 0 : i32
      %dma_start3A_512 = tpu.memref_slice %arg4[%add3A_506, %dma_start3A_510, %dma_start3A_511] : memref<16384x50x64xf32, #tpu.memory_space<hbm>> -> memref<1x50x64xf32, #tpu.memory_space<hbm>>
      %dma_start3A_513 = tpu.memref_squeeze %dma_start3A_512 : memref<1x50x64xf32, #tpu.memory_space<hbm>> -> memref<50x64xf32, #tpu.memory_space<hbm>>
      %dma_start3A_514 = arith.constant 0 : i32
      %dma_start3A_515 = arith.constant 0 : i32
      %dma_start3A_516 = tpu.memref_slice %arg4[%add3A_506, %dma_start3A_514, %dma_start3A_515] : memref<16384x50x64xf32, #tpu.memory_space<hbm>> -> memref<1x50x64xf32, #tpu.memory_space<hbm>>
      %dma_start3A_517 = tpu.memref_squeeze %dma_start3A_516 : memref<1x50x64xf32, #tpu.memory_space<hbm>> -> memref<50x64xf32, #tpu.memory_space<hbm>>
      %dma_start3A_518 = arith.constant 0 : i32
      %dma_start3A_519 = arith.constant 0 : i32
      %dma_start3A_520 = tpu.memref_slice %arg8[%dma_start3A_518, %dma_start3A_519] : memref<400x64xf32, #tpu.memory_space<vmem>> -> memref<50x64xf32, #tpu.memory_space<vmem>>
      tpu.enqueue_dma source(%dma_start3A_520 : memref<50x64xf32, #tpu.memory_space<vmem>>) target(%dma_start3A_517 : memref<50x64xf32, #tpu.memory_space<hbm>>) target_semaphore(%arg14 : memref<!tpu.dma_semaphore, #tpu.memory_space<semaphore_mem>>)
      %mul3A_521 = arith.constant 8 : i32
      %mul3A_522 = arith.muli %add3A_488, %mul3A_521 : i32
      %add3A_523 = arith.addi %mul3A_2, %mul3A_522 : i32
      %add3A_524 = arith.constant 1 : i32
      %add3A_525 = arith.addi %add3A_523, %add3A_524 : i32
      %dma_start3A_526 = arith.constant 50 : i32
      %dma_start3A_527 = arith.constant 0 : i32
      %dma_start3A_528 = tpu.memref_slice %arg8[%dma_start3A_526, %dma_start3A_527] : memref<400x64xf32, #tpu.memory_space<vmem>> -> memref<50x64xf32, #tpu.memory_space<vmem>>
      %dma_start3A_529 = arith.constant 0 : i32
      %dma_start3A_530 = arith.constant 0 : i32
      %dma_start3A_531 = tpu.memref_slice %arg4[%add3A_525, %dma_start3A_529, %dma_start3A_530] : memref<16384x50x64xf32, #tpu.memory_space<hbm>> -> memref<1x50x64xf32, #tpu.memory_space<hbm>>
      %dma_start3A_532 = tpu.memref_squeeze %dma_start3A_531 : memref<1x50x64xf32, #tpu.memory_space<hbm>> -> memref<50x64xf32, #tpu.memory_space<hbm>>
      %dma_start3A_533 = arith.constant 0 : i32
      %dma_start3A_534 = arith.constant 0 : i32
      %dma_start3A_535 = tpu.memref_slice %arg4[%add3A_525, %dma_start3A_533, %dma_start3A_534] : memref<16384x50x64xf32, #tpu.memory_space<hbm>> -> memref<1x50x64xf32, #tpu.memory_space<hbm>>
      %dma_start3A_536 = tpu.memref_squeeze %dma_start3A_535 : memref<1x50x64xf32, #tpu.memory_space<hbm>> -> memref<50x64xf32, #tpu.memory_space<hbm>>
      %dma_start3A_537 = arith.constant 50 : i32
      %dma_start3A_538 = arith.constant 0 : i32
      %dma_start3A_539 = tpu.memref_slice %arg8[%dma_start3A_537, %dma_start3A_538] : memref<400x64xf32, #tpu.memory_space<vmem>> -> memref<50x64xf32, #tpu.memory_space<vmem>>
      tpu.enqueue_dma source(%dma_start3A_539 : memref<50x64xf32, #tpu.memory_space<vmem>>) target(%dma_start3A_536 : memref<50x64xf32, #tpu.memory_space<hbm>>) target_semaphore(%arg14 : memref<!tpu.dma_semaphore, #tpu.memory_space<semaphore_mem>>)
      %mul3A_540 = arith.constant 8 : i32
      %mul3A_541 = arith.muli %add3A_488, %mul3A_540 : i32
      %add3A_542 = arith.addi %mul3A_2, %mul3A_541 : i32
      %add3A_543 = arith.constant 2 : i32
      %add3A_544 = arith.addi %add3A_542, %add3A_543 : i32
      %dma_start3A_545 = arith.constant 100 : i32
      %dma_start3A_546 = arith.constant 0 : i32
      %dma_start3A_547 = tpu.memref_slice %arg8[%dma_start3A_545, %dma_start3A_546] : memref<400x64xf32, #tpu.memory_space<vmem>> -> memref<50x64xf32, #tpu.memory_space<vmem>>
      %dma_start3A_548 = arith.constant 0 : i32
      %dma_start3A_549 = arith.constant 0 : i32
      %dma_start3A_550 = tpu.memref_slice %arg4[%add3A_544, %dma_start3A_548, %dma_start3A_549] : memref<16384x50x64xf32, #tpu.memory_space<hbm>> -> memref<1x50x64xf32, #tpu.memory_space<hbm>>
      %dma_start3A_551 = tpu.memref_squeeze %dma_start3A_550 : memref<1x50x64xf32, #tpu.memory_space<hbm>> -> memref<50x64xf32, #tpu.memory_space<hbm>>
      %dma_start3A_552 = arith.constant 0 : i32
      %dma_start3A_553 = arith.constant 0 : i32
      %dma_start3A_554 = tpu.memref_slice %arg4[%add3A_544, %dma_start3A_552, %dma_start3A_553] : memref<16384x50x64xf32, #tpu.memory_space<hbm>> -> memref<1x50x64xf32, #tpu.memory_space<hbm>>
      %dma_start3A_555 = tpu.memref_squeeze %dma_start3A_554 : memref<1x50x64xf32, #tpu.memory_space<hbm>> -> memref<50x64xf32, #tpu.memory_space<hbm>>
      %dma_start3A_556 = arith.constant 100 : i32
      %dma_start3A_557 = arith.constant 0 : i32
      %dma_start3A_558 = tpu.memref_slice %arg8[%dma_start3A_556, %dma_start3A_557] : memref<400x64xf32, #tpu.memory_space<vmem>> -> memref<50x64xf32, #tpu.memory_space<vmem>>
      tpu.enqueue_dma source(%dma_start3A_558 : memref<50x64xf32, #tpu.memory_space<vmem>>) target(%dma_start3A_555 : memref<50x64xf32, #tpu.memory_space<hbm>>) target_semaphore(%arg14 : memref<!tpu.dma_semaphore, #tpu.memory_space<semaphore_mem>>)
      %mul3A_559 = arith.constant 8 : i32
      %mul3A_560 = arith.muli %add3A_488, %mul3A_559 : i32
      %add3A_561 = arith.addi %mul3A_2, %mul3A_560 : i32
      %add3A_562 = arith.constant 3 : i32
      %add3A_563 = arith.addi %add3A_561, %add3A_562 : i32
      %dma_start3A_564 = arith.constant 150 : i32
      %dma_start3A_565 = arith.constant 0 : i32
      %dma_start3A_566 = tpu.memref_slice %arg8[%dma_start3A_564, %dma_start3A_565] : memref<400x64xf32, #tpu.memory_space<vmem>> -> memref<50x64xf32, #tpu.memory_space<vmem>>
      %dma_start3A_567 = arith.constant 0 : i32
      %dma_start3A_568 = arith.constant 0 : i32
      %dma_start3A_569 = tpu.memref_slice %arg4[%add3A_563, %dma_start3A_567, %dma_start3A_568] : memref<16384x50x64xf32, #tpu.memory_space<hbm>> -> memref<1x50x64xf32, #tpu.memory_space<hbm>>
      %dma_start3A_570 = tpu.memref_squeeze %dma_start3A_569 : memref<1x50x64xf32, #tpu.memory_space<hbm>> -> memref<50x64xf32, #tpu.memory_space<hbm>>
      %dma_start3A_571 = arith.constant 0 : i32
      %dma_start3A_572 = arith.constant 0 : i32
      %dma_start3A_573 = tpu.memref_slice %arg4[%add3A_563, %dma_start3A_571, %dma_start3A_572] : memref<16384x50x64xf32, #tpu.memory_space<hbm>> -> memref<1x50x64xf32, #tpu.memory_space<hbm>>
      %dma_start3A_574 = tpu.memref_squeeze %dma_start3A_573 : memref<1x50x64xf32, #tpu.memory_space<hbm>> -> memref<50x64xf32, #tpu.memory_space<hbm>>
      %dma_start3A_575 = arith.constant 150 : i32
      %dma_start3A_576 = arith.constant 0 : i32
      %dma_start3A_577 = tpu.memref_slice %arg8[%dma_start3A_575, %dma_start3A_576] : memref<400x64xf32, #tpu.memory_space<vmem>> -> memref<50x64xf32, #tpu.memory_space<vmem>>
      tpu.enqueue_dma source(%dma_start3A_577 : memref<50x64xf32, #tpu.memory_space<vmem>>) target(%dma_start3A_574 : memref<50x64xf32, #tpu.memory_space<hbm>>) target_semaphore(%arg14 : memref<!tpu.dma_semaphore, #tpu.memory_space<semaphore_mem>>)
      %mul3A_578 = arith.constant 8 : i32
      %mul3A_579 = arith.muli %add3A_488, %mul3A_578 : i32
      %add3A_580 = arith.addi %mul3A_2, %mul3A_579 : i32
      %add3A_581 = arith.constant 4 : i32
      %add3A_582 = arith.addi %add3A_580, %add3A_581 : i32
      %dma_start3A_583 = arith.constant 200 : i32
      %dma_start3A_584 = arith.constant 0 : i32
      %dma_start3A_585 = tpu.memref_slice %arg8[%dma_start3A_583, %dma_start3A_584] : memref<400x64xf32, #tpu.memory_space<vmem>> -> memref<50x64xf32, #tpu.memory_space<vmem>>
      %dma_start3A_586 = arith.constant 0 : i32
      %dma_start3A_587 = arith.constant 0 : i32
      %dma_start3A_588 = tpu.memref_slice %arg4[%add3A_582, %dma_start3A_586, %dma_start3A_587] : memref<16384x50x64xf32, #tpu.memory_space<hbm>> -> memref<1x50x64xf32, #tpu.memory_space<hbm>>
      %dma_start3A_589 = tpu.memref_squeeze %dma_start3A_588 : memref<1x50x64xf32, #tpu.memory_space<hbm>> -> memref<50x64xf32, #tpu.memory_space<hbm>>
      %dma_start3A_590 = arith.constant 0 : i32
      %dma_start3A_591 = arith.constant 0 : i32
      %dma_start3A_592 = tpu.memref_slice %arg4[%add3A_582, %dma_start3A_590, %dma_start3A_591] : memref<16384x50x64xf32, #tpu.memory_space<hbm>> -> memref<1x50x64xf32, #tpu.memory_space<hbm>>
      %dma_start3A_593 = tpu.memref_squeeze %dma_start3A_592 : memref<1x50x64xf32, #tpu.memory_space<hbm>> -> memref<50x64xf32, #tpu.memory_space<hbm>>
      %dma_start3A_594 = arith.constant 200 : i32
      %dma_start3A_595 = arith.constant 0 : i32
      %dma_start3A_596 = tpu.memref_slice %arg8[%dma_start3A_594, %dma_start3A_595] : memref<400x64xf32, #tpu.memory_space<vmem>> -> memref<50x64xf32, #tpu.memory_space<vmem>>
      tpu.enqueue_dma source(%dma_start3A_596 : memref<50x64xf32, #tpu.memory_space<vmem>>) target(%dma_start3A_593 : memref<50x64xf32, #tpu.memory_space<hbm>>) target_semaphore(%arg14 : memref<!tpu.dma_semaphore, #tpu.memory_space<semaphore_mem>>)
      %mul3A_597 = arith.constant 8 : i32
      %mul3A_598 = arith.muli %add3A_488, %mul3A_597 : i32
      %add3A_599 = arith.addi %mul3A_2, %mul3A_598 : i32
      %add3A_600 = arith.constant 5 : i32
      %add3A_601 = arith.addi %add3A_599, %add3A_600 : i32
      %dma_start3A_602 = arith.constant 250 : i32
      %dma_start3A_603 = arith.constant 0 : i32
      %dma_start3A_604 = tpu.memref_slice %arg8[%dma_start3A_602, %dma_start3A_603] : memref<400x64xf32, #tpu.memory_space<vmem>> -> memref<50x64xf32, #tpu.memory_space<vmem>>
      %dma_start3A_605 = arith.constant 0 : i32
      %dma_start3A_606 = arith.constant 0 : i32
      %dma_start3A_607 = tpu.memref_slice %arg4[%add3A_601, %dma_start3A_605, %dma_start3A_606] : memref<16384x50x64xf32, #tpu.memory_space<hbm>> -> memref<1x50x64xf32, #tpu.memory_space<hbm>>
      %dma_start3A_608 = tpu.memref_squeeze %dma_start3A_607 : memref<1x50x64xf32, #tpu.memory_space<hbm>> -> memref<50x64xf32, #tpu.memory_space<hbm>>
      %dma_start3A_609 = arith.constant 0 : i32
      %dma_start3A_610 = arith.constant 0 : i32
      %dma_start3A_611 = tpu.memref_slice %arg4[%add3A_601, %dma_start3A_609, %dma_start3A_610] : memref<16384x50x64xf32, #tpu.memory_space<hbm>> -> memref<1x50x64xf32, #tpu.memory_space<hbm>>
      %dma_start3A_612 = tpu.memref_squeeze %dma_start3A_611 : memref<1x50x64xf32, #tpu.memory_space<hbm>> -> memref<50x64xf32, #tpu.memory_space<hbm>>
      %dma_start3A_613 = arith.constant 250 : i32
      %dma_start3A_614 = arith.constant 0 : i32
      %dma_start3A_615 = tpu.memref_slice %arg8[%dma_start3A_613, %dma_start3A_614] : memref<400x64xf32, #tpu.memory_space<vmem>> -> memref<50x64xf32, #tpu.memory_space<vmem>>
      tpu.enqueue_dma source(%dma_start3A_615 : memref<50x64xf32, #tpu.memory_space<vmem>>) target(%dma_start3A_612 : memref<50x64xf32, #tpu.memory_space<hbm>>) target_semaphore(%arg14 : memref<!tpu.dma_semaphore, #tpu.memory_space<semaphore_mem>>)
      %mul3A_616 = arith.constant 8 : i32
      %mul3A_617 = arith.muli %add3A_488, %mul3A_616 : i32
      %add3A_618 = arith.addi %mul3A_2, %mul3A_617 : i32
      %add3A_619 = arith.constant 6 : i32
      %add3A_620 = arith.addi %add3A_618, %add3A_619 : i32
      %dma_start3A_621 = arith.constant 300 : i32
      %dma_start3A_622 = arith.constant 0 : i32
      %dma_start3A_623 = tpu.memref_slice %arg8[%dma_start3A_621, %dma_start3A_622] : memref<400x64xf32, #tpu.memory_space<vmem>> -> memref<50x64xf32, #tpu.memory_space<vmem>>
      %dma_start3A_624 = arith.constant 0 : i32
      %dma_start3A_625 = arith.constant 0 : i32
      %dma_start3A_626 = tpu.memref_slice %arg4[%add3A_620, %dma_start3A_624, %dma_start3A_625] : memref<16384x50x64xf32, #tpu.memory_space<hbm>> -> memref<1x50x64xf32, #tpu.memory_space<hbm>>
      %dma_start3A_627 = tpu.memref_squeeze %dma_start3A_626 : memref<1x50x64xf32, #tpu.memory_space<hbm>> -> memref<50x64xf32, #tpu.memory_space<hbm>>
      %dma_start3A_628 = arith.constant 0 : i32
      %dma_start3A_629 = arith.constant 0 : i32
      %dma_start3A_630 = tpu.memref_slice %arg4[%add3A_620, %dma_start3A_628, %dma_start3A_629] : memref<16384x50x64xf32, #tpu.memory_space<hbm>> -> memref<1x50x64xf32, #tpu.memory_space<hbm>>
      %dma_start3A_631 = tpu.memref_squeeze %dma_start3A_630 : memref<1x50x64xf32, #tpu.memory_space<hbm>> -> memref<50x64xf32, #tpu.memory_space<hbm>>
      %dma_start3A_632 = arith.constant 300 : i32
      %dma_start3A_633 = arith.constant 0 : i32
      %dma_start3A_634 = tpu.memref_slice %arg8[%dma_start3A_632, %dma_start3A_633] : memref<400x64xf32, #tpu.memory_space<vmem>> -> memref<50x64xf32, #tpu.memory_space<vmem>>
      tpu.enqueue_dma source(%dma_start3A_634 : memref<50x64xf32, #tpu.memory_space<vmem>>) target(%dma_start3A_631 : memref<50x64xf32, #tpu.memory_space<hbm>>) target_semaphore(%arg14 : memref<!tpu.dma_semaphore, #tpu.memory_space<semaphore_mem>>)
      %mul3A_635 = arith.constant 8 : i32
      %mul3A_636 = arith.muli %add3A_488, %mul3A_635 : i32
      %add3A_637 = arith.addi %mul3A_2, %mul3A_636 : i32
      %add3A_638 = arith.constant 7 : i32
      %add3A_639 = arith.addi %add3A_637, %add3A_638 : i32
      %dma_start3A_640 = arith.constant 350 : i32
      %dma_start3A_641 = arith.constant 0 : i32
      %dma_start3A_642 = tpu.memref_slice %arg8[%dma_start3A_640, %dma_start3A_641] : memref<400x64xf32, #tpu.memory_space<vmem>> -> memref<50x64xf32, #tpu.memory_space<vmem>>
      %dma_start3A_643 = arith.constant 0 : i32
      %dma_start3A_644 = arith.constant 0 : i32
      %dma_start3A_645 = tpu.memref_slice %arg4[%add3A_639, %dma_start3A_643, %dma_start3A_644] : memref<16384x50x64xf32, #tpu.memory_space<hbm>> -> memref<1x50x64xf32, #tpu.memory_space<hbm>>
      %dma_start3A_646 = tpu.memref_squeeze %dma_start3A_645 : memref<1x50x64xf32, #tpu.memory_space<hbm>> -> memref<50x64xf32, #tpu.memory_space<hbm>>
      %dma_start3A_647 = arith.constant 0 : i32
      %dma_start3A_648 = arith.constant 0 : i32
      %dma_start3A_649 = tpu.memref_slice %arg4[%add3A_639, %dma_start3A_647, %dma_start3A_648] : memref<16384x50x64xf32, #tpu.memory_space<hbm>> -> memref<1x50x64xf32, #tpu.memory_space<hbm>>
      %dma_start3A_650 = tpu.memref_squeeze %dma_start3A_649 : memref<1x50x64xf32, #tpu.memory_space<hbm>> -> memref<50x64xf32, #tpu.memory_space<hbm>>
      %dma_start3A_651 = arith.constant 350 : i32
      %dma_start3A_652 = arith.constant 0 : i32
      %dma_start3A_653 = tpu.memref_slice %arg8[%dma_start3A_651, %dma_start3A_652] : memref<400x64xf32, #tpu.memory_space<vmem>> -> memref<50x64xf32, #tpu.memory_space<vmem>>
      tpu.enqueue_dma source(%dma_start3A_653 : memref<50x64xf32, #tpu.memory_space<vmem>>) target(%dma_start3A_650 : memref<50x64xf32, #tpu.memory_space<hbm>>) target_semaphore(%arg14 : memref<!tpu.dma_semaphore, #tpu.memory_space<semaphore_mem>>)
    }
    %scan3A_29 = arith.constant 32 : i32
    %add3A_30 = arith.constant 496 : i32
    %add3A_31 = arith.addi %mul3A_2, %add3A_30 : i32
    %add3A_32 = arith.constant 0 : i32
    %add3A_33 = arith.addi %add3A_31, %add3A_32 : i32
    %dma_wait3A_34 = arith.constant 0 : i32
    %dma_wait3A_35 = arith.constant 0 : i32
    %dma_wait3A_36 = tpu.memref_slice %arg7[%dma_wait3A_34, %dma_wait3A_35] : memref<400x64xf32, #tpu.memory_space<vmem>> -> memref<50x64xf32, #tpu.memory_space<vmem>>
    %dma_wait3A_37 = arith.constant 0 : i32
    %dma_wait3A_38 = arith.constant 0 : i32
    %dma_wait3A_39 = tpu.memref_slice %arg4[%add3A_33, %dma_wait3A_37, %dma_wait3A_38] : memref<16384x50x64xf32, #tpu.memory_space<hbm>> -> memref<1x50x64xf32, #tpu.memory_space<hbm>>
    %dma_wait3A_40 = tpu.memref_squeeze %dma_wait3A_39 : memref<1x50x64xf32, #tpu.memory_space<hbm>> -> memref<50x64xf32, #tpu.memory_space<hbm>>
    %dma_wait3A_41 = arith.constant 0 : i32
    %dma_wait3A_42 = arith.constant 0 : i32
    %dma_wait3A_43 = tpu.memref_slice %arg4[%add3A_33, %dma_wait3A_41, %dma_wait3A_42] : memref<16384x50x64xf32, #tpu.memory_space<hbm>> -> memref<1x50x64xf32, #tpu.memory_space<hbm>>
    %dma_wait3A_44 = tpu.memref_squeeze %dma_wait3A_43 : memref<1x50x64xf32, #tpu.memory_space<hbm>> -> memref<50x64xf32, #tpu.memory_space<hbm>>
    %dma_wait3A_45 = arith.constant 0 : i32
    %dma_wait3A_46 = arith.constant 0 : i32
    %dma_wait3A_47 = tpu.memref_slice %arg7[%dma_wait3A_45, %dma_wait3A_46] : memref<400x64xf32, #tpu.memory_space<vmem>> -> memref<50x64xf32, #tpu.memory_space<vmem>>
    tpu.wait_dma2 semaphore(%arg13 : memref<!tpu.dma_semaphore, #tpu.memory_space<semaphore_mem>>) src(%dma_wait3A_47 : memref<50x64xf32, #tpu.memory_space<vmem>>) dst(%dma_wait3A_44 : memref<50x64xf32, #tpu.memory_space<hbm>>)
    %add3A_48 = arith.constant 496 : i32
    %add3A_49 = arith.addi %mul3A_2, %add3A_48 : i32
    %add3A_50 = arith.constant 1 : i32
    %add3A_51 = arith.addi %add3A_49, %add3A_50 : i32
    %dma_wait3A_52 = arith.constant 50 : i32
    %dma_wait3A_53 = arith.constant 0 : i32
    %dma_wait3A_54 = tpu.memref_slice %arg7[%dma_wait3A_52, %dma_wait3A_53] : memref<400x64xf32, #tpu.memory_space<vmem>> -> memref<50x64xf32, #tpu.memory_space<vmem>>
    %dma_wait3A_55 = arith.constant 0 : i32
    %dma_wait3A_56 = arith.constant 0 : i32
    %dma_wait3A_57 = tpu.memref_slice %arg4[%add3A_51, %dma_wait3A_55, %dma_wait3A_56] : memref<16384x50x64xf32, #tpu.memory_space<hbm>> -> memref<1x50x64xf32, #tpu.memory_space<hbm>>
    %dma_wait3A_58 = tpu.memref_squeeze %dma_wait3A_57 : memref<1x50x64xf32, #tpu.memory_space<hbm>> -> memref<50x64xf32, #tpu.memory_space<hbm>>
    %dma_wait3A_59 = arith.constant 0 : i32
    %dma_wait3A_60 = arith.constant 0 : i32
    %dma_wait3A_61 = tpu.memref_slice %arg4[%add3A_51, %dma_wait3A_59, %dma_wait3A_60] : memref<16384x50x64xf32, #tpu.memory_space<hbm>> -> memref<1x50x64xf32, #tpu.memory_space<hbm>>
    %dma_wait3A_62 = tpu.memref_squeeze %dma_wait3A_61 : memref<1x50x64xf32, #tpu.memory_space<hbm>> -> memref<50x64xf32, #tpu.memory_space<hbm>>
    %dma_wait3A_63 = arith.constant 50 : i32
    %dma_wait3A_64 = arith.constant 0 : i32
    %dma_wait3A_65 = tpu.memref_slice %arg7[%dma_wait3A_63, %dma_wait3A_64] : memref<400x64xf32, #tpu.memory_space<vmem>> -> memref<50x64xf32, #tpu.memory_space<vmem>>
    tpu.wait_dma2 semaphore(%arg13 : memref<!tpu.dma_semaphore, #tpu.memory_space<semaphore_mem>>) src(%dma_wait3A_65 : memref<50x64xf32, #tpu.memory_space<vmem>>) dst(%dma_wait3A_62 : memref<50x64xf32, #tpu.memory_space<hbm>>)
    %add3A_66 = arith.constant 496 : i32
    %add3A_67 = arith.addi %mul3A_2, %add3A_66 : i32
    %add3A_68 = arith.constant 2 : i32
    %add3A_69 = arith.addi %add3A_67, %add3A_68 : i32
    %dma_wait3A_70 = arith.constant 100 : i32
    %dma_wait3A_71 = arith.constant 0 : i32
    %dma_wait3A_72 = tpu.memref_slice %arg7[%dma_wait3A_70, %dma_wait3A_71] : memref<400x64xf32, #tpu.memory_space<vmem>> -> memref<50x64xf32, #tpu.memory_space<vmem>>
    %dma_wait3A_73 = arith.constant 0 : i32
    %dma_wait3A_74 = arith.constant 0 : i32
    %dma_wait3A_75 = tpu.memref_slice %arg4[%add3A_69, %dma_wait3A_73, %dma_wait3A_74] : memref<16384x50x64xf32, #tpu.memory_space<hbm>> -> memref<1x50x64xf32, #tpu.memory_space<hbm>>
    %dma_wait3A_76 = tpu.memref_squeeze %dma_wait3A_75 : memref<1x50x64xf32, #tpu.memory_space<hbm>> -> memref<50x64xf32, #tpu.memory_space<hbm>>
    %dma_wait3A_77 = arith.constant 0 : i32
    %dma_wait3A_78 = arith.constant 0 : i32
    %dma_wait3A_79 = tpu.memref_slice %arg4[%add3A_69, %dma_wait3A_77, %dma_wait3A_78] : memref<16384x50x64xf32, #tpu.memory_space<hbm>> -> memref<1x50x64xf32, #tpu.memory_space<hbm>>
    %dma_wait3A_80 = tpu.memref_squeeze %dma_wait3A_79 : memref<1x50x64xf32, #tpu.memory_space<hbm>> -> memref<50x64xf32, #tpu.memory_space<hbm>>
    %dma_wait3A_81 = arith.constant 100 : i32
    %dma_wait3A_82 = arith.constant 0 : i32
    %dma_wait3A_83 = tpu.memref_slice %arg7[%dma_wait3A_81, %dma_wait3A_82] : memref<400x64xf32, #tpu.memory_space<vmem>> -> memref<50x64xf32, #tpu.memory_space<vmem>>
    tpu.wait_dma2 semaphore(%arg13 : memref<!tpu.dma_semaphore, #tpu.memory_space<semaphore_mem>>) src(%dma_wait3A_83 : memref<50x64xf32, #tpu.memory_space<vmem>>) dst(%dma_wait3A_80 : memref<50x64xf32, #tpu.memory_space<hbm>>)
    %add3A_84 = arith.constant 496 : i32
    %add3A_85 = arith.addi %mul3A_2, %add3A_84 : i32
    %add3A_86 = arith.constant 3 : i32
    %add3A_87 = arith.addi %add3A_85, %add3A_86 : i32
    %dma_wait3A_88 = arith.constant 150 : i32
    %dma_wait3A_89 = arith.constant 0 : i32
    %dma_wait3A_90 = tpu.memref_slice %arg7[%dma_wait3A_88, %dma_wait3A_89] : memref<400x64xf32, #tpu.memory_space<vmem>> -> memref<50x64xf32, #tpu.memory_space<vmem>>
    %dma_wait3A_91 = arith.constant 0 : i32
    %dma_wait3A_92 = arith.constant 0 : i32
    %dma_wait3A_93 = tpu.memref_slice %arg4[%add3A_87, %dma_wait3A_91, %dma_wait3A_92] : memref<16384x50x64xf32, #tpu.memory_space<hbm>> -> memref<1x50x64xf32, #tpu.memory_space<hbm>>
    %dma_wait3A_94 = tpu.memref_squeeze %dma_wait3A_93 : memref<1x50x64xf32, #tpu.memory_space<hbm>> -> memref<50x64xf32, #tpu.memory_space<hbm>>
    %dma_wait3A_95 = arith.constant 0 : i32
    %dma_wait3A_96 = arith.constant 0 : i32
    %dma_wait3A_97 = tpu.memref_slice %arg4[%add3A_87, %dma_wait3A_95, %dma_wait3A_96] : memref<16384x50x64xf32, #tpu.memory_space<hbm>> -> memref<1x50x64xf32, #tpu.memory_space<hbm>>
    %dma_wait3A_98 = tpu.memref_squeeze %dma_wait3A_97 : memref<1x50x64xf32, #tpu.memory_space<hbm>> -> memref<50x64xf32, #tpu.memory_space<hbm>>
    %dma_wait3A_99 = arith.constant 150 : i32
    %dma_wait3A_100 = arith.constant 0 : i32
    %dma_wait3A_101 = tpu.memref_slice %arg7[%dma_wait3A_99, %dma_wait3A_100] : memref<400x64xf32, #tpu.memory_space<vmem>> -> memref<50x64xf32, #tpu.memory_space<vmem>>
    tpu.wait_dma2 semaphore(%arg13 : memref<!tpu.dma_semaphore, #tpu.memory_space<semaphore_mem>>) src(%dma_wait3A_101 : memref<50x64xf32, #tpu.memory_space<vmem>>) dst(%dma_wait3A_98 : memref<50x64xf32, #tpu.memory_space<hbm>>)
    %add3A_102 = arith.constant 496 : i32
    %add3A_103 = arith.addi %mul3A_2, %add3A_102 : i32
    %add3A_104 = arith.constant 4 : i32
    %add3A_105 = arith.addi %add3A_103, %add3A_104 : i32
    %dma_wait3A_106 = arith.constant 200 : i32
    %dma_wait3A_107 = arith.constant 0 : i32
    %dma_wait3A_108 = tpu.memref_slice %arg7[%dma_wait3A_106, %dma_wait3A_107] : memref<400x64xf32, #tpu.memory_space<vmem>> -> memref<50x64xf32, #tpu.memory_space<vmem>>
    %dma_wait3A_109 = arith.constant 0 : i32
    %dma_wait3A_110 = arith.constant 0 : i32
    %dma_wait3A_111 = tpu.memref_slice %arg4[%add3A_105, %dma_wait3A_109, %dma_wait3A_110] : memref<16384x50x64xf32, #tpu.memory_space<hbm>> -> memref<1x50x64xf32, #tpu.memory_space<hbm>>
    %dma_wait3A_112 = tpu.memref_squeeze %dma_wait3A_111 : memref<1x50x64xf32, #tpu.memory_space<hbm>> -> memref<50x64xf32, #tpu.memory_space<hbm>>
    %dma_wait3A_113 = arith.constant 0 : i32
    %dma_wait3A_114 = arith.constant 0 : i32
    %dma_wait3A_115 = tpu.memref_slice %arg4[%add3A_105, %dma_wait3A_113, %dma_wait3A_114] : memref<16384x50x64xf32, #tpu.memory_space<hbm>> -> memref<1x50x64xf32, #tpu.memory_space<hbm>>
    %dma_wait3A_116 = tpu.memref_squeeze %dma_wait3A_115 : memref<1x50x64xf32, #tpu.memory_space<hbm>> -> memref<50x64xf32, #tpu.memory_space<hbm>>
    %dma_wait3A_117 = arith.constant 200 : i32
    %dma_wait3A_118 = arith.constant 0 : i32
    %dma_wait3A_119 = tpu.memref_slice %arg7[%dma_wait3A_117, %dma_wait3A_118] : memref<400x64xf32, #tpu.memory_space<vmem>> -> memref<50x64xf32, #tpu.memory_space<vmem>>
    tpu.wait_dma2 semaphore(%arg13 : memref<!tpu.dma_semaphore, #tpu.memory_space<semaphore_mem>>) src(%dma_wait3A_119 : memref<50x64xf32, #tpu.memory_space<vmem>>) dst(%dma_wait3A_116 : memref<50x64xf32, #tpu.memory_space<hbm>>)
    %add3A_120 = arith.constant 496 : i32
    %add3A_121 = arith.addi %mul3A_2, %add3A_120 : i32
    %add3A_122 = arith.constant 5 : i32
    %add3A_123 = arith.addi %add3A_121, %add3A_122 : i32
    %dma_wait3A_124 = arith.constant 250 : i32
    %dma_wait3A_125 = arith.constant 0 : i32
    %dma_wait3A_126 = tpu.memref_slice %arg7[%dma_wait3A_124, %dma_wait3A_125] : memref<400x64xf32, #tpu.memory_space<vmem>> -> memref<50x64xf32, #tpu.memory_space<vmem>>
    %dma_wait3A_127 = arith.constant 0 : i32
    %dma_wait3A_128 = arith.constant 0 : i32
    %dma_wait3A_129 = tpu.memref_slice %arg4[%add3A_123, %dma_wait3A_127, %dma_wait3A_128] : memref<16384x50x64xf32, #tpu.memory_space<hbm>> -> memref<1x50x64xf32, #tpu.memory_space<hbm>>
    %dma_wait3A_130 = tpu.memref_squeeze %dma_wait3A_129 : memref<1x50x64xf32, #tpu.memory_space<hbm>> -> memref<50x64xf32, #tpu.memory_space<hbm>>
    %dma_wait3A_131 = arith.constant 0 : i32
    %dma_wait3A_132 = arith.constant 0 : i32
    %dma_wait3A_133 = tpu.memref_slice %arg4[%add3A_123, %dma_wait3A_131, %dma_wait3A_132] : memref<16384x50x64xf32, #tpu.memory_space<hbm>> -> memref<1x50x64xf32, #tpu.memory_space<hbm>>
    %dma_wait3A_134 = tpu.memref_squeeze %dma_wait3A_133 : memref<1x50x64xf32, #tpu.memory_space<hbm>> -> memref<50x64xf32, #tpu.memory_space<hbm>>
    %dma_wait3A_135 = arith.constant 250 : i32
    %dma_wait3A_136 = arith.constant 0 : i32
    %dma_wait3A_137 = tpu.memref_slice %arg7[%dma_wait3A_135, %dma_wait3A_136] : memref<400x64xf32, #tpu.memory_space<vmem>> -> memref<50x64xf32, #tpu.memory_space<vmem>>
    tpu.wait_dma2 semaphore(%arg13 : memref<!tpu.dma_semaphore, #tpu.memory_space<semaphore_mem>>) src(%dma_wait3A_137 : memref<50x64xf32, #tpu.memory_space<vmem>>) dst(%dma_wait3A_134 : memref<50x64xf32, #tpu.memory_space<hbm>>)
    %add3A_138 = arith.constant 496 : i32
    %add3A_139 = arith.addi %mul3A_2, %add3A_138 : i32
    %add3A_140 = arith.constant 6 : i32
    %add3A_141 = arith.addi %add3A_139, %add3A_140 : i32
    %dma_wait3A_142 = arith.constant 300 : i32
    %dma_wait3A_143 = arith.constant 0 : i32
    %dma_wait3A_144 = tpu.memref_slice %arg7[%dma_wait3A_142, %dma_wait3A_143] : memref<400x64xf32, #tpu.memory_space<vmem>> -> memref<50x64xf32, #tpu.memory_space<vmem>>
    %dma_wait3A_145 = arith.constant 0 : i32
    %dma_wait3A_146 = arith.constant 0 : i32
    %dma_wait3A_147 = tpu.memref_slice %arg4[%add3A_141, %dma_wait3A_145, %dma_wait3A_146] : memref<16384x50x64xf32, #tpu.memory_space<hbm>> -> memref<1x50x64xf32, #tpu.memory_space<hbm>>
    %dma_wait3A_148 = tpu.memref_squeeze %dma_wait3A_147 : memref<1x50x64xf32, #tpu.memory_space<hbm>> -> memref<50x64xf32, #tpu.memory_space<hbm>>
    %dma_wait3A_149 = arith.constant 0 : i32
    %dma_wait3A_150 = arith.constant 0 : i32
    %dma_wait3A_151 = tpu.memref_slice %arg4[%add3A_141, %dma_wait3A_149, %dma_wait3A_150] : memref<16384x50x64xf32, #tpu.memory_space<hbm>> -> memref<1x50x64xf32, #tpu.memory_space<hbm>>
    %dma_wait3A_152 = tpu.memref_squeeze %dma_wait3A_151 : memref<1x50x64xf32, #tpu.memory_space<hbm>> -> memref<50x64xf32, #tpu.memory_space<hbm>>
    %dma_wait3A_153 = arith.constant 300 : i32
    %dma_wait3A_154 = arith.constant 0 : i32
    %dma_wait3A_155 = tpu.memref_slice %arg7[%dma_wait3A_153, %dma_wait3A_154] : memref<400x64xf32, #tpu.memory_space<vmem>> -> memref<50x64xf32, #tpu.memory_space<vmem>>
    tpu.wait_dma2 semaphore(%arg13 : memref<!tpu.dma_semaphore, #tpu.memory_space<semaphore_mem>>) src(%dma_wait3A_155 : memref<50x64xf32, #tpu.memory_space<vmem>>) dst(%dma_wait3A_152 : memref<50x64xf32, #tpu.memory_space<hbm>>)
    %add3A_156 = arith.constant 496 : i32
    %add3A_157 = arith.addi %mul3A_2, %add3A_156 : i32
    %add3A_158 = arith.constant 7 : i32
    %add3A_159 = arith.addi %add3A_157, %add3A_158 : i32
    %dma_wait3A_160 = arith.constant 350 : i32
    %dma_wait3A_161 = arith.constant 0 : i32
    %dma_wait3A_162 = tpu.memref_slice %arg7[%dma_wait3A_160, %dma_wait3A_161] : memref<400x64xf32, #tpu.memory_space<vmem>> -> memref<50x64xf32, #tpu.memory_space<vmem>>
    %dma_wait3A_163 = arith.constant 0 : i32
    %dma_wait3A_164 = arith.constant 0 : i32
    %dma_wait3A_165 = tpu.memref_slice %arg4[%add3A_159, %dma_wait3A_163, %dma_wait3A_164] : memref<16384x50x64xf32, #tpu.memory_space<hbm>> -> memref<1x50x64xf32, #tpu.memory_space<hbm>>
    %dma_wait3A_166 = tpu.memref_squeeze %dma_wait3A_165 : memref<1x50x64xf32, #tpu.memory_space<hbm>> -> memref<50x64xf32, #tpu.memory_space<hbm>>
    %dma_wait3A_167 = arith.constant 0 : i32
    %dma_wait3A_168 = arith.constant 0 : i32
    %dma_wait3A_169 = tpu.memref_slice %arg4[%add3A_159, %dma_wait3A_167, %dma_wait3A_168] : memref<16384x50x64xf32, #tpu.memory_space<hbm>> -> memref<1x50x64xf32, #tpu.memory_space<hbm>>
    %dma_wait3A_170 = tpu.memref_squeeze %dma_wait3A_169 : memref<1x50x64xf32, #tpu.memory_space<hbm>> -> memref<50x64xf32, #tpu.memory_space<hbm>>
    %dma_wait3A_171 = arith.constant 350 : i32
    %dma_wait3A_172 = arith.constant 0 : i32
    %dma_wait3A_173 = tpu.memref_slice %arg7[%dma_wait3A_171, %dma_wait3A_172] : memref<400x64xf32, #tpu.memory_space<vmem>> -> memref<50x64xf32, #tpu.memory_space<vmem>>
    tpu.wait_dma2 semaphore(%arg13 : memref<!tpu.dma_semaphore, #tpu.memory_space<semaphore_mem>>) src(%dma_wait3A_173 : memref<50x64xf32, #tpu.memory_space<vmem>>) dst(%dma_wait3A_170 : memref<50x64xf32, #tpu.memory_space<hbm>>)
    %add3A_174 = arith.constant 504 : i32
    %add3A_175 = arith.addi %mul3A_2, %add3A_174 : i32
    %add3A_176 = arith.constant 0 : i32
    %add3A_177 = arith.addi %add3A_175, %add3A_176 : i32
    %dma_wait3A_178 = arith.constant 0 : i32
    %dma_wait3A_179 = arith.constant 0 : i32
    %dma_wait3A_180 = tpu.memref_slice %arg8[%dma_wait3A_178, %dma_wait3A_179] : memref<400x64xf32, #tpu.memory_space<vmem>> -> memref<50x64xf32, #tpu.memory_space<vmem>>
    %dma_wait3A_181 = arith.constant 0 : i32
    %dma_wait3A_182 = arith.constant 0 : i32
    %dma_wait3A_183 = tpu.memref_slice %arg4[%add3A_177, %dma_wait3A_181, %dma_wait3A_182] : memref<16384x50x64xf32, #tpu.memory_space<hbm>> -> memref<1x50x64xf32, #tpu.memory_space<hbm>>
    %dma_wait3A_184 = tpu.memref_squeeze %dma_wait3A_183 : memref<1x50x64xf32, #tpu.memory_space<hbm>> -> memref<50x64xf32, #tpu.memory_space<hbm>>
    %dma_wait3A_185 = arith.constant 0 : i32
    %dma_wait3A_186 = arith.constant 0 : i32
    %dma_wait3A_187 = tpu.memref_slice %arg4[%add3A_177, %dma_wait3A_185, %dma_wait3A_186] : memref<16384x50x64xf32, #tpu.memory_space<hbm>> -> memref<1x50x64xf32, #tpu.memory_space<hbm>>
    %dma_wait3A_188 = tpu.memref_squeeze %dma_wait3A_187 : memref<1x50x64xf32, #tpu.memory_space<hbm>> -> memref<50x64xf32, #tpu.memory_space<hbm>>
    %dma_wait3A_189 = arith.constant 0 : i32
    %dma_wait3A_190 = arith.constant 0 : i32
    %dma_wait3A_191 = tpu.memref_slice %arg8[%dma_wait3A_189, %dma_wait3A_190] : memref<400x64xf32, #tpu.memory_space<vmem>> -> memref<50x64xf32, #tpu.memory_space<vmem>>
    tpu.wait_dma2 semaphore(%arg14 : memref<!tpu.dma_semaphore, #tpu.memory_space<semaphore_mem>>) src(%dma_wait3A_191 : memref<50x64xf32, #tpu.memory_space<vmem>>) dst(%dma_wait3A_188 : memref<50x64xf32, #tpu.memory_space<hbm>>)
    %add3A_192 = arith.constant 504 : i32
    %add3A_193 = arith.addi %mul3A_2, %add3A_192 : i32
    %add3A_194 = arith.constant 1 : i32
    %add3A_195 = arith.addi %add3A_193, %add3A_194 : i32
    %dma_wait3A_196 = arith.constant 50 : i32
    %dma_wait3A_197 = arith.constant 0 : i32
    %dma_wait3A_198 = tpu.memref_slice %arg8[%dma_wait3A_196, %dma_wait3A_197] : memref<400x64xf32, #tpu.memory_space<vmem>> -> memref<50x64xf32, #tpu.memory_space<vmem>>
    %dma_wait3A_199 = arith.constant 0 : i32
    %dma_wait3A_200 = arith.constant 0 : i32
    %dma_wait3A_201 = tpu.memref_slice %arg4[%add3A_195, %dma_wait3A_199, %dma_wait3A_200] : memref<16384x50x64xf32, #tpu.memory_space<hbm>> -> memref<1x50x64xf32, #tpu.memory_space<hbm>>
    %dma_wait3A_202 = tpu.memref_squeeze %dma_wait3A_201 : memref<1x50x64xf32, #tpu.memory_space<hbm>> -> memref<50x64xf32, #tpu.memory_space<hbm>>
    %dma_wait3A_203 = arith.constant 0 : i32
    %dma_wait3A_204 = arith.constant 0 : i32
    %dma_wait3A_205 = tpu.memref_slice %arg4[%add3A_195, %dma_wait3A_203, %dma_wait3A_204] : memref<16384x50x64xf32, #tpu.memory_space<hbm>> -> memref<1x50x64xf32, #tpu.memory_space<hbm>>
    %dma_wait3A_206 = tpu.memref_squeeze %dma_wait3A_205 : memref<1x50x64xf32, #tpu.memory_space<hbm>> -> memref<50x64xf32, #tpu.memory_space<hbm>>
    %dma_wait3A_207 = arith.constant 50 : i32
    %dma_wait3A_208 = arith.constant 0 : i32
    %dma_wait3A_209 = tpu.memref_slice %arg8[%dma_wait3A_207, %dma_wait3A_208] : memref<400x64xf32, #tpu.memory_space<vmem>> -> memref<50x64xf32, #tpu.memory_space<vmem>>
    tpu.wait_dma2 semaphore(%arg14 : memref<!tpu.dma_semaphore, #tpu.memory_space<semaphore_mem>>) src(%dma_wait3A_209 : memref<50x64xf32, #tpu.memory_space<vmem>>) dst(%dma_wait3A_206 : memref<50x64xf32, #tpu.memory_space<hbm>>)
    %add3A_210 = arith.constant 504 : i32
    %add3A_211 = arith.addi %mul3A_2, %add3A_210 : i32
    %add3A_212 = arith.constant 2 : i32
    %add3A_213 = arith.addi %add3A_211, %add3A_212 : i32
    %dma_wait3A_214 = arith.constant 100 : i32
    %dma_wait3A_215 = arith.constant 0 : i32
    %dma_wait3A_216 = tpu.memref_slice %arg8[%dma_wait3A_214, %dma_wait3A_215] : memref<400x64xf32, #tpu.memory_space<vmem>> -> memref<50x64xf32, #tpu.memory_space<vmem>>
    %dma_wait3A_217 = arith.constant 0 : i32
    %dma_wait3A_218 = arith.constant 0 : i32
    %dma_wait3A_219 = tpu.memref_slice %arg4[%add3A_213, %dma_wait3A_217, %dma_wait3A_218] : memref<16384x50x64xf32, #tpu.memory_space<hbm>> -> memref<1x50x64xf32, #tpu.memory_space<hbm>>
    %dma_wait3A_220 = tpu.memref_squeeze %dma_wait3A_219 : memref<1x50x64xf32, #tpu.memory_space<hbm>> -> memref<50x64xf32, #tpu.memory_space<hbm>>
    %dma_wait3A_221 = arith.constant 0 : i32
    %dma_wait3A_222 = arith.constant 0 : i32
    %dma_wait3A_223 = tpu.memref_slice %arg4[%add3A_213, %dma_wait3A_221, %dma_wait3A_222] : memref<16384x50x64xf32, #tpu.memory_space<hbm>> -> memref<1x50x64xf32, #tpu.memory_space<hbm>>
    %dma_wait3A_224 = tpu.memref_squeeze %dma_wait3A_223 : memref<1x50x64xf32, #tpu.memory_space<hbm>> -> memref<50x64xf32, #tpu.memory_space<hbm>>
    %dma_wait3A_225 = arith.constant 100 : i32
    %dma_wait3A_226 = arith.constant 0 : i32
    %dma_wait3A_227 = tpu.memref_slice %arg8[%dma_wait3A_225, %dma_wait3A_226] : memref<400x64xf32, #tpu.memory_space<vmem>> -> memref<50x64xf32, #tpu.memory_space<vmem>>
    tpu.wait_dma2 semaphore(%arg14 : memref<!tpu.dma_semaphore, #tpu.memory_space<semaphore_mem>>) src(%dma_wait3A_227 : memref<50x64xf32, #tpu.memory_space<vmem>>) dst(%dma_wait3A_224 : memref<50x64xf32, #tpu.memory_space<hbm>>)
    %add3A_228 = arith.constant 504 : i32
    %add3A_229 = arith.addi %mul3A_2, %add3A_228 : i32
    %add3A_230 = arith.constant 3 : i32
    %add3A_231 = arith.addi %add3A_229, %add3A_230 : i32
    %dma_wait3A_232 = arith.constant 150 : i32
    %dma_wait3A_233 = arith.constant 0 : i32
    %dma_wait3A_234 = tpu.memref_slice %arg8[%dma_wait3A_232, %dma_wait3A_233] : memref<400x64xf32, #tpu.memory_space<vmem>> -> memref<50x64xf32, #tpu.memory_space<vmem>>
    %dma_wait3A_235 = arith.constant 0 : i32
    %dma_wait3A_236 = arith.constant 0 : i32
    %dma_wait3A_237 = tpu.memref_slice %arg4[%add3A_231, %dma_wait3A_235, %dma_wait3A_236] : memref<16384x50x64xf32, #tpu.memory_space<hbm>> -> memref<1x50x64xf32, #tpu.memory_space<hbm>>
    %dma_wait3A_238 = tpu.memref_squeeze %dma_wait3A_237 : memref<1x50x64xf32, #tpu.memory_space<hbm>> -> memref<50x64xf32, #tpu.memory_space<hbm>>
    %dma_wait3A_239 = arith.constant 0 : i32
    %dma_wait3A_240 = arith.constant 0 : i32
    %dma_wait3A_241 = tpu.memref_slice %arg4[%add3A_231, %dma_wait3A_239, %dma_wait3A_240] : memref<16384x50x64xf32, #tpu.memory_space<hbm>> -> memref<1x50x64xf32, #tpu.memory_space<hbm>>
    %dma_wait3A_242 = tpu.memref_squeeze %dma_wait3A_241 : memref<1x50x64xf32, #tpu.memory_space<hbm>> -> memref<50x64xf32, #tpu.memory_space<hbm>>
    %dma_wait3A_243 = arith.constant 150 : i32
    %dma_wait3A_244 = arith.constant 0 : i32
    %dma_wait3A_245 = tpu.memref_slice %arg8[%dma_wait3A_243, %dma_wait3A_244] : memref<400x64xf32, #tpu.memory_space<vmem>> -> memref<50x64xf32, #tpu.memory_space<vmem>>
    tpu.wait_dma2 semaphore(%arg14 : memref<!tpu.dma_semaphore, #tpu.memory_space<semaphore_mem>>) src(%dma_wait3A_245 : memref<50x64xf32, #tpu.memory_space<vmem>>) dst(%dma_wait3A_242 : memref<50x64xf32, #tpu.memory_space<hbm>>)
    %add3A_246 = arith.constant 504 : i32
    %add3A_247 = arith.addi %mul3A_2, %add3A_246 : i32
    %add3A_248 = arith.constant 4 : i32
    %add3A_249 = arith.addi %add3A_247, %add3A_248 : i32
    %dma_wait3A_250 = arith.constant 200 : i32
    %dma_wait3A_251 = arith.constant 0 : i32
    %dma_wait3A_252 = tpu.memref_slice %arg8[%dma_wait3A_250, %dma_wait3A_251] : memref<400x64xf32, #tpu.memory_space<vmem>> -> memref<50x64xf32, #tpu.memory_space<vmem>>
    %dma_wait3A_253 = arith.constant 0 : i32
    %dma_wait3A_254 = arith.constant 0 : i32
    %dma_wait3A_255 = tpu.memref_slice %arg4[%add3A_249, %dma_wait3A_253, %dma_wait3A_254] : memref<16384x50x64xf32, #tpu.memory_space<hbm>> -> memref<1x50x64xf32, #tpu.memory_space<hbm>>
    %dma_wait3A_256 = tpu.memref_squeeze %dma_wait3A_255 : memref<1x50x64xf32, #tpu.memory_space<hbm>> -> memref<50x64xf32, #tpu.memory_space<hbm>>
    %dma_wait3A_257 = arith.constant 0 : i32
    %dma_wait3A_258 = arith.constant 0 : i32
    %dma_wait3A_259 = tpu.memref_slice %arg4[%add3A_249, %dma_wait3A_257, %dma_wait3A_258] : memref<16384x50x64xf32, #tpu.memory_space<hbm>> -> memref<1x50x64xf32, #tpu.memory_space<hbm>>
    %dma_wait3A_260 = tpu.memref_squeeze %dma_wait3A_259 : memref<1x50x64xf32, #tpu.memory_space<hbm>> -> memref<50x64xf32, #tpu.memory_space<hbm>>
    %dma_wait3A_261 = arith.constant 200 : i32
    %dma_wait3A_262 = arith.constant 0 : i32
    %dma_wait3A_263 = tpu.memref_slice %arg8[%dma_wait3A_261, %dma_wait3A_262] : memref<400x64xf32, #tpu.memory_space<vmem>> -> memref<50x64xf32, #tpu.memory_space<vmem>>
    tpu.wait_dma2 semaphore(%arg14 : memref<!tpu.dma_semaphore, #tpu.memory_space<semaphore_mem>>) src(%dma_wait3A_263 : memref<50x64xf32, #tpu.memory_space<vmem>>) dst(%dma_wait3A_260 : memref<50x64xf32, #tpu.memory_space<hbm>>)
    %add3A_264 = arith.constant 504 : i32
    %add3A_265 = arith.addi %mul3A_2, %add3A_264 : i32
    %add3A_266 = arith.constant 5 : i32
    %add3A_267 = arith.addi %add3A_265, %add3A_266 : i32
    %dma_wait3A_268 = arith.constant 250 : i32
    %dma_wait3A_269 = arith.constant 0 : i32
    %dma_wait3A_270 = tpu.memref_slice %arg8[%dma_wait3A_268, %dma_wait3A_269] : memref<400x64xf32, #tpu.memory_space<vmem>> -> memref<50x64xf32, #tpu.memory_space<vmem>>
    %dma_wait3A_271 = arith.constant 0 : i32
    %dma_wait3A_272 = arith.constant 0 : i32
    %dma_wait3A_273 = tpu.memref_slice %arg4[%add3A_267, %dma_wait3A_271, %dma_wait3A_272] : memref<16384x50x64xf32, #tpu.memory_space<hbm>> -> memref<1x50x64xf32, #tpu.memory_space<hbm>>
    %dma_wait3A_274 = tpu.memref_squeeze %dma_wait3A_273 : memref<1x50x64xf32, #tpu.memory_space<hbm>> -> memref<50x64xf32, #tpu.memory_space<hbm>>
    %dma_wait3A_275 = arith.constant 0 : i32
    %dma_wait3A_276 = arith.constant 0 : i32
    %dma_wait3A_277 = tpu.memref_slice %arg4[%add3A_267, %dma_wait3A_275, %dma_wait3A_276] : memref<16384x50x64xf32, #tpu.memory_space<hbm>> -> memref<1x50x64xf32, #tpu.memory_space<hbm>>
    %dma_wait3A_278 = tpu.memref_squeeze %dma_wait3A_277 : memref<1x50x64xf32, #tpu.memory_space<hbm>> -> memref<50x64xf32, #tpu.memory_space<hbm>>
    %dma_wait3A_279 = arith.constant 250 : i32
    %dma_wait3A_280 = arith.constant 0 : i32
    %dma_wait3A_281 = tpu.memref_slice %arg8[%dma_wait3A_279, %dma_wait3A_280] : memref<400x64xf32, #tpu.memory_space<vmem>> -> memref<50x64xf32, #tpu.memory_space<vmem>>
    tpu.wait_dma2 semaphore(%arg14 : memref<!tpu.dma_semaphore, #tpu.memory_space<semaphore_mem>>) src(%dma_wait3A_281 : memref<50x64xf32, #tpu.memory_space<vmem>>) dst(%dma_wait3A_278 : memref<50x64xf32, #tpu.memory_space<hbm>>)
    %add3A_282 = arith.constant 504 : i32
    %add3A_283 = arith.addi %mul3A_2, %add3A_282 : i32
    %add3A_284 = arith.constant 6 : i32
    %add3A_285 = arith.addi %add3A_283, %add3A_284 : i32
    %dma_wait3A_286 = arith.constant 300 : i32
    %dma_wait3A_287 = arith.constant 0 : i32
    %dma_wait3A_288 = tpu.memref_slice %arg8[%dma_wait3A_286, %dma_wait3A_287] : memref<400x64xf32, #tpu.memory_space<vmem>> -> memref<50x64xf32, #tpu.memory_space<vmem>>
    %dma_wait3A_289 = arith.constant 0 : i32
    %dma_wait3A_290 = arith.constant 0 : i32
    %dma_wait3A_291 = tpu.memref_slice %arg4[%add3A_285, %dma_wait3A_289, %dma_wait3A_290] : memref<16384x50x64xf32, #tpu.memory_space<hbm>> -> memref<1x50x64xf32, #tpu.memory_space<hbm>>
    %dma_wait3A_292 = tpu.memref_squeeze %dma_wait3A_291 : memref<1x50x64xf32, #tpu.memory_space<hbm>> -> memref<50x64xf32, #tpu.memory_space<hbm>>
    %dma_wait3A_293 = arith.constant 0 : i32
    %dma_wait3A_294 = arith.constant 0 : i32
    %dma_wait3A_295 = tpu.memref_slice %arg4[%add3A_285, %dma_wait3A_293, %dma_wait3A_294] : memref<16384x50x64xf32, #tpu.memory_space<hbm>> -> memref<1x50x64xf32, #tpu.memory_space<hbm>>
    %dma_wait3A_296 = tpu.memref_squeeze %dma_wait3A_295 : memref<1x50x64xf32, #tpu.memory_space<hbm>> -> memref<50x64xf32, #tpu.memory_space<hbm>>
    %dma_wait3A_297 = arith.constant 300 : i32
    %dma_wait3A_298 = arith.constant 0 : i32
    %dma_wait3A_299 = tpu.memref_slice %arg8[%dma_wait3A_297, %dma_wait3A_298] : memref<400x64xf32, #tpu.memory_space<vmem>> -> memref<50x64xf32, #tpu.memory_space<vmem>>
    tpu.wait_dma2 semaphore(%arg14 : memref<!tpu.dma_semaphore, #tpu.memory_space<semaphore_mem>>) src(%dma_wait3A_299 : memref<50x64xf32, #tpu.memory_space<vmem>>) dst(%dma_wait3A_296 : memref<50x64xf32, #tpu.memory_space<hbm>>)
    %add3A_300 = arith.constant 504 : i32
    %add3A_301 = arith.addi %mul3A_2, %add3A_300 : i32
    %add3A_302 = arith.constant 7 : i32
    %add3A_303 = arith.addi %add3A_301, %add3A_302 : i32
    %dma_wait3A_304 = arith.constant 350 : i32
    %dma_wait3A_305 = arith.constant 0 : i32
    %dma_wait3A_306 = tpu.memref_slice %arg8[%dma_wait3A_304, %dma_wait3A_305] : memref<400x64xf32, #tpu.memory_space<vmem>> -> memref<50x64xf32, #tpu.memory_space<vmem>>
    %dma_wait3A_307 = arith.constant 0 : i32
    %dma_wait3A_308 = arith.constant 0 : i32
    %dma_wait3A_309 = tpu.memref_slice %arg4[%add3A_303, %dma_wait3A_307, %dma_wait3A_308] : memref<16384x50x64xf32, #tpu.memory_space<hbm>> -> memref<1x50x64xf32, #tpu.memory_space<hbm>>
    %dma_wait3A_310 = tpu.memref_squeeze %dma_wait3A_309 : memref<1x50x64xf32, #tpu.memory_space<hbm>> -> memref<50x64xf32, #tpu.memory_space<hbm>>
    %dma_wait3A_311 = arith.constant 0 : i32
    %dma_wait3A_312 = arith.constant 0 : i32
    %dma_wait3A_313 = tpu.memref_slice %arg4[%add3A_303, %dma_wait3A_311, %dma_wait3A_312] : memref<16384x50x64xf32, #tpu.memory_space<hbm>> -> memref<1x50x64xf32, #tpu.memory_space<hbm>>
    %dma_wait3A_314 = tpu.memref_squeeze %dma_wait3A_313 : memref<1x50x64xf32, #tpu.memory_space<hbm>> -> memref<50x64xf32, #tpu.memory_space<hbm>>
    %dma_wait3A_315 = arith.constant 350 : i32
    %dma_wait3A_316 = arith.constant 0 : i32
    %dma_wait3A_317 = tpu.memref_slice %arg8[%dma_wait3A_315, %dma_wait3A_316] : memref<400x64xf32, #tpu.memory_space<vmem>> -> memref<50x64xf32, #tpu.memory_space<vmem>>
    tpu.wait_dma2 semaphore(%arg14 : memref<!tpu.dma_semaphore, #tpu.memory_space<semaphore_mem>>) src(%dma_wait3A_317 : memref<50x64xf32, #tpu.memory_space<vmem>>) dst(%dma_wait3A_314 : memref<50x64xf32, #tpu.memory_space<hbm>>)
    return
  }
}

</mosaic_0001>

<sc_bundles>
// kernel: kernel.3.cloned.1.call-start
scs
__scs_entry_jumppad:
0x0: {  	(pc) =	sbr.rel $0x88, $3  }
0x1: {  	(tag) =	ssettag $0x0;
	lr =	simm.s32 $0x1  }
0x2: {  	[smem:$0x3F9F] =	sst lr;
	_ =	strace $0xD0000000  }
0x3: {  	_ = 	snop  }
0x4: {  	_ = 	snop  }
0x5: {  	_ = 	snop  }
0x6: {  	_ = 	snop  }
0x7: {  	_ = 	snop  }
__scs_overlays_trampoline_lowered:
0x8: {  	[smem:$0x3FAE] =	sst s0  }
0x9: {  	[smem:$0x3FAF] =	sst s1  }
0xa: {  	[smem:$0x3FB0] =	sst s2  }
0xb: {  	[smem:$0x3FB1] =	sst s3  }
0xc: {  	[smem:$0x3FB2] =	sst s4  }
0xd: {  	[smem:$0x3FB3] =	sst s5  }
0xe: {  	[smem:$0x3FB4] =	sst s6  }
0xf: {  	[smem:$0x3FB5] =	sst s7  }
0x10: {  	[smem:$0x3FB6] =	sst s8  }
0x11: {  	[smem:$0x3FB7] =	sst s9;
	s0 =	simm.s32 @!p0 $0x0  }
0x12: {  	s1 =	sld [smem:$0x3F9D];
	s0 =	simm.s32 @p0 $0x1  }
0x13: {  	[smem:$0x3FB8] =	sst s0;
	s0 =	simm.s32 @!p1 $0x0  }
0x14: {  	s2 =	sld [smem:$0x3F9C];
	s0 =	simm.s32 @p1 $0x1  }
0x15: {  	[smem:$0x3FB9] =	sst s0;
	s0 =	simm.s32 @!p2 $0x0  }
0x16: {  	s3 =	sld [smem:$0x3FDB];
	s0 =	simm.s32 @p2 $0x1  }
0x17: {  	s4 =	simm.s32 $0x1BF5;
	[smem:$0x3FBB] =	sst s0  }
0x18: {  	s0 =	sld [smem:$0x3F9E];
	_ =	swait.ge [sflag:s4], $0x0  }
0x19: {  	s7 =	sld [smem:$0x3F9F]  }
0x1a: {  	s8 =	sadd.s32 $0xFFFFE003, lr  }
0x1b: {  	s9 =	sadd.s32 $0xFFFFFEF7, lr;
	s5 =	simm.s32 $0xFFFFFFFF;
	p2 =	slt.u32 s8, $0xFFFFF086  }
0x1c: {  	p1 =	slt.u32 s9, $0xF7A;
	s5 =	simm.s32 @!p2 $0x0  }
0x1d: {  	s5 =	simm.s32 @p1 $0x1;
	p0 =	seq.s32 s7, s2  }
0x1e: {  	s7 =	smul.u32 @!p0 $0xF7A, s2;
	p2 =	seq.s32 @!p0 s5, $0x0  }
0x1f: {  	s9 =	smul.u32 $0xF7A, s1;
	s8 =	simm.s32 @!p0 $0x1BF5;
	p2 =	por !p2, p0  }
0x20: {  	[sflag:s8] =	ssyncset.s32 @!p0 $0xFFFFF086;
	s6 =	sadd.s32 @!p0 s3, s7;
	s7 =	simm.s32 @!p0 $0x108  }
0x21: {  	s3 =	sadd.s32 s3, s9;
	s6 =	sadd.s32 @!p0 $0x88, s6;
	s7 =	simm.s32 @p2 $0x1082  }
0x22: {  	[simem:s7], [sflag:s8] =	dma.local @!p0 [hbm:s6], $0xF7A  }
0x23: {  	s9 =	sor.u32 $0xD0000000, s2;
	s6 =	simm.s32 $0x108;
	_ =	swait.ge @!p0 [sflag:s8], $0x0  }
0x24: {  	s3 =	sadd.s32 $0x88, s3;
	s6 =	simm.s32 @!p1 $0x1082;
	[sflag:s4] =	ssyncset.s32 $0xFFFFF086  }
0x25: {  	[simem:s6], [sflag:s4] =	dma.local [hbm:s3], $0xF7A  }
0x26: {  	[smem:$0x3F9F] =	sst s1;
	(tag) =	ssettag s2;
	_ =	strace s9  }
0x27: {  	s1 =	sld [smem:$0x3FAF]  }
0x28: {  	s2 =	sld [smem:$0x3FB0]  }
0x29: {  	s4 =	sld [smem:$0x3FB2]  }
0x2a: {  	p0 =	seq.s32 s5, $0x0;
	s5 =	sld [smem:$0x3FB3]  }
0x2b: {  	s6 =	sld [smem:$0x3FB4]  }
0x2c: {  	s7 =	sld [smem:$0x3FB5]  }
0x2d: {  	s3 =	simm.s32 $0x108;
	s8 =	sld [smem:$0x3FB6]  }
0x2e: {  	s3 =	simm.s32 @!p0 $0x1082;
	s9 =	sld [smem:$0x3FB7]  }
0x2f: {  	lr =	sadd.s32 s0, s3;
	s0 =	sld [smem:$0x3FAE]  }
0x30: {  	s3 =	sld [smem:$0x3FB1]  }
0x31: {  	[smem:$0x3FBA] =	sst s10  }
0x32: {  	s10 =	sld [smem:$0x3FB8];
	_ =	sdelay $0x3  }
0x33: {  	p0 =	seq.s32 s10, $0x1;
	s10 =	sld [smem:$0x3FBA];
	_ =	sdelay $0x3  }
0x34: {  	[smem:$0x3FBA] =	sst s10  }
0x35: {  	s10 =	sld [smem:$0x3FB9];
	_ =	sdelay $0x3  }
0x36: {  	p1 =	seq.s32 s10, $0x1;
	s10 =	sld [smem:$0x3FBA];
	_ =	sdelay $0x3  }
0x37: {  	[smem:$0x3FBA] =	sst s10  }
0x38: {  	s10 =	sld [smem:$0x3FBB]  }
0x39: {  	_ = 	snop;
	(pc) =	sbr.ind lr, $3  }
0x3a: {  	_ = 	snop  }
0x3b: {  	_ = 	snop  }
0x3c: {  	p2 =	seq.s32 s10, $0x1;
	s10 =	sld [smem:$0x3FBA]  }
0x3d: {  	_ =	shalt  }
0x3e: {  	_ =	shalt  }
0x3f: {  	_ =	shalt  }
0x40: {  	_ =	shalt  }
0x41: {  	_ =	shalt  }
0x42: {  	_ =	shalt  }
0x43: {  	_ =	shalt  }
0x44: {  	_ =	shalt  }
0x45: {  	_ =	shalt  }
0x46: {  	_ =	shalt  }
0x47: {  	_ =	shalt  }
0x48: {  	_ =	shalt  }
0x49: {  	_ =	shalt  }
0x4a: {  	_ =	shalt  }
0x4b: {  	_ =	shalt  }
0x4c: {  	_ =	shalt  }
0x4d: {  	_ =	shalt  }
0x4e: {  	_ =	shalt  }
0x4f: {  	_ =	shalt  }
0x50: {  	_ =	shalt  }
0x51: {  	_ =	shalt  }
0x52: {  	_ =	shalt  }
0x53: {  	_ =	shalt  }
0x54: {  	_ =	shalt  }
0x55: {  	_ =	shalt  }
0x56: {  	_ =	shalt  }
0x57: {  	_ =	shalt  }
0x58: {  	_ =	shalt  }
0x59: {  	_ =	shalt  }
0x5a: {  	_ =	shalt  }
0x5b: {  	_ =	shalt  }
0x5c: {  	_ =	shalt  }
0x5d: {  	_ =	shalt  }
0x5e: {  	_ =	shalt  }
0x5f: {  	_ =	shalt  }
0x60: {  	_ =	shalt  }
0x61: {  	_ =	shalt  }
0x62: {  	_ =	shalt  }
0x63: {  	_ =	shalt  }
0x64: {  	_ =	shalt  }
0x65: {  	_ =	shalt  }
0x66: {  	_ =	shalt  }
0x67: {  	_ =	shalt  }
0x68: {  	_ =	shalt  }
0x69: {  	_ =	shalt  }
0x6a: {  	_ =	shalt  }
0x6b: {  	_ =	shalt  }
0x6c: {  	_ =	shalt  }
0x6d: {  	_ =	shalt  }
0x6e: {  	_ =	shalt  }
0x6f: {  	_ =	shalt  }
0x70: {  	_ =	shalt  }
0x71: {  	_ =	shalt  }
0x72: {  	_ =	shalt  }
0x73: {  	_ =	shalt  }
0x74: {  	_ =	shalt  }
0x75: {  	_ =	shalt  }
0x76: {  	_ =	shalt  }
0x77: {  	_ =	shalt  }
0x78: {  	_ =	shalt  }
0x79: {  	_ =	shalt  }
0x7a: {  	_ =	shalt  }
0x7b: {  	_ =	shalt  }
0x7c: {  	_ =	shalt  }
0x7d: {  	_ =	shalt  }
0x7e: {  	_ =	shalt  }
0x7f: {  	_ =	shalt  }
0x80: {  	_ =	shalt  }
0x81: {  	_ =	shalt  }
0x82: {  	_ =	shalt  }
0x83: {  	_ =	shalt  }
0x84: {  	_ =	shalt  }
0x85: {  	_ =	shalt  }
0x86: {  	_ =	shalt  }
0x87: {  	_ =	shalt  }
.Lfunc_end0:
.L_simem_size_0:
called_computation_lowered:
.L_overlay_start_0:
0x88: {  	s2 =	sld [smem:$0x3FD9]  }
0x89: {  	s3 =	sld [smem:$0x3FFE];
	_ =	sdelay $0x1  }
0x8a: {  	s1 =	srdreg.scid  }
0x8b: {  	s0 =	sand.u32 $0x1, s1  }
0x8c: {  	s17 =	sshll.u32 s0, $0xA;
	s2 =	sadd.s32 s3, s2  }
0x8d: {  	s2 =	sadd.s32 s2, s17  }
0x8e: {  	[smem:$0x3FC6] =	sst s2  }
0x8f: {  	_ = 	snop  }
0x90: {  	s2 =	sld [smem:$0x3FD0];
	(tm) =	ssettm $0x1  }
0x91: {  	s18 =	sld [smem:$0x3FFB];
	_ =	sdelay $0x3  }
0x92: {  	_ =	strace s18  }
0x93: {  	s3 =	sld [smem:$0x3FFC];
	_ =	sdelay $0x3  }
0x94: {  	_ =	strace s3  }
0x95: {  	s3 =	sld [smem:$0x3FFD];
	_ =	sdelay $0x3  }
0x96: {  	_ =	strace s3  }
0x97: {  	_ =	strace $0x8FFFFFFF  }
0x98: {  	s19 =	sld [smem:$0x3FDB];
	_ =	sdelay $0x1  }
0x99: {  	s4 =	simm.s32 $_scs_section_size  }
0x9a: {  	s5 =	simm.s32 $_size__tile_overlayer_lowered;
	s6 =	simm.s32 $_tile_overlayer_lowered  }
0x9b: {  	s22 =	simm.s32 $0x1BFF;
	s21 =	sshll.u32 s6, $0x1;
	s3 =	sadd.s32 s4, s19  }
0x9c: {  	s7 =	simm.s32 $0x0;
	s20 =	sshll.u32 s5, $0x1;
	s5 =	sadd.s32 s21, s3  }
0x9d: {  	[timem:s7], [sflag:s22] =	dma.local [hbm:s5], s20  }
0x9e: {  	_ =	swait.ge [sflag:s22], s20  }
0x9f: {  	s4 =	ssub.s32 $0x0, s20;
	[sflag:s22] =	ssyncset.done $0x0  }
0xa0: {  	[sflag:s22] =	ssyncadd.s32 s4;
	_ =	sdelay $0x1  }
0xa1: {  	s23 =	simm.s32 $0x1B8B  }
0xa2: {  	_ =	swait.ge [sflag:s23], $0x1  }
0xa3: {  	[sflag:s23] =	ssyncset.done $0x0  }
0xa4: {  	s25 =	simm.s32 $0x1B8E;
	s24 =	sld [smem:$0x3FFE];
	[sflag:s23] =	ssyncadd.s32 $0xFFFFFFFF  }
0xa5: {  	s26 =	simm.s32 $execute0_lowered;
	[smem:$0x3FD2] =	sst s25  }
0xa6: {  	s5 =	sshll.u32 s26, $0x1;
	_ =	strace $0x80000046;
	[dreg:$0x1] =	wrdreg $0xFFFFFFFF  }
0xa7: {  	s28 =	simm.s32 $_size_execute0_lowered;
	s3 =	sadd.s32 s3, s5;
	[dreg:$0x0] =	wrdreg $0x0  }
0xa8: {  	s5 =	sshll.u32 s28, $0x1;
	[dreg:$0x2] =	wrdreg s3  }
0xa9: {  	[dreg:$0x3] =	wrdreg s5  }
0xaa: {  	[dreg:$0x4] =	wrdreg $0xC0  }
0xab: {  	_ =	task [dreg:s7], $0x5FFFF  }
0xac: {  	[dreg:$0x1] =	wrdreg $0xFFFFFFFF  }
0xad: {  	[dreg:$0x0] =	wrdreg $0x60  }
0xae: {  	[dreg:$0x2] =	wrdreg s2  }
0xaf: {  	[dreg:$0x3] =	wrdreg s24  }
0xb0: {  	[dreg:$0x4] =	wrdreg $0x9  }
0xb1: {  	_ =	task.clear_ibuf [dreg:s7], $0x5FFFF;
	_ =	strace $0x90000046  }
0xb2: {  	s29 =	simm.s32 $0x9;
	_ =	strace $0x80000048  }
0xb3: {  	_ =	swait.ge [sflag:s29], $0x1  }
0xb4: {  	[sflag:s29] =	ssyncadd.s32 $0xFFFFFFFF  }
0xb5: {  	_ =	strace $0x90000048  }
0xb6: {  	_ =	sfence  }
0xb7: {  	s30 =	sld [smem:$0x0];
	_ =	sdelay $0x2  }
0xb8: {  	s31 =	sshll.u32 s1, $0xD;
	s1 =	sshrl.u32 s1, $0x2  }
0xb9: {  	s3 =	sand.u32 $0x4000, s31;
	s1 =	sadd.s32 s1, s30  }
0xba: {  	s0 =	sor.u32 s3, s0;
	s1 =	sshll.u32 s1, $0x11  }
0xbb: {  	s0 =	sor.u32 s1, s0  }
0xbc: {  	s0 =	sadd.s32 $0x8F2B, s0  }
0xbd: {  	[sflag:s0] =	ssyncadd.remote.s32 $0x1  }
0xbe: {  	_ =	sfence.sel $0xFFFF  }
0xbf: {  	[dreg:$0x0] =	wrdreg $0xFFFFFFFF;
	(pc) =	sbr.abs _section_cstart, $3  }
0xc0: {  	[dreg:$0x1] =	wrdreg $0xFFFFFFFF  }
0xc1: {  	_ =	task.clear_ibuf [dreg:s7], $0x2FFFF;
	_ =	strace $0x9FFFFFFF  }
0xc2: {  	(tm) =	ssettm $0x7FFFFFFF  }
0xc3: {  	_ =	shalt  }
tec
execute0_lowered:
.L_overlay_start_1:
0x0: {  	(tag) =	ssettag $0x1  }
0x1: {  	s10 =	rddreg [dreg:$0x0];
	s0 =	srdreg.scid  }
0x2: {  	s2 =	stileid.u32;
	s1 =	rddreg [dreg:$0x1];
	s3 =	simm.s32 $0x0  }
0x3: {  	s17 =	simm.s32 $0x2;
	s0 =	sand.u32 $0x1, s0;
	s4 =	sshll.u32 s2, $0x1  }
0x4: {  	s18 =	simm.s32 $0x3;
	s28 =	simm.s32 $0x4;
	s6 =	sor.u32 s0, s4  }
0x5: {  	s14 =	simm.s32 $0x5;
	[smem:$0x7FF] =	sst s3;
	s8 =	smul.u32 $0x6400, s6  }
0x6: {  	_ =	strace $0x80000047;
	s0 =	ssub.s32 $0x2, s0;
	s6 =	sshll.u32 s6, $0x9  }
0x7: {  	s9 =	sshrl.u32 s0, $0x1;
	[dreg:$0x4] =	wrdreg s6;
	s30 =	sadd.s32 $0x4B0, s8  }
0x8: {  	s0 =	ssub.s32 s0, s9;
	s31 =	sadd.s32 $0x640, s8;
	[dreg:$0x7] =	wrdreg s30  }
0x9: {  	s7 =	sshrl.u32 s8, $0x3;
	s0 =	smax.u32 s0, $0x1;
	[dreg:$0x8] =	wrdreg s31  }
0xa: {  	s5 =	sadd.s32 $0xF42800, s1;
	s26 =	sadd.s32 s10, s7;
	[dreg:$0x9] =	wrdreg s0  }
0xb: {  	s11 =	sadd.s32 $0xF42B80, s1;
	s29 =	sadd.s32 $0x32, s26;
	[dreg:$0x3] =	wrdreg s26  }
0xc: {  	s12 =	sadd.s32 $0xF42F00, s1;
	s2 =	sadd.s32 $0x64, s26;
	[dreg:$0x5] =	wrdreg s29  }
0xd: {  	s4 =	sadd.s32 $0x400, s1;
	[dreg:$0x6] =	wrdreg s2;
	s2 =	simm.s32 $0x0  }
.LBB2_1:
0xe: {  	[dreg:$0xa] =	wrdreg s2  }
0xf: {  	s0 =	rddreg [dreg:$0x3]  }
0x10: {  	[tilespmem:s3], [sflag:$0x1] =	stream.linear.gather [hbm4b:s0+s3], $0x190, $0x38;
	[tilespmem:$0x19400] =	vst v63  }
0x11: {  	s30 =	rddreg [dreg:$0x5];
	s1 =	simm.s32 $0x200;
	s31 =	simm.s32 $0x1  }
0x12: {  	[tilespmem:s1], [sflag:$0x2] =	stream.linear.gather [hbm4b:s30+s3], $0x190, $0x38;
	[tilespmem:$0x19400] =	vst v63  }
0x13: {  	_ =	swait.ge [sflag:s31], $0x190  }
0x14: {  	[sflag:s31] =	ssyncset.done $0x0  }
0x15: {  	[sflag:s31] =	ssyncadd.s32 $0xFFFFFE70  }
0x16: {  	v0 =	vld [tilespmem:s3+$0x0];
	_ =	sdelay $0x4  }
0x17: {  	v0 =	vshll.u32 v0, $0x4  }
0x18: {  	(v2sf) =	vpush v0, $0x0  }
0x19: {  	(v2sf) =	vpush v0, $0x1  }
0x1a: {  	(v2sf) =	vpush v0, $0x2;
	_ =	sdelay $0x1  }
0x1b: {  	(v2sf) =	vpush v0, $0x4;
	_ =	sdelay $0x1  }
0x1c: {  	(v2sf) =	vpush v0, $0x3  }
0x1d: {  	(v2sf) =	vpush v0, $0x5  }
0x1e: {  	s13 =	simm.s32 $0x2000;
	s6 =	simm.s32 $0x0;
	s19 =	simm.s32 $0x0;
	(v2sf) =	vpush v0, $0x6  }
.LBB2_2:
0x1f: {  	p0 =	sne.s32 s13, $0x30000  }
0x20: {  	s1 =	sadd.s32 $0x480, s6;
	s23 =	sadd.s32 $0x980, s6;
	s20 =	smov.u32 s13  }
0x21: {  	s13 =	sadd.s32 $0x2000, s13;
	s26 =	sadd.s32 $0x780, s6;
	s21 =	sadd.s32 $0xA00, s6;
	(v2sf) =	vpush v0, $0x7  }
0x22: {  	s30 =	sadd.s32 $0x680, s6;
	s25 =	sadd.s32 $0x800, s6;
	s22 =	sadd.s32 $0xA80, s6  }
0x23: {  	s31 =	sadd.s32 $0x400, s6;
	s0 =	sadd.s32 $0x600, s6;
	(v2sf) =	vpush v0, $0x8  }
0x24: {  	s15 =	sadd.s32 $0x700, s6;
	s19 =	sadd.s32 $0x10, s19  }
0x25: {  	s8 =	sadd.s32 $0x500, s6;
	s24 =	sadd.s32 $0x900, s6;
	s29 =	spop (v2sf);
	(v2sf) =	vpush v0, $0x9  }
0x26: {  	s9 =	sand.u32 $0x1FFFFFF0, s29;
	s29 =	sadd.s32 $0x880, s6;
	s2 =	spop (v2sf)  }
0x27: {  	s9 =	sadd.s32 s4, s9;
	s2 =	sand.u32 $0x1FFFFFF0, s2;
	s16 =	spop (v2sf);
	(v2sf) =	vpush v0, $0xA  }
0x28: {  	[tilespmem:s31], [sflag:$0x3] =	stream.linear.gather [hbm4b:s9+s3], $0x80, $0x38;
	[tilespmem:$0x19400] =	vst v63  }
0x29: {  	s2 =	sadd.s32 s4, s2;
	s9 =	sadd.s32 $0x580, s6;
	s31 =	spop (v2sf);
	(v2sf) =	vpush v0, $0xB  }
0x2a: {  	[tilespmem:s1], [sflag:$0x3] =	stream.linear.gather [hbm4b:s2+s3], $0x80, $0x38;
	[tilespmem:$0x19400] =	vst v63  }
0x2b: {  	s1 =	sand.u32 $0x1FFFFFF0, s16;
	s2 =	sand.u32 $0x1FFFFFF0, s31;
	s16 =	spop (v2sf);
	(v2sf) =	vpush v0, $0xC  }
0x2c: {  	s1 =	sadd.s32 s4, s1;
	s16 =	sand.u32 $0x1FFFFFF0, s16;
	s31 =	spop (v2sf)  }
0x2d: {  	[tilespmem:s8], [sflag:$0x3] =	stream.linear.gather [hbm4b:s1+s3], $0x80, $0x38;
	(v2sf) =	vpush v0, $0xD;
	[tilespmem:$0x19400] =	vst v63  }
0x2e: {  	s1 =	sadd.s32 s4, s16;
	s8 =	sand.u32 $0x1FFFFFF0, s31;
	s16 =	spop (v2sf)  }
0x2f: {  	[tilespmem:s9], [sflag:$0x3] =	stream.linear.gather [hbm4b:s1+s3], $0x80, $0x38;
	(v2sf) =	vpush v0, $0xE;
	[tilespmem:$0x19400] =	vst v63  }
0x30: {  	s1 =	sadd.s32 s4, s2;
	s2 =	sand.u32 $0x1FFFFFF0, s16;
	s9 =	spop (v2sf)  }
0x31: {  	[tilespmem:s0], [sflag:$0x3] =	stream.linear.gather [hbm4b:s1+s3], $0x80, $0x38;
	(v2sf) =	vpush v0, $0xF;
	[tilespmem:$0x19400] =	vst v63  }
0x32: {  	s0 =	sadd.s32 s4, s8;
	s1 =	sand.u32 $0x1FFFFFF0, s9;
	s8 =	spop (v2sf)  }
0x33: {  	[tilespmem:s30], [sflag:$0x3] =	stream.linear.gather [hbm4b:s0+s3], $0x80, $0x38;
	[tilespmem:$0x19400] =	vst v63  }
0x34: {  	s0 =	sadd.s32 s4, s2;
	s2 =	sand.u32 $0x1FFFFFF0, s8;
	s8 =	spop (v2sf)  }
0x35: {  	[tilespmem:s15], [sflag:$0x3] =	stream.linear.gather [hbm4b:s0+s3], $0x80, $0x38;
	[tilespmem:$0x19400] =	vst v63  }
0x36: {  	s0 =	sadd.s32 s4, s1;
	s1 =	sand.u32 $0x1FFFFFF0, s8;
	s8 =	spop (v2sf)  }
0x37: {  	[tilespmem:s26], [sflag:$0x3] =	stream.linear.gather [hbm4b:s0+s3], $0x80, $0x38;
	[tilespmem:$0x19400] =	vst v63  }
0x38: {  	s0 =	sadd.s32 s4, s2;
	s2 =	sand.u32 $0x1FFFFFF0, s8;
	s8 =	spop (v2sf)  }
0x39: {  	[tilespmem:s25], [sflag:$0x3] =	stream.linear.gather [hbm4b:s0+s3], $0x80, $0x38;
	[tilespmem:$0x19400] =	vst v63  }
0x3a: {  	s0 =	sadd.s32 s4, s1;
	s1 =	sand.u32 $0x1FFFFFF0, s8;
	s8 =	spop (v2sf)  }
0x3b: {  	[tilespmem:s29], [sflag:$0x3] =	stream.linear.gather [hbm4b:s0+s3], $0x80, $0x38;
	[tilespmem:$0x19400] =	vst v63  }
0x3c: {  	s0 =	sadd.s32 s4, s2;
	s2 =	sand.u32 $0x1FFFFFF0, s8;
	s8 =	spop (v2sf)  }
0x3d: {  	[tilespmem:s24], [sflag:$0x3] =	stream.linear.gather [hbm4b:s0+s3], $0x80, $0x38;
	[tilespmem:$0x19400] =	vst v63  }
0x3e: {  	s0 =	sadd.s32 s4, s1;
	s1 =	sand.u32 $0x1FFFFFF0, s8;
	s8 =	spop (v2sf)  }
0x3f: {  	[tilespmem:s23], [sflag:$0x3] =	stream.linear.gather [hbm4b:s0+s3], $0x80, $0x38;
	[tilespmem:$0x19400] =	vst v63  }
0x40: {  	s0 =	sadd.s32 s4, s2;
	s2 =	sand.u32 $0x1FFFFFF0, s8;
	s8 =	spop (v2sf)  }
0x41: {  	[tilespmem:s21], [sflag:$0x3] =	stream.linear.gather [hbm4b:s0+s3], $0x80, $0x38;
	[tilespmem:$0x19400] =	vst v63  }
0x42: {  	s0 =	sadd.s32 s4, s1;
	s1 =	sand.u32 $0x1FFFFFF0, s8  }
0x43: {  	[tilespmem:s22], [sflag:$0x3] =	stream.linear.gather [hbm4b:s0+s3], $0x80, $0x38;
	[tilespmem:$0x19400] =	vst v63  }
0x44: {  	s2 =	sadd.s32 s4, s2;
	s0 =	sadd.s32 $0xB00, s6  }
0x45: {  	[tilespmem:s0], [sflag:$0x3] =	stream.linear.gather [hbm4b:s2+s3], $0x80, $0x38;
	[tilespmem:$0x19400] =	vst v63  }
0x46: {  	s1 =	sadd.s32 s4, s1;
	s0 =	sadd.s32 $0xB80, s6  }
0x47: {  	[tilespmem:s0], [sflag:$0x3] =	stream.linear.gather [hbm4b:s1+s3], $0x80, $0x38;
	[tilespmem:$0x19400] =	vst v63  }
0x48: {  	v0 =	vld [tilespmem:s19+$0x0];
	_ =	sdelay $0x4  }
0x49: {  	v0 =	vshll.u32 v0, $0x4  }
0x4a: {  	(v2sf) =	vpush v0, $0x0  }
0x4b: {  	(v2sf) =	vpush v0, $0x1  }
0x4c: {  	(v2sf) =	vpush v0, $0x2;
	_ =	sdelay $0x1  }
0x4d: {  	(v2sf) =	vpush v0, $0x4  }
.Ltmp0:
0x4e: {  	(pc) =	sbr.rel @p0 .LBB2_2-.Ltmp0, $3  }
0x4f: {  	(v2sf) =	vpush v0, $0x3  }
0x50: {  	(v2sf) =	vpush v0, $0x5;
	_ =	sdelay $0x1  }
0x51: {  	s6 =	sshra.s32 s20, $0x2;
	(v2sf) =	vpush v0, $0x6  }
0x52: {  	_ =	sdelay $0x1  }
0x53: {  	s0 =	sadd.s32 $0x480, s6;
	s20 =	sadd.s32 $0x980, s6  }
0x54: {  	s1 =	sadd.s32 $0x780, s6;
	s13 =	sadd.s32 $0xA00, s6;
	(v2sf) =	vpush v0, $0x7;
	s2 =	sadd.s32 $0x680, s6  }
0x55: {  	s8 =	sadd.s32 $0x800, s6;
	s19 =	sadd.s32 $0xA80, s6;
	s9 =	sadd.s32 $0x400, s6  }
0x56: {  	s15 =	sadd.s32 $0x600, s6;
	s16 =	sadd.s32 $0x700, s6;
	(v2sf) =	vpush v0, $0x8;
	s21 =	spop (v2sf)  }
0x57: {  	s22 =	sadd.s32 $0x500, s6;
	s21 =	sand.u32 $0x1FFFFFF0, s21;
	s23 =	spop (v2sf)  }
0x58: {  	(v2sf) =	vpush v0, $0x9;
	s21 =	sadd.s32 s4, s21;
	s23 =	sand.u32 $0x1FFFFFF0, s23;
	s24 =	spop (v2sf)  }
0x59: {  	[tilespmem:s9], [sflag:$0x3] =	stream.linear.gather [hbm4b:s21+s3], $0x80, $0x38;
	[tilespmem:$0x19400] =	vst v63  }
0x5a: {  	s25 =	sadd.s32 $0x580, s6;
	(v2sf) =	vpush v0, $0xA;
	s7 =	sadd.s32 s4, s23;
	s10 =	spop (v2sf)  }
0x5b: {  	[tilespmem:s0], [sflag:$0x3] =	stream.linear.gather [hbm4b:s7+s3], $0x80, $0x38;
	[tilespmem:$0x19400] =	vst v63  }
0x5c: {  	s9 =	sadd.s32 $0x900, s6;
	s26 =	sand.u32 $0x1FFFFFF0, s24;
	(v2sf) =	vpush v0, $0xB;
	s29 =	spop (v2sf)  }
0x5d: {  	s21 =	sadd.s32 s4, s26;
	s0 =	sadd.s32 $0x880, s6;
	s24 =	sand.u32 $0x1FFFFFF0, s29  }
0x5e: {  	(v2sf) =	vpush v0, $0xC;
	[tilespmem:s22], [sflag:$0x3] =	stream.linear.gather [hbm4b:s21+s3], $0x80, $0x38;
	[tilespmem:$0x19400] =	vst v63  }
0x5f: {  	s30 =	sand.u32 $0x1FFFFFF0, s10;
	s31 =	spop (v2sf);
	s7 =	sadd.s32 s4, s24  }
0x60: {  	(v2sf) =	vpush v0, $0xD;
	[tilespmem:s25], [sflag:$0x3] =	stream.linear.gather [hbm4b:s7+s3], $0x80, $0x38;
	[tilespmem:$0x19400] =	vst v63  }
0x61: {  	s21 =	sadd.s32 s4, s30;
	s22 =	sand.u32 $0x1FFFFFF0, s31;
	s10 =	spop (v2sf)  }
0x62: {  	(v2sf) =	vpush v0, $0xE;
	[tilespmem:s15], [sflag:$0x3] =	stream.linear.gather [hbm4b:s21+s3], $0x80, $0x38;
	[tilespmem:$0x19400] =	vst v63  }
0x63: {  	s22 =	sadd.s32 s4, s22;
	s23 =	sand.u32 $0x1FFFFFF0, s10;
	s24 =	spop (v2sf)  }
0x64: {  	(v2sf) =	vpush v0, $0xF;
	[tilespmem:s2], [sflag:$0x3] =	stream.linear.gather [hbm4b:s22+s3], $0x80, $0x38;
	[tilespmem:$0x19400] =	vst v63  }
0x65: {  	s25 =	sand.u32 $0x1FFFFFF0, s24;
	s26 =	spop (v2sf);
	s15 =	sadd.s32 s4, s23  }
0x66: {  	[tilespmem:s16], [sflag:$0x3] =	stream.linear.gather [hbm4b:s15+s3], $0x80, $0x38;
	[tilespmem:$0x19400] =	vst v63  }
0x67: {  	s29 =	sand.u32 $0x1FFFFFF0, s26;
	s2 =	sadd.s32 s4, s25;
	s30 =	spop (v2sf)  }
0x68: {  	[tilespmem:s1], [sflag:$0x3] =	stream.linear.gather [hbm4b:s2+s3], $0x80, $0x38;
	[tilespmem:$0x19400] =	vst v63  }
0x69: {  	s15 =	sadd.s32 s4, s29;
	s31 =	sand.u32 $0x1FFFFFF0, s30;
	s7 =	spop (v2sf)  }
0x6a: {  	[tilespmem:s8], [sflag:$0x3] =	stream.linear.gather [hbm4b:s15+s3], $0x80, $0x38;
	[tilespmem:$0x19400] =	vst v63  }
0x6b: {  	s2 =	sand.u32 $0x1FFFFFF0, s7;
	s1 =	sadd.s32 s4, s31;
	s10 =	spop (v2sf)  }
0x6c: {  	[tilespmem:s0], [sflag:$0x3] =	stream.linear.gather [hbm4b:s1+s3], $0x80, $0x38;
	[tilespmem:$0x19400] =	vst v63  }
0x6d: {  	s2 =	sadd.s32 s4, s2;
	s15 =	sand.u32 $0x1FFFFFF0, s10;
	s16 =	spop (v2sf)  }
0x6e: {  	[tilespmem:s9], [sflag:$0x3] =	stream.linear.gather [hbm4b:s2+s3], $0x80, $0x38;
	[tilespmem:$0x19400] =	vst v63  }
0x6f: {  	s0 =	sadd.s32 s4, s15;
	s1 =	sand.u32 $0x1FFFFFF0, s16;
	s21 =	spop (v2sf)  }
0x70: {  	[tilespmem:s20], [sflag:$0x3] =	stream.linear.gather [hbm4b:s0+s3], $0x80, $0x38;
	[tilespmem:$0x19400] =	vst v63  }
0x71: {  	s22 =	sand.u32 $0x1FFFFFF0, s21;
	s1 =	sadd.s32 s4, s1;
	s23 =	spop (v2sf)  }
0x72: {  	[tilespmem:s13], [sflag:$0x3] =	stream.linear.gather [hbm4b:s1+s3], $0x80, $0x38;
	[tilespmem:$0x19400] =	vst v63  }
0x73: {  	s24 =	sand.u32 $0x1FFFFFF0, s23;
	s25 =	spop (v2sf);
	s0 =	sadd.s32 s4, s22  }
0x74: {  	[tilespmem:s19], [sflag:$0x3] =	stream.linear.gather [hbm4b:s0+s3], $0x80, $0x38;
	[tilespmem:$0x19400] =	vst v63  }
0x75: {  	s29 =	sadd.s32 $0xB00, s6;
	s26 =	sand.u32 $0x1FFFFFF0, s25;
	s1 =	sadd.s32 s4, s24  }
0x76: {  	[tilespmem:s29], [sflag:$0x3] =	stream.linear.gather [hbm4b:s1+s3], $0x80, $0x38;
	[tilespmem:$0x19400] =	vst v63  }
0x77: {  	s30 =	sadd.s32 $0xB80, s6;
	s0 =	sadd.s32 s4, s26  }
0x78: {  	[tilespmem:s30], [sflag:$0x3] =	stream.linear.gather [hbm4b:s0+s3], $0x80, $0x38;
	[tilespmem:$0x19400] =	vst v63  }
0x79: {  	s6 =	simm.s32 $0x0;
	s31 =	rddreg [dreg:$0x6]  }
0x7a: {  	[tilespmem:s6], [sflag:$0x1] =	stream.linear.gather [hbm4b:s31+s6], $0x190, $0x38;
	[tilespmem:$0x19400] =	vst v63  }
.LBB2_4:
0x7b: {  	p0 =	seq.s32 s6, $0x0  }
0x7c: {  	s0 =	simm.s32 @!p0 $0x6  }
0x7d: {  	_ =	swait.ge @!p0 [sflag:s0], $0x1900  }
0x7e: {  	[sflag:s0] =	ssyncset.done @!p0 $0x0  }
0x7f: {  	[sflag:s0] =	ssyncadd.s32 @!p0 $0xFFFFE700  }
0x80: {  	_ =	swait.ge @!p0 [sflag:s0], $0x1900  }
0x81: {  	[sflag:s0] =	ssyncset.done @!p0 $0x0  }
0x82: {  	[sflag:s0] =	ssyncadd.s32 @!p0 $0xFFFFE700  }
0x83: {  	_ =	swait.ge @!p0 [sflag:s0], $0x1900  }
0x84: {  	[sflag:s0] =	ssyncset.done @!p0 $0x0  }
0x85: {  	[sflag:s0] =	ssyncadd.s32 @!p0 $0xFFFFE700  }
0x86: {  	_ =	swait.ge @!p0 [sflag:s0], $0x1900  }
0x87: {  	[sflag:s0] =	ssyncset.done @!p0 $0x0  }
0x88: {  	[sflag:s0] =	ssyncadd.s32 @!p0 $0xFFFFE700  }
0x89: {  	_ =	swait.ge @!p0 [sflag:s0], $0x1900  }
0x8a: {  	[sflag:s0] =	ssyncset.done @!p0 $0x0  }
0x8b: {  	[sflag:s0] =	ssyncadd.s32 @!p0 $0xFFFFE700  }
0x8c: {  	_ =	swait.ge @!p0 [sflag:s0], $0x1900  }
0x8d: {  	[sflag:s0] =	ssyncset.done @!p0 $0x0  }
0x8e: {  	[sflag:s0] =	ssyncadd.s32 @!p0 $0xFFFFE700  }
0x8f: {  	_ =	swait.ge @!p0 [sflag:s0], $0x1900  }
0x90: {  	[sflag:s0] =	ssyncset.done @!p0 $0x0  }
0x91: {  	[sflag:s0] =	ssyncadd.s32 @!p0 $0xFFFFE700  }
0x92: {  	_ =	swait.ge @!p0 [sflag:s0], $0x1900  }
0x93: {  	[sflag:s0] =	ssyncset.done @!p0 $0x0  }
0x94: {  	[sflag:s0] =	ssyncadd.s32 @!p0 $0xFFFFE700  }
0x95: {  	_ =	swait.ge [sflag:s17], $0x190  }
0x96: {  	[sflag:s17] =	ssyncset.done $0x0  }
0x97: {  	s20 =	simm.s32 $0x200;
	[sflag:s17] =	ssyncadd.s32 $0xFFFFFE70  }
0x98: {  	v0 =	vld [tilespmem:s20+$0x0];
	_ =	sdelay $0x4  }
0x99: {  	v0 =	vshll.u32 v0, $0x4  }
0x9a: {  	(v2sf) =	vpush v0, $0x0  }
0x9b: {  	(v2sf) =	vpush v0, $0x1  }
0x9c: {  	(v2sf) =	vpush v0, $0x2;
	_ =	sdelay $0x1  }
0x9d: {  	(v2sf) =	vpush v0, $0x4;
	_ =	sdelay $0x1  }
0x9e: {  	(v2sf) =	vpush v0, $0x3  }
0x9f: {  	(v2sf) =	vpush v0, $0x5  }
0xa0: {  	s13 =	sshll.u32 s6, $0x4;
	s21 =	simm.s32 $0x2000;
	s19 =	simm.s32 $0x0;
	(v2sf) =	vpush v0, $0x6  }
.LBB2_5:
0xa1: {  	p0 =	sne.s32 s21, $0x30000  }
0xa2: {  	s0 =	sadd.s32 $0xCC80, s19;
	s25 =	sadd.s32 $0xD180, s19;
	s22 =	smov.u32 s21  }
0xa3: {  	s21 =	sadd.s32 $0x2000, s21;
	s30 =	sadd.s32 $0xCF80, s19;
	s23 =	sadd.s32 $0xD200, s19;
	(v2sf) =	vpush v0, $0x7  }
0xa4: {  	s1 =	sadd.s32 $0xCE80, s19;
	s29 =	sadd.s32 $0xD000, s19;
	s24 =	sadd.s32 $0xD280, s19  }
0xa5: {  	s2 =	sadd.s32 $0xCC00, s19;
	s8 =	sadd.s32 $0xCE00, s19;
	(v2sf) =	vpush v0, $0x8  }
0xa6: {  	s9 =	sadd.s32 $0xCF00, s19;
	s20 =	sadd.s32 $0x10, s20  }
0xa7: {  	s15 =	sadd.s32 $0xCD00, s19;
	s26 =	sadd.s32 $0xD100, s19;
	s16 =	spop (v2sf);
	(v2sf) =	vpush v0, $0x9  }
0xa8: {  	s31 =	sadd.s32 $0xD080, s19;
	s16 =	sand.u32 $0x1FFFFFF0, s16;
	s7 =	spop (v2sf)  }
0xa9: {  	s16 =	sadd.s32 s4, s16;
	s7 =	sand.u32 $0x1FFFFFF0, s7;
	s10 =	spop (v2sf);
	(v2sf) =	vpush v0, $0xA  }
0xaa: {  	[tilespmem:s2], [sflag:$0x4] =	stream.linear.gather [hbm4b:s16+s3], $0x80, $0x38;
	[tilespmem:$0x19400] =	vst v63  }
0xab: {  	s2 =	sadd.s32 s4, s7;
	s7 =	sadd.s32 $0xCD80, s19;
	s16 =	spop (v2sf);
	(v2sf) =	vpush v0, $0xB  }
0xac: {  	[tilespmem:s0], [sflag:$0x4] =	stream.linear.gather [hbm4b:s2+s3], $0x80, $0x38;
	[tilespmem:$0x19400] =	vst v63  }
0xad: {  	s0 =	sand.u32 $0x1FFFFFF0, s10;
	s2 =	sand.u32 $0x1FFFFFF0, s16;
	s10 =	spop (v2sf);
	(v2sf) =	vpush v0, $0xC  }
0xae: {  	s0 =	sadd.s32 s4, s0;
	s10 =	sand.u32 $0x1FFFFFF0, s10;
	s16 =	spop (v2sf)  }
0xaf: {  	[tilespmem:s15], [sflag:$0x4] =	stream.linear.gather [hbm4b:s0+s3], $0x80, $0x38;
	(v2sf) =	vpush v0, $0xD;
	[tilespmem:$0x19400] =	vst v63  }
0xb0: {  	s0 =	sadd.s32 s4, s10;
	s10 =	sand.u32 $0x1FFFFFF0, s16;
	s15 =	spop (v2sf)  }
0xb1: {  	[tilespmem:s7], [sflag:$0x4] =	stream.linear.gather [hbm4b:s0+s3], $0x80, $0x38;
	(v2sf) =	vpush v0, $0xE;
	[tilespmem:$0x19400] =	vst v63  }
0xb2: {  	s0 =	sadd.s32 s4, s2;
	s2 =	sand.u32 $0x1FFFFFF0, s15;
	s7 =	spop (v2sf)  }
0xb3: {  	[tilespmem:s8], [sflag:$0x4] =	stream.linear.gather [hbm4b:s0+s3], $0x80, $0x38;
	(v2sf) =	vpush v0, $0xF;
	[tilespmem:$0x19400] =	vst v63  }
0xb4: {  	s0 =	sadd.s32 s4, s10;
	s7 =	sand.u32 $0x1FFFFFF0, s7;
	s8 =	spop (v2sf)  }
0xb5: {  	[tilespmem:s1], [sflag:$0x4] =	stream.linear.gather [hbm4b:s0+s3], $0x80, $0x38;
	[tilespmem:$0x19400] =	vst v63  }
0xb6: {  	s0 =	sadd.s32 s4, s2;
	s1 =	sand.u32 $0x1FFFFFF0, s8;
	s2 =	spop (v2sf)  }
0xb7: {  	[tilespmem:s9], [sflag:$0x4] =	stream.linear.gather [hbm4b:s0+s3], $0x80, $0x38;
	[tilespmem:$0x19400] =	vst v63  }
0xb8: {  	s0 =	sadd.s32 s4, s7;
	s2 =	sand.u32 $0x1FFFFFF0, s2;
	s7 =	spop (v2sf)  }
0xb9: {  	[tilespmem:s30], [sflag:$0x4] =	stream.linear.gather [hbm4b:s0+s3], $0x80, $0x38;
	[tilespmem:$0x19400] =	vst v63  }
0xba: {  	s0 =	sadd.s32 s4, s1;
	s1 =	sand.u32 $0x1FFFFFF0, s7;
	s7 =	spop (v2sf)  }
0xbb: {  	[tilespmem:s29], [sflag:$0x4] =	stream.linear.gather [hbm4b:s0+s3], $0x80, $0x38;
	[tilespmem:$0x19400] =	vst v63  }
0xbc: {  	s0 =	sadd.s32 s4, s2;
	s2 =	sand.u32 $0x1FFFFFF0, s7;
	s7 =	spop (v2sf)  }
0xbd: {  	[tilespmem:s31], [sflag:$0x4] =	stream.linear.gather [hbm4b:s0+s3], $0x80, $0x38;
	[tilespmem:$0x19400] =	vst v63  }
0xbe: {  	s0 =	sadd.s32 s4, s1;
	s1 =	sand.u32 $0x1FFFFFF0, s7;
	s7 =	spop (v2sf)  }
0xbf: {  	[tilespmem:s26], [sflag:$0x4] =	stream.linear.gather [hbm4b:s0+s3], $0x80, $0x38;
	[tilespmem:$0x19400] =	vst v63  }
0xc0: {  	s0 =	sadd.s32 s4, s2;
	s2 =	sand.u32 $0x1FFFFFF0, s7;
	s7 =	spop (v2sf)  }
0xc1: {  	[tilespmem:s25], [sflag:$0x4] =	stream.linear.gather [hbm4b:s0+s3], $0x80, $0x38;
	[tilespmem:$0x19400] =	vst v63  }
0xc2: {  	s0 =	sadd.s32 s4, s1;
	s1 =	sand.u32 $0x1FFFFFF0, s7;
	s7 =	spop (v2sf)  }
0xc3: {  	[tilespmem:s23], [sflag:$0x4] =	stream.linear.gather [hbm4b:s0+s3], $0x80, $0x38;
	[tilespmem:$0x19400] =	vst v63  }
0xc4: {  	s0 =	sadd.s32 s4, s2;
	s2 =	sand.u32 $0x1FFFFFF0, s7  }
0xc5: {  	[tilespmem:s24], [sflag:$0x4] =	stream.linear.gather [hbm4b:s0+s3], $0x80, $0x38;
	[tilespmem:$0x19400] =	vst v63  }
0xc6: {  	s1 =	sadd.s32 s4, s1;
	s0 =	sadd.s32 $0xD300, s19  }
0xc7: {  	[tilespmem:s0], [sflag:$0x4] =	stream.linear.gather [hbm4b:s1+s3], $0x80, $0x38;
	[tilespmem:$0x19400] =	vst v63  }
0xc8: {  	s0 =	sadd.s32 $0xD380, s19;
	s1 =	sadd.s32 s4, s2  }
0xc9: {  	[tilespmem:s0], [sflag:$0x4] =	stream.linear.gather [hbm4b:s1+s3], $0x80, $0x38;
	[tilespmem:$0x19400] =	vst v63  }
0xca: {  	v0 =	vld [tilespmem:s20+$0x0];
	_ =	sdelay $0x4  }
0xcb: {  	v0 =	vshll.u32 v0, $0x4  }
0xcc: {  	(v2sf) =	vpush v0, $0x0  }
0xcd: {  	(v2sf) =	vpush v0, $0x1  }
0xce: {  	(v2sf) =	vpush v0, $0x2;
	_ =	sdelay $0x1  }
0xcf: {  	(v2sf) =	vpush v0, $0x4  }
.Ltmp1:
0xd0: {  	(pc) =	sbr.rel @p0 .LBB2_5-.Ltmp1, $3  }
0xd1: {  	(v2sf) =	vpush v0, $0x3  }
0xd2: {  	(v2sf) =	vpush v0, $0x5;
	_ =	sdelay $0x1  }
0xd3: {  	s19 =	sshra.s32 s22, $0x2;
	(v2sf) =	vpush v0, $0x6  }
0xd4: {  	_ =	sdelay $0x1  }
0xd5: {  	(v2sf) =	vpush v0, $0x7  }
0xd6: {  	s0 =	sadd.s32 $0xCC80, s19;
	s21 =	sadd.s32 $0xD180, s19;
	s1 =	sadd.s32 $0xCF80, s19  }
0xd7: {  	s20 =	sadd.s32 $0xD200, s19;
	s2 =	sadd.s32 $0xCE80, s19;
	s7 =	sadd.s32 $0xD000, s19;
	(v2sf) =	vpush v0, $0x8  }
0xd8: {  	s8 =	sadd.s32 $0xCC00, s19;
	s9 =	sadd.s32 $0xCE00, s19;
	s15 =	spop (v2sf)  }
0xd9: {  	s10 =	sadd.s32 $0xCF00, s19;
	s15 =	sand.u32 $0x1FFFFFF0, s15;
	s22 =	spop (v2sf)  }
0xda: {  	s15 =	sadd.s32 s4, s15;
	s22 =	sand.u32 $0x1FFFFFF0, s22;
	s23 =	spop (v2sf)  }
0xdb: {  	(v2sf) =	vpush v0, $0x9;
	[tilespmem:s8], [sflag:$0x4] =	stream.linear.gather [hbm4b:s15+s3], $0x80, $0x38;
	[tilespmem:$0x19400] =	vst v63  }
0xdc: {  	s16 =	sadd.s32 $0xCD00, s19;
	s30 =	sadd.s32 s4, s22;
	s31 =	spop (v2sf)  }
0xdd: {  	(v2sf) =	vpush v0, $0xA;
	[tilespmem:s0], [sflag:$0x4] =	stream.linear.gather [hbm4b:s30+s3], $0x80, $0x38;
	[tilespmem:$0x19400] =	vst v63  }
0xde: {  	s24 =	sadd.s32 $0xCD80, s19;
	s23 =	sand.u32 $0x1FFFFFF0, s23;
	s25 =	spop (v2sf)  }
0xdf: {  	p0 =	seq.s32 s6, $0x1F;
	(v2sf) =	vpush v0, $0xB;
	s15 =	sadd.s32 s4, s23;
	s23 =	sand.u32 $0x1FFFFFF0, s25  }
0xe0: {  	[tilespmem:s16], [sflag:$0x4] =	stream.linear.gather [hbm4b:s15+s3], $0x80, $0x38;
	[tilespmem:$0x19400] =	vst v63  }
0xe1: {  	s8 =	sadd.s32 $0xD100, s19;
	(v2sf) =	vpush v0, $0xC;
	s29 =	spop (v2sf);
	s30 =	sadd.s32 s4, s23  }
0xe2: {  	[tilespmem:s24], [sflag:$0x4] =	stream.linear.gather [hbm4b:s30+s3], $0x80, $0x38;
	[tilespmem:$0x19400] =	vst v63  }
0xe3: {  	s0 =	sadd.s32 $0xD080, s19;
	s26 =	sand.u32 $0x1FFFFFF0, s31;
	(v2sf) =	vpush v0, $0xD;
	s31 =	spop (v2sf)  }
0xe4: {  	s15 =	sadd.s32 s4, s26;
	s16 =	sand.u32 $0x1FFFFFF0, s29;
	s24 =	spop (v2sf)  }
0xe5: {  	(v2sf) =	vpush v0, $0xE;
	[tilespmem:s9], [sflag:$0x4] =	stream.linear.gather [hbm4b:s15+s3], $0x80, $0x38;
	[tilespmem:$0x19400] =	vst v63  }
0xe6: {  	s16 =	sadd.s32 s4, s16;
	s23 =	sand.u32 $0x1FFFFFF0, s31;
	s26 =	spop (v2sf)  }
0xe7: {  	(v2sf) =	vpush v0, $0xF;
	[tilespmem:s2], [sflag:$0x4] =	stream.linear.gather [hbm4b:s16+s3], $0x80, $0x38;
	[tilespmem:$0x19400] =	vst v63  }
0xe8: {  	s25 =	sand.u32 $0x1FFFFFF0, s24;
	s9 =	sadd.s32 s4, s23;
	s29 =	sand.u32 $0x1FFFFFF0, s26  }
0xe9: {  	[tilespmem:s10], [sflag:$0x4] =	stream.linear.gather [hbm4b:s9+s3], $0x80, $0x38;
	[tilespmem:$0x19400] =	vst v63  }
0xea: {  	s26 =	sadd.s32 $0xD280, s19;
	s2 =	sadd.s32 s4, s25;
	s30 =	spop (v2sf)  }
0xeb: {  	[tilespmem:s1], [sflag:$0x4] =	stream.linear.gather [hbm4b:s2+s3], $0x80, $0x38;
	[tilespmem:$0x19400] =	vst v63  }
0xec: {  	s9 =	sadd.s32 s4, s29;
	s31 =	sand.u32 $0x1FFFFFF0, s30;
	s10 =	spop (v2sf)  }
0xed: {  	[tilespmem:s7], [sflag:$0x4] =	stream.linear.gather [hbm4b:s9+s3], $0x80, $0x38;
	[tilespmem:$0x19400] =	vst v63  }
0xee: {  	s2 =	sand.u32 $0x1FFFFFF0, s10;
	s1 =	sadd.s32 s4, s31;
	s15 =	spop (v2sf)  }
0xef: {  	[tilespmem:s0], [sflag:$0x4] =	stream.linear.gather [hbm4b:s1+s3], $0x80, $0x38;
	[tilespmem:$0x19400] =	vst v63  }
0xf0: {  	s2 =	sadd.s32 s4, s2;
	s16 =	sand.u32 $0x1FFFFFF0, s15;
	s22 =	spop (v2sf)  }
0xf1: {  	[tilespmem:s8], [sflag:$0x4] =	stream.linear.gather [hbm4b:s2+s3], $0x80, $0x38;
	[tilespmem:$0x19400] =	vst v63  }
0xf2: {  	s0 =	sadd.s32 s4, s16;
	s1 =	sand.u32 $0x1FFFFFF0, s22;
	s23 =	spop (v2sf)  }
0xf3: {  	[tilespmem:s21], [sflag:$0x4] =	stream.linear.gather [hbm4b:s0+s3], $0x80, $0x38;
	[tilespmem:$0x19400] =	vst v63  }
0xf4: {  	s24 =	sand.u32 $0x1FFFFFF0, s23;
	s1 =	sadd.s32 s4, s1;
	s25 =	spop (v2sf)  }
0xf5: {  	[tilespmem:s20], [sflag:$0x4] =	stream.linear.gather [hbm4b:s1+s3], $0x80, $0x38;
	[tilespmem:$0x19400] =	vst v63  }
0xf6: {  	s2 =	sand.u32 $0x1FFFFFF0, s25;
	s0 =	sadd.s32 s4, s24;
	s29 =	spop (v2sf)  }
0xf7: {  	[tilespmem:s26], [sflag:$0x4] =	stream.linear.gather [hbm4b:s0+s3], $0x80, $0x38;
	[tilespmem:$0x19400] =	vst v63  }
0xf8: {  	s30 =	sadd.s32 $0xD300, s19;
	s2 =	sadd.s32 s4, s2;
	s0 =	sand.u32 $0x1FFFFFF0, s29  }
0xf9: {  	[tilespmem:s30], [sflag:$0x4] =	stream.linear.gather [hbm4b:s2+s3], $0x80, $0x38;
	[tilespmem:$0x19400] =	vst v63  }
0xfa: {  	s31 =	sadd.s32 $0xD380, s19;
	s0 =	sadd.s32 s4, s0;
	s2 =	smul.u32 @!p0 $0x320, s6  }
0xfb: {  	[tilespmem:s31], [sflag:$0x4] =	stream.linear.gather [hbm4b:s0+s3], $0x80, $0x38;
	[tilespmem:$0x19400] =	vst v63  }
0xfc: {  	s0 =	rddreg [dreg:$0x7]  }
0xfd: {  	s0 =	sadd.s32 @!p0 s2, s0  }
0xfe: {  	s1 =	rddreg [dreg:$0x0];
	s0 =	sshrl.u32 @!p0 s0, $0x3  }
0xff: {  	s2 =	simm.s32 @!p0 $0x200;
	s0 =	sadd.s32 @!p0 s1, s0;
	s1 =	simm.s32 @!p0 $0x0  }
0x100: {  	[tilespmem:s2], [sflag:$0x2] =	stream.linear.gather @!p0 [hbm4b:s0+s1], $0x190, $0x38;
	[tilespmem:$0x19400] =	vst v63  }
0x101: {  	_ =	swait.ge [sflag:s18], $0x80  }
0x102: {  	[sflag:s18] =	ssyncset.done $0x0  }
0x103: {  	[sflag:s18] =	ssyncadd.s32 $0xFFFFFF80  }
0x104: {  	_ =	swait.ge [sflag:s18], $0x80  }
0x105: {  	[sflag:s18] =	ssyncset.done $0x0  }
0x106: {  	[sflag:s18] =	ssyncadd.s32 $0xFFFFFF80  }
0x107: {  	_ =	swait.ge [sflag:s18], $0x80  }
0x108: {  	[sflag:s18] =	ssyncset.done $0x0  }
0x109: {  	[sflag:s18] =	ssyncadd.s32 $0xFFFFFF80  }
0x10a: {  	_ =	swait.ge [sflag:s18], $0x80  }
0x10b: {  	[sflag:s18] =	ssyncset.done $0x0  }
0x10c: {  	[sflag:s18] =	ssyncadd.s32 $0xFFFFFF80  }
0x10d: {  	_ =	swait.ge [sflag:s18], $0x80  }
0x10e: {  	[sflag:s18] =	ssyncset.done $0x0  }
0x10f: {  	[sflag:s18] =	ssyncadd.s32 $0xFFFFFF80  }
0x110: {  	_ =	swait.ge [sflag:s18], $0x80  }
0x111: {  	[sflag:s18] =	ssyncset.done $0x0  }
0x112: {  	[sflag:s18] =	ssyncadd.s32 $0xFFFFFF80  }
0x113: {  	_ =	swait.ge [sflag:s18], $0x80  }
0x114: {  	[sflag:s18] =	ssyncset.done $0x0  }
0x115: {  	[sflag:s18] =	ssyncadd.s32 $0xFFFFFF80  }
0x116: {  	_ =	swait.ge [sflag:s18], $0x80  }
0x117: {  	[sflag:s18] =	ssyncset.done $0x0  }
0x118: {  	[sflag:s18] =	ssyncadd.s32 $0xFFFFFF80  }
0x119: {  	_ =	swait.ge [sflag:s18], $0x80  }
0x11a: {  	[sflag:s18] =	ssyncset.done $0x0  }
0x11b: {  	[sflag:s18] =	ssyncadd.s32 $0xFFFFFF80  }
0x11c: {  	_ =	swait.ge [sflag:s18], $0x80  }
0x11d: {  	[sflag:s18] =	ssyncset.done $0x0  }
0x11e: {  	[sflag:s18] =	ssyncadd.s32 $0xFFFFFF80  }
0x11f: {  	_ =	swait.ge [sflag:s18], $0x80  }
0x120: {  	[sflag:s18] =	ssyncset.done $0x0  }
0x121: {  	[sflag:s18] =	ssyncadd.s32 $0xFFFFFF80  }
0x122: {  	_ =	swait.ge [sflag:s18], $0x80  }
0x123: {  	[sflag:s18] =	ssyncset.done $0x0  }
0x124: {  	[sflag:s18] =	ssyncadd.s32 $0xFFFFFF80  }
0x125: {  	_ =	swait.ge [sflag:s18], $0x80  }
0x126: {  	[sflag:s18] =	ssyncset.done $0x0  }
0x127: {  	[sflag:s18] =	ssyncadd.s32 $0xFFFFFF80  }
0x128: {  	_ =	swait.ge [sflag:s18], $0x80  }
0x129: {  	[sflag:s18] =	ssyncset.done $0x0  }
0x12a: {  	[sflag:s18] =	ssyncadd.s32 $0xFFFFFF80  }
0x12b: {  	_ =	swait.ge [sflag:s18], $0x80  }
0x12c: {  	[sflag:s18] =	ssyncset.done $0x0  }
0x12d: {  	[sflag:s18] =	ssyncadd.s32 $0xFFFFFF80  }
0x12e: {  	_ =	swait.ge [sflag:s18], $0x80  }
0x12f: {  	s19 =	simm.s32 $0x18;
	[sflag:s18] =	ssyncset.done $0x0  }
.LBB2_7:
0x130: {  	p1 =	sne.s32 s19, $0x1;
	s19 =	sadd.s32 $0xFFFFFFFF, s19;
	[sflag:s18] =	ssyncadd.s32 $0xFFFFFF80  }
0x131: {  	_ =	swait.ge [sflag:s18], $0x80  }
0x132: {  	[sflag:s18] =	ssyncset.done $0x0  }
0x133: {  	[sflag:s18] =	ssyncadd.s32 $0xFFFFFF80  }
0x134: {  	_ =	swait.ge [sflag:s18], $0x80  }
0x135: {  	[sflag:s18] =	ssyncset.done $0x0  }
0x136: {  	[sflag:s18] =	ssyncadd.s32 $0xFFFFFF80  }
0x137: {  	_ =	swait.ge [sflag:s18], $0x80  }
0x138: {  	[sflag:s18] =	ssyncset.done $0x0  }
0x139: {  	[sflag:s18] =	ssyncadd.s32 $0xFFFFFF80  }
0x13a: {  	_ =	swait.ge [sflag:s18], $0x80  }
0x13b: {  	[sflag:s18] =	ssyncset.done $0x0  }
0x13c: {  	[sflag:s18] =	ssyncadd.s32 $0xFFFFFF80  }
0x13d: {  	_ =	swait.ge [sflag:s18], $0x80  }
0x13e: {  	[sflag:s18] =	ssyncset.done $0x0  }
0x13f: {  	[sflag:s18] =	ssyncadd.s32 $0xFFFFFF80  }
0x140: {  	_ =	swait.ge [sflag:s18], $0x80  }
0x141: {  	[sflag:s18] =	ssyncset.done $0x0  }
0x142: {  	[sflag:s18] =	ssyncadd.s32 $0xFFFFFF80  }
0x143: {  	_ =	swait.ge [sflag:s18], $0x80  }
0x144: {  	[sflag:s18] =	ssyncset.done $0x0  }
0x145: {  	[sflag:s18] =	ssyncadd.s32 $0xFFFFFF80  }
0x146: {  	_ =	swait.ge [sflag:s18], $0x80  }
0x147: {  	[sflag:s18] =	ssyncset.done $0x0  }
0x148: {  	[sflag:s18] =	ssyncadd.s32 $0xFFFFFF80  }
0x149: {  	_ =	swait.ge [sflag:s18], $0x80  }
0x14a: {  	[sflag:s18] =	ssyncset.done $0x0  }
0x14b: {  	[sflag:s18] =	ssyncadd.s32 $0xFFFFFF80  }
0x14c: {  	_ =	swait.ge [sflag:s18], $0x80  }
0x14d: {  	[sflag:s18] =	ssyncset.done $0x0  }
0x14e: {  	[sflag:s18] =	ssyncadd.s32 $0xFFFFFF80  }
0x14f: {  	_ =	swait.ge [sflag:s18], $0x80  }
0x150: {  	[sflag:s18] =	ssyncset.done $0x0  }
0x151: {  	[sflag:s18] =	ssyncadd.s32 $0xFFFFFF80  }
0x152: {  	_ =	swait.ge [sflag:s18], $0x80  }
0x153: {  	[sflag:s18] =	ssyncset.done $0x0  }
0x154: {  	[sflag:s18] =	ssyncadd.s32 $0xFFFFFF80  }
0x155: {  	_ =	swait.ge [sflag:s18], $0x80  }
0x156: {  	[sflag:s18] =	ssyncset.done $0x0  }
0x157: {  	[sflag:s18] =	ssyncadd.s32 $0xFFFFFF80  }
0x158: {  	_ =	swait.ge [sflag:s18], $0x80  }
0x159: {  	[sflag:s18] =	ssyncset.done $0x0  }
0x15a: {  	[sflag:s18] =	ssyncadd.s32 $0xFFFFFF80  }
.Ltmp2:
0x15b: {  	_ =	swait.ge [sflag:s18], $0x80;
	(pc) =	sbr.rel @p1 .LBB2_7-.Ltmp2, $4  }
0x15c: {  	[sflag:s18] =	ssyncset.done $0x0  }
0x15d: {  	[sflag:s18] =	ssyncadd.s32 $0xFFFFFF80  }
0x15e: {  	_ =	swait.ge [sflag:s18], $0x80  }
0x15f: {  	[sflag:s18] =	ssyncset.done $0x0  }
0x160: {  	s0 =	rddreg [dreg:$0x4]  }
0x161: {  	s13 =	sor.u32 s0, s13  }
0x162: {  	s0 =	smul.u32 $0x380, s13;
	_ =	sdelay $0x1  }
0x163: {  	[sflag:s18] =	ssyncadd.s32 $0xFFFFFF80;
	s2 =	simm.s32 $0x400;
	s1 =	sadd.s32 s5, s0  }
0x164: {  	[hbm4b:s1+s3] =	stream.linear.scatter [tilespmem:s2], [sflag:$0x5], $0x1900, $0x38;
	[tilespmem:$0x19400] =	vst v63  }
0x165: {  	s15 =	simm.s32 $0x1D00;
	s16 =	smul.u32 $0x1C00, s13;
	s10 =	sadd.s32 s0, s11  }
0x166: {  	[hbm4b:s10+s3] =	stream.linear.scatter [tilespmem:s15], [sflag:$0x5], $0x1900, $0x38;
	[tilespmem:$0x19400] =	vst v63  }
0x167: {  	s19 =	simm.s32 $0x3600;
	s0 =	sadd.s32 s0, s12;
	s20 =	sshrl.u32 s16, $0x3  }
0x168: {  	[hbm4b:s0+s3] =	stream.linear.scatter [tilespmem:s19], [sflag:$0x5], $0x1900, $0x38;
	[tilespmem:$0x19400] =	vst v63  }
0x169: {  	s0 =	sadd.s32 s5, s20  }
0x16a: {  	s22 =	simm.s32 $0x4F00;
	s21 =	sadd.s32 $0xA80, s0  }
0x16b: {  	[hbm4b:s21+s3] =	stream.linear.scatter [tilespmem:s22], [sflag:$0x5], $0x1900, $0x38;
	[tilespmem:$0x19400] =	vst v63  }
0x16c: {  	s24 =	simm.s32 $0x6800;
	s23 =	sadd.s32 $0xE00, s0  }
0x16d: {  	[hbm4b:s23+s3] =	stream.linear.scatter [tilespmem:s24], [sflag:$0x5], $0x1900, $0x38;
	[tilespmem:$0x19400] =	vst v63  }
0x16e: {  	s26 =	simm.s32 $0x8100;
	s25 =	sadd.s32 $0x1180, s0  }
0x16f: {  	[hbm4b:s25+s3] =	stream.linear.scatter [tilespmem:s26], [sflag:$0x5], $0x1900, $0x38;
	[tilespmem:$0x19400] =	vst v63  }
.Ltmp3:
0x170: {  	_ = 	snop;
	(pc) =	sbr.rel @p0 .LBB2_12-.Ltmp3, $4  }
0x171: {  	s30 =	simm.s32 $0x9A00;
	s29 =	sadd.s32 $0x1500, s0  }
0x172: {  	[hbm4b:s29+s3] =	stream.linear.scatter [tilespmem:s30], [sflag:$0x5], $0x1900, $0x38;
	[tilespmem:$0x19400] =	vst v63  }
0x173: {  	s31 =	simm.s32 $0xB300;
	s0 =	sadd.s32 $0x1880, s0  }
0x174: {  	[hbm4b:s0+s3] =	stream.linear.scatter [tilespmem:s31], [sflag:$0x5], $0x1900, $0x38;
	[tilespmem:$0x19400] =	vst v63  }
0x175: {  	_ =	swait.ge [sflag:s14], $0x1900  }
0x176: {  	[sflag:s14] =	ssyncset.done $0x0  }
0x177: {  	[sflag:s14] =	ssyncadd.s32 $0xFFFFE700  }
0x178: {  	_ =	swait.ge [sflag:s14], $0x1900  }
0x179: {  	[sflag:s14] =	ssyncset.done $0x0  }
0x17a: {  	[sflag:s14] =	ssyncadd.s32 $0xFFFFE700  }
0x17b: {  	_ =	swait.ge [sflag:s14], $0x1900  }
0x17c: {  	[sflag:s14] =	ssyncset.done $0x0  }
0x17d: {  	[sflag:s14] =	ssyncadd.s32 $0xFFFFE700  }
0x17e: {  	_ =	swait.ge [sflag:s14], $0x1900  }
0x17f: {  	[sflag:s14] =	ssyncset.done $0x0  }
0x180: {  	[sflag:s14] =	ssyncadd.s32 $0xFFFFE700  }
0x181: {  	_ =	swait.ge [sflag:s14], $0x1900  }
0x182: {  	[sflag:s14] =	ssyncset.done $0x0  }
0x183: {  	[sflag:s14] =	ssyncadd.s32 $0xFFFFE700  }
0x184: {  	_ =	swait.ge [sflag:s14], $0x1900  }
0x185: {  	[sflag:s14] =	ssyncset.done $0x0  }
0x186: {  	[sflag:s14] =	ssyncadd.s32 $0xFFFFE700  }
0x187: {  	_ =	swait.ge [sflag:s14], $0x1900  }
0x188: {  	[sflag:s14] =	ssyncset.done $0x0  }
0x189: {  	[sflag:s14] =	ssyncadd.s32 $0xFFFFE700  }
0x18a: {  	_ =	swait.ge [sflag:s14], $0x1900  }
0x18b: {  	[sflag:s14] =	ssyncset.done $0x0  }
0x18c: {  	s0 =	simm.s32 $0x1;
	[sflag:s14] =	ssyncadd.s32 $0xFFFFE700  }
0x18d: {  	_ =	swait.ge [sflag:s0], $0x190  }
0x18e: {  	[sflag:s0] =	ssyncset.done $0x0  }
0x18f: {  	s20 =	simm.s32 $0x0;
	[sflag:s0] =	ssyncadd.s32 $0xFFFFFE70  }
0x190: {  	v0 =	vld [tilespmem:s20+$0x0];
	_ =	sdelay $0x4  }
0x191: {  	v0 =	vshll.u32 v0, $0x4  }
0x192: {  	(v2sf) =	vpush v0, $0x0  }
0x193: {  	(v2sf) =	vpush v0, $0x1  }
0x194: {  	(v2sf) =	vpush v0, $0x2;
	_ =	sdelay $0x1  }
0x195: {  	(v2sf) =	vpush v0, $0x4;
	_ =	sdelay $0x1  }
0x196: {  	(v2sf) =	vpush v0, $0x3  }
0x197: {  	(v2sf) =	vpush v0, $0x5  }
0x198: {  	s21 =	simm.s32 $0x2000;
	s19 =	simm.s32 $0x0;
	(v2sf) =	vpush v0, $0x6  }
.LBB2_10:
0x199: {  	p0 =	sne.s32 s21, $0x30000  }
0x19a: {  	s0 =	sadd.s32 $0x480, s19;
	s25 =	sadd.s32 $0x980, s19;
	s22 =	smov.u32 s21  }
0x19b: {  	s21 =	sadd.s32 $0x2000, s21;
	s30 =	sadd.s32 $0x780, s19;
	s23 =	sadd.s32 $0xA00, s19;
	(v2sf) =	vpush v0, $0x7  }
0x19c: {  	s1 =	sadd.s32 $0x680, s19;
	s29 =	sadd.s32 $0x800, s19;
	s24 =	sadd.s32 $0xA80, s19  }
0x19d: {  	s2 =	sadd.s32 $0x400, s19;
	s7 =	sadd.s32 $0x600, s19;
	(v2sf) =	vpush v0, $0x8  }
0x19e: {  	s8 =	sadd.s32 $0x700, s19;
	s20 =	sadd.s32 $0x10, s20  }
0x19f: {  	s9 =	sadd.s32 $0x500, s19;
	s26 =	sadd.s32 $0x900, s19;
	s10 =	spop (v2sf);
	(v2sf) =	vpush v0, $0x9  }
0x1a0: {  	s31 =	sadd.s32 $0x880, s19;
	s10 =	sand.u32 $0x1FFFFFF0, s10;
	s15 =	spop (v2sf)  }
0x1a1: {  	s10 =	sadd.s32 s4, s10;
	s15 =	sand.u32 $0x1FFFFFF0, s15;
	s16 =	spop (v2sf);
	(v2sf) =	vpush v0, $0xA  }
0x1a2: {  	[tilespmem:s2], [sflag:$0x3] =	stream.linear.gather [hbm4b:s10+s3], $0x80, $0x38;
	[tilespmem:$0x19400] =	vst v63  }
0x1a3: {  	s2 =	sadd.s32 s4, s15;
	s10 =	sadd.s32 $0x580, s19;
	s15 =	spop (v2sf);
	(v2sf) =	vpush v0, $0xB  }
0x1a4: {  	[tilespmem:s0], [sflag:$0x3] =	stream.linear.gather [hbm4b:s2+s3], $0x80, $0x38;
	[tilespmem:$0x19400] =	vst v63  }
0x1a5: {  	s0 =	sand.u32 $0x1FFFFFF0, s16;
	s2 =	sand.u32 $0x1FFFFFF0, s15;
	s15 =	spop (v2sf);
	(v2sf) =	vpush v0, $0xC  }
0x1a6: {  	s0 =	sadd.s32 s4, s0;
	s15 =	sand.u32 $0x1FFFFFF0, s15;
	s16 =	spop (v2sf)  }
0x1a7: {  	[tilespmem:s9], [sflag:$0x3] =	stream.linear.gather [hbm4b:s0+s3], $0x80, $0x38;
	(v2sf) =	vpush v0, $0xD;
	[tilespmem:$0x19400] =	vst v63  }
0x1a8: {  	s0 =	sadd.s32 s4, s15;
	s9 =	sand.u32 $0x1FFFFFF0, s16;
	s15 =	spop (v2sf)  }
0x1a9: {  	[tilespmem:s10], [sflag:$0x3] =	stream.linear.gather [hbm4b:s0+s3], $0x80, $0x38;
	(v2sf) =	vpush v0, $0xE;
	[tilespmem:$0x19400] =	vst v63  }
0x1aa: {  	s0 =	sadd.s32 s4, s2;
	s2 =	sand.u32 $0x1FFFFFF0, s15;
	s10 =	spop (v2sf)  }
0x1ab: {  	[tilespmem:s7], [sflag:$0x3] =	stream.linear.gather [hbm4b:s0+s3], $0x80, $0x38;
	(v2sf) =	vpush v0, $0xF;
	[tilespmem:$0x19400] =	vst v63  }
0x1ac: {  	s0 =	sadd.s32 s4, s9;
	s7 =	sand.u32 $0x1FFFFFF0, s10;
	s9 =	spop (v2sf)  }
0x1ad: {  	[tilespmem:s1], [sflag:$0x3] =	stream.linear.gather [hbm4b:s0+s3], $0x80, $0x38;
	[tilespmem:$0x19400] =	vst v63  }
0x1ae: {  	s0 =	sadd.s32 s4, s2;
	s1 =	sand.u32 $0x1FFFFFF0, s9;
	s2 =	spop (v2sf)  }
0x1af: {  	[tilespmem:s8], [sflag:$0x3] =	stream.linear.gather [hbm4b:s0+s3], $0x80, $0x38;
	[tilespmem:$0x19400] =	vst v63  }
0x1b0: {  	s0 =	sadd.s32 s4, s7;
	s2 =	sand.u32 $0x1FFFFFF0, s2;
	s7 =	spop (v2sf)  }
0x1b1: {  	[tilespmem:s30], [sflag:$0x3] =	stream.linear.gather [hbm4b:s0+s3], $0x80, $0x38;
	[tilespmem:$0x19400] =	vst v63  }
0x1b2: {  	s0 =	sadd.s32 s4, s1;
	s1 =	sand.u32 $0x1FFFFFF0, s7;
	s7 =	spop (v2sf)  }
0x1b3: {  	[tilespmem:s29], [sflag:$0x3] =	stream.linear.gather [hbm4b:s0+s3], $0x80, $0x38;
	[tilespmem:$0x19400] =	vst v63  }
0x1b4: {  	s0 =	sadd.s32 s4, s2;
	s2 =	sand.u32 $0x1FFFFFF0, s7;
	s7 =	spop (v2sf)  }
0x1b5: {  	[tilespmem:s31], [sflag:$0x3] =	stream.linear.gather [hbm4b:s0+s3], $0x80, $0x38;
	[tilespmem:$0x19400] =	vst v63  }
0x1b6: {  	s0 =	sadd.s32 s4, s1;
	s1 =	sand.u32 $0x1FFFFFF0, s7;
	s7 =	spop (v2sf)  }
0x1b7: {  	[tilespmem:s26], [sflag:$0x3] =	stream.linear.gather [hbm4b:s0+s3], $0x80, $0x38;
	[tilespmem:$0x19400] =	vst v63  }
0x1b8: {  	s0 =	sadd.s32 s4, s2;
	s2 =	sand.u32 $0x1FFFFFF0, s7;
	s7 =	spop (v2sf)  }
0x1b9: {  	[tilespmem:s25], [sflag:$0x3] =	stream.linear.gather [hbm4b:s0+s3], $0x80, $0x38;
	[tilespmem:$0x19400] =	vst v63  }
0x1ba: {  	s0 =	sadd.s32 s4, s1;
	s1 =	sand.u32 $0x1FFFFFF0, s7;
	s7 =	spop (v2sf)  }
0x1bb: {  	[tilespmem:s23], [sflag:$0x3] =	stream.linear.gather [hbm4b:s0+s3], $0x80, $0x38;
	[tilespmem:$0x19400] =	vst v63  }
0x1bc: {  	s0 =	sadd.s32 s4, s2;
	s2 =	sand.u32 $0x1FFFFFF0, s7  }
0x1bd: {  	[tilespmem:s24], [sflag:$0x3] =	stream.linear.gather [hbm4b:s0+s3], $0x80, $0x38;
	[tilespmem:$0x19400] =	vst v63  }
0x1be: {  	s1 =	sadd.s32 s4, s1;
	s0 =	sadd.s32 $0xB00, s19  }
0x1bf: {  	[tilespmem:s0], [sflag:$0x3] =	stream.linear.gather [hbm4b:s1+s3], $0x80, $0x38;
	[tilespmem:$0x19400] =	vst v63  }
0x1c0: {  	s0 =	sadd.s32 $0xB80, s19;
	s1 =	sadd.s32 s4, s2  }
0x1c1: {  	[tilespmem:s0], [sflag:$0x3] =	stream.linear.gather [hbm4b:s1+s3], $0x80, $0x38;
	[tilespmem:$0x19400] =	vst v63  }
0x1c2: {  	v0 =	vld [tilespmem:s20+$0x0];
	_ =	sdelay $0x4  }
0x1c3: {  	v0 =	vshll.u32 v0, $0x4  }
0x1c4: {  	(v2sf) =	vpush v0, $0x0  }
0x1c5: {  	(v2sf) =	vpush v0, $0x1  }
0x1c6: {  	(v2sf) =	vpush v0, $0x2;
	_ =	sdelay $0x1  }
0x1c7: {  	(v2sf) =	vpush v0, $0x4  }
.Ltmp4:
0x1c8: {  	(pc) =	sbr.rel @p0 .LBB2_10-.Ltmp4, $3  }
0x1c9: {  	(v2sf) =	vpush v0, $0x3  }
0x1ca: {  	(v2sf) =	vpush v0, $0x5;
	_ =	sdelay $0x1  }
0x1cb: {  	s19 =	sshra.s32 s22, $0x2;
	(v2sf) =	vpush v0, $0x6  }
0x1cc: {  	_ =	sdelay $0x1  }
0x1cd: {  	(v2sf) =	vpush v0, $0x7  }
0x1ce: {  	s0 =	sadd.s32 $0x480, s19;
	s21 =	sadd.s32 $0x980, s19;
	s1 =	sadd.s32 $0x780, s19  }
0x1cf: {  	s20 =	sadd.s32 $0xA00, s19;
	s2 =	sadd.s32 $0x680, s19;
	s7 =	sadd.s32 $0x800, s19;
	(v2sf) =	vpush v0, $0x8  }
0x1d0: {  	s8 =	sadd.s32 $0x400, s19;
	s9 =	sadd.s32 $0x600, s19;
	s15 =	spop (v2sf)  }
0x1d1: {  	s10 =	sadd.s32 $0x700, s19;
	s15 =	sand.u32 $0x1FFFFFF0, s15;
	s22 =	spop (v2sf)  }
0x1d2: {  	s15 =	sadd.s32 s4, s15;
	s22 =	sand.u32 $0x1FFFFFF0, s22;
	s23 =	spop (v2sf)  }
0x1d3: {  	(v2sf) =	vpush v0, $0x9;
	[tilespmem:s8], [sflag:$0x3] =	stream.linear.gather [hbm4b:s15+s3], $0x80, $0x38;
	[tilespmem:$0x19400] =	vst v63  }
0x1d4: {  	s16 =	sadd.s32 $0x500, s19;
	s30 =	sadd.s32 s4, s22;
	s31 =	spop (v2sf)  }
0x1d5: {  	(v2sf) =	vpush v0, $0xA;
	[tilespmem:s0], [sflag:$0x3] =	stream.linear.gather [hbm4b:s30+s3], $0x80, $0x38;
	[tilespmem:$0x19400] =	vst v63  }
0x1d6: {  	s24 =	sadd.s32 $0x580, s19;
	s23 =	sand.u32 $0x1FFFFFF0, s23;
	s25 =	spop (v2sf)  }
0x1d7: {  	p0 =	sgt.u32 s6, $0x1D;
	(v2sf) =	vpush v0, $0xB;
	s15 =	sadd.s32 s4, s23;
	s23 =	sand.u32 $0x1FFFFFF0, s25  }
0x1d8: {  	[tilespmem:s16], [sflag:$0x3] =	stream.linear.gather [hbm4b:s15+s3], $0x80, $0x38;
	[tilespmem:$0x19400] =	vst v63  }
0x1d9: {  	s8 =	sadd.s32 $0x900, s19;
	(v2sf) =	vpush v0, $0xC;
	s29 =	spop (v2sf);
	s30 =	sadd.s32 s4, s23  }
0x1da: {  	[tilespmem:s24], [sflag:$0x3] =	stream.linear.gather [hbm4b:s30+s3], $0x80, $0x38;
	[tilespmem:$0x19400] =	vst v63  }
0x1db: {  	s0 =	sadd.s32 $0x880, s19;
	s26 =	sand.u32 $0x1FFFFFF0, s31;
	(v2sf) =	vpush v0, $0xD;
	s31 =	spop (v2sf)  }
0x1dc: {  	s15 =	sadd.s32 s4, s26;
	s16 =	sand.u32 $0x1FFFFFF0, s29;
	s24 =	spop (v2sf)  }
0x1dd: {  	(v2sf) =	vpush v0, $0xE;
	[tilespmem:s9], [sflag:$0x3] =	stream.linear.gather [hbm4b:s15+s3], $0x80, $0x38;
	[tilespmem:$0x19400] =	vst v63  }
0x1de: {  	s16 =	sadd.s32 s4, s16;
	s23 =	sand.u32 $0x1FFFFFF0, s31;
	s26 =	spop (v2sf)  }
0x1df: {  	(v2sf) =	vpush v0, $0xF;
	[tilespmem:s2], [sflag:$0x3] =	stream.linear.gather [hbm4b:s16+s3], $0x80, $0x38;
	[tilespmem:$0x19400] =	vst v63  }
0x1e0: {  	s25 =	sand.u32 $0x1FFFFFF0, s24;
	s9 =	sadd.s32 s4, s23;
	s29 =	sand.u32 $0x1FFFFFF0, s26  }
0x1e1: {  	[tilespmem:s10], [sflag:$0x3] =	stream.linear.gather [hbm4b:s9+s3], $0x80, $0x38;
	[tilespmem:$0x19400] =	vst v63  }
0x1e2: {  	s26 =	sadd.s32 $0xA80, s19;
	s2 =	sadd.s32 s4, s25;
	s30 =	spop (v2sf)  }
0x1e3: {  	[tilespmem:s1], [sflag:$0x3] =	stream.linear.gather [hbm4b:s2+s3], $0x80, $0x38;
	[tilespmem:$0x19400] =	vst v63  }
0x1e4: {  	s9 =	sadd.s32 s4, s29;
	s31 =	sand.u32 $0x1FFFFFF0, s30;
	s10 =	spop (v2sf)  }
0x1e5: {  	[tilespmem:s7], [sflag:$0x3] =	stream.linear.gather [hbm4b:s9+s3], $0x80, $0x38;
	[tilespmem:$0x19400] =	vst v63  }
0x1e6: {  	s2 =	sand.u32 $0x1FFFFFF0, s10;
	s1 =	sadd.s32 s4, s31;
	s15 =	spop (v2sf)  }
0x1e7: {  	[tilespmem:s0], [sflag:$0x3] =	stream.linear.gather [hbm4b:s1+s3], $0x80, $0x38;
	[tilespmem:$0x19400] =	vst v63  }
0x1e8: {  	s2 =	sadd.s32 s4, s2;
	s16 =	sand.u32 $0x1FFFFFF0, s15;
	s22 =	spop (v2sf)  }
0x1e9: {  	[tilespmem:s8], [sflag:$0x3] =	stream.linear.gather [hbm4b:s2+s3], $0x80, $0x38;
	[tilespmem:$0x19400] =	vst v63  }
0x1ea: {  	s0 =	sadd.s32 s4, s16;
	s1 =	sand.u32 $0x1FFFFFF0, s22;
	s23 =	spop (v2sf)  }
0x1eb: {  	[tilespmem:s21], [sflag:$0x3] =	stream.linear.gather [hbm4b:s0+s3], $0x80, $0x38;
	[tilespmem:$0x19400] =	vst v63  }
0x1ec: {  	s24 =	sand.u32 $0x1FFFFFF0, s23;
	s1 =	sadd.s32 s4, s1;
	s25 =	spop (v2sf)  }
0x1ed: {  	[tilespmem:s20], [sflag:$0x3] =	stream.linear.gather [hbm4b:s1+s3], $0x80, $0x38;
	[tilespmem:$0x19400] =	vst v63  }
0x1ee: {  	s2 =	sand.u32 $0x1FFFFFF0, s25;
	s0 =	sadd.s32 s4, s24;
	s29 =	spop (v2sf)  }
0x1ef: {  	[tilespmem:s26], [sflag:$0x3] =	stream.linear.gather [hbm4b:s0+s3], $0x80, $0x38;
	[tilespmem:$0x19400] =	vst v63  }
0x1f0: {  	s30 =	sadd.s32 $0xB00, s19;
	s2 =	sadd.s32 s4, s2;
	s0 =	sand.u32 $0x1FFFFFF0, s29  }
0x1f1: {  	[tilespmem:s30], [sflag:$0x3] =	stream.linear.gather [hbm4b:s2+s3], $0x80, $0x38;
	[tilespmem:$0x19400] =	vst v63  }
0x1f2: {  	s31 =	sadd.s32 $0xB80, s19;
	s0 =	sadd.s32 s4, s0;
	s2 =	smul.u32 @!p0 $0x320, s6  }
0x1f3: {  	[tilespmem:s31], [sflag:$0x3] =	stream.linear.gather [hbm4b:s0+s3], $0x80, $0x38;
	[tilespmem:$0x19400] =	vst v63  }
0x1f4: {  	s0 =	rddreg [dreg:$0x8]  }
0x1f5: {  	s0 =	sadd.s32 @!p0 s2, s0  }
0x1f6: {  	s1 =	rddreg [dreg:$0x0];
	s0 =	sshrl.u32 @!p0 s0, $0x3  }
0x1f7: {  	s0 =	sadd.s32 @!p0 s1, s0;
	s1 =	simm.s32 @!p0 $0x0  }
0x1f8: {  	[tilespmem:s1], [sflag:$0x1] =	stream.linear.gather @!p0 [hbm4b:s0+s1], $0x190, $0x38;
	[tilespmem:$0x19400] =	vst v63  }
.LBB2_12:
0x1f9: {  	_ =	swait.ge [sflag:s28], $0x80  }
0x1fa: {  	[sflag:s28] =	ssyncset.done $0x0  }
0x1fb: {  	[sflag:s28] =	ssyncadd.s32 $0xFFFFFF80  }
0x1fc: {  	_ =	swait.ge [sflag:s28], $0x80  }
0x1fd: {  	[sflag:s28] =	ssyncset.done $0x0  }
0x1fe: {  	[sflag:s28] =	ssyncadd.s32 $0xFFFFFF80  }
0x1ff: {  	_ =	swait.ge [sflag:s28], $0x80  }
0x200: {  	[sflag:s28] =	ssyncset.done $0x0  }
0x201: {  	[sflag:s28] =	ssyncadd.s32 $0xFFFFFF80  }
0x202: {  	_ =	swait.ge [sflag:s28], $0x80  }
0x203: {  	[sflag:s28] =	ssyncset.done $0x0  }
0x204: {  	[sflag:s28] =	ssyncadd.s32 $0xFFFFFF80  }
0x205: {  	_ =	swait.ge [sflag:s28], $0x80  }
0x206: {  	[sflag:s28] =	ssyncset.done $0x0  }
0x207: {  	[sflag:s28] =	ssyncadd.s32 $0xFFFFFF80  }
0x208: {  	_ =	swait.ge [sflag:s28], $0x80  }
0x209: {  	[sflag:s28] =	ssyncset.done $0x0  }
0x20a: {  	[sflag:s28] =	ssyncadd.s32 $0xFFFFFF80  }
0x20b: {  	_ =	swait.ge [sflag:s28], $0x80  }
0x20c: {  	[sflag:s28] =	ssyncset.done $0x0  }
0x20d: {  	[sflag:s28] =	ssyncadd.s32 $0xFFFFFF80  }
0x20e: {  	_ =	swait.ge [sflag:s28], $0x80  }
0x20f: {  	[sflag:s28] =	ssyncset.done $0x0  }
0x210: {  	[sflag:s28] =	ssyncadd.s32 $0xFFFFFF80  }
0x211: {  	_ =	swait.ge [sflag:s28], $0x80  }
0x212: {  	[sflag:s28] =	ssyncset.done $0x0  }
0x213: {  	[sflag:s28] =	ssyncadd.s32 $0xFFFFFF80  }
0x214: {  	_ =	swait.ge [sflag:s28], $0x80  }
0x215: {  	[sflag:s28] =	ssyncset.done $0x0  }
0x216: {  	[sflag:s28] =	ssyncadd.s32 $0xFFFFFF80  }
0x217: {  	_ =	swait.ge [sflag:s28], $0x80  }
0x218: {  	[sflag:s28] =	ssyncset.done $0x0  }
0x219: {  	[sflag:s28] =	ssyncadd.s32 $0xFFFFFF80  }
0x21a: {  	_ =	swait.ge [sflag:s28], $0x80  }
0x21b: {  	[sflag:s28] =	ssyncset.done $0x0  }
0x21c: {  	[sflag:s28] =	ssyncadd.s32 $0xFFFFFF80  }
0x21d: {  	_ =	swait.ge [sflag:s28], $0x80  }
0x21e: {  	[sflag:s28] =	ssyncset.done $0x0  }
0x21f: {  	[sflag:s28] =	ssyncadd.s32 $0xFFFFFF80  }
0x220: {  	_ =	swait.ge [sflag:s28], $0x80  }
0x221: {  	[sflag:s28] =	ssyncset.done $0x0  }
0x222: {  	[sflag:s28] =	ssyncadd.s32 $0xFFFFFF80  }
0x223: {  	_ =	swait.ge [sflag:s28], $0x80  }
0x224: {  	[sflag:s28] =	ssyncset.done $0x0  }
0x225: {  	[sflag:s28] =	ssyncadd.s32 $0xFFFFFF80  }
0x226: {  	_ =	swait.ge [sflag:s28], $0x80  }
0x227: {  	s19 =	simm.s32 $0x18;
	[sflag:s28] =	ssyncset.done $0x0  }
.LBB2_13:
0x228: {  	p0 =	sne.s32 s19, $0x1;
	s19 =	sadd.s32 $0xFFFFFFFF, s19;
	[sflag:s28] =	ssyncadd.s32 $0xFFFFFF80  }
0x229: {  	_ =	swait.ge [sflag:s28], $0x80  }
0x22a: {  	[sflag:s28] =	ssyncset.done $0x0  }
0x22b: {  	[sflag:s28] =	ssyncadd.s32 $0xFFFFFF80  }
0x22c: {  	_ =	swait.ge [sflag:s28], $0x80  }
0x22d: {  	[sflag:s28] =	ssyncset.done $0x0  }
0x22e: {  	[sflag:s28] =	ssyncadd.s32 $0xFFFFFF80  }
0x22f: {  	_ =	swait.ge [sflag:s28], $0x80  }
0x230: {  	[sflag:s28] =	ssyncset.done $0x0  }
0x231: {  	[sflag:s28] =	ssyncadd.s32 $0xFFFFFF80  }
0x232: {  	_ =	swait.ge [sflag:s28], $0x80  }
0x233: {  	[sflag:s28] =	ssyncset.done $0x0  }
0x234: {  	[sflag:s28] =	ssyncadd.s32 $0xFFFFFF80  }
0x235: {  	_ =	swait.ge [sflag:s28], $0x80  }
0x236: {  	[sflag:s28] =	ssyncset.done $0x0  }
0x237: {  	[sflag:s28] =	ssyncadd.s32 $0xFFFFFF80  }
0x238: {  	_ =	swait.ge [sflag:s28], $0x80  }
0x239: {  	[sflag:s28] =	ssyncset.done $0x0  }
0x23a: {  	[sflag:s28] =	ssyncadd.s32 $0xFFFFFF80  }
0x23b: {  	_ =	swait.ge [sflag:s28], $0x80  }
0x23c: {  	[sflag:s28] =	ssyncset.done $0x0  }
0x23d: {  	[sflag:s28] =	ssyncadd.s32 $0xFFFFFF80  }
0x23e: {  	_ =	swait.ge [sflag:s28], $0x80  }
0x23f: {  	[sflag:s28] =	ssyncset.done $0x0  }
0x240: {  	[sflag:s28] =	ssyncadd.s32 $0xFFFFFF80  }
0x241: {  	_ =	swait.ge [sflag:s28], $0x80  }
0x242: {  	[sflag:s28] =	ssyncset.done $0x0  }
0x243: {  	[sflag:s28] =	ssyncadd.s32 $0xFFFFFF80  }
0x244: {  	_ =	swait.ge [sflag:s28], $0x80  }
0x245: {  	[sflag:s28] =	ssyncset.done $0x0  }
0x246: {  	[sflag:s28] =	ssyncadd.s32 $0xFFFFFF80  }
0x247: {  	_ =	swait.ge [sflag:s28], $0x80  }
0x248: {  	[sflag:s28] =	ssyncset.done $0x0  }
0x249: {  	[sflag:s28] =	ssyncadd.s32 $0xFFFFFF80  }
0x24a: {  	_ =	swait.ge [sflag:s28], $0x80  }
0x24b: {  	[sflag:s28] =	ssyncset.done $0x0  }
0x24c: {  	[sflag:s28] =	ssyncadd.s32 $0xFFFFFF80  }
0x24d: {  	_ =	swait.ge [sflag:s28], $0x80  }
0x24e: {  	[sflag:s28] =	ssyncset.done $0x0  }
0x24f: {  	[sflag:s28] =	ssyncadd.s32 $0xFFFFFF80  }
0x250: {  	_ =	swait.ge [sflag:s28], $0x80  }
0x251: {  	[sflag:s28] =	ssyncset.done $0x0  }
0x252: {  	[sflag:s28] =	ssyncadd.s32 $0xFFFFFF80  }
.Ltmp5:
0x253: {  	_ =	swait.ge [sflag:s28], $0x80;
	(pc) =	sbr.rel @p0 .LBB2_13-.Ltmp5, $4  }
0x254: {  	[sflag:s28] =	ssyncset.done $0x0  }
0x255: {  	[sflag:s28] =	ssyncadd.s32 $0xFFFFFF80  }
0x256: {  	_ =	swait.ge [sflag:s28], $0x80  }
0x257: {  	[sflag:s28] =	ssyncset.done $0x0  }
0x258: {  	s0 =	sor.u32 $0x8, s13  }
0x259: {  	s1 =	smul.u32 $0x380, s0  }
0x25a: {  	s0 =	smul.u32 $0x1C00, s0  }
0x25b: {  	[sflag:s28] =	ssyncadd.s32 $0xFFFFFF80  }
0x25c: {  	s7 =	simm.s32 $0xCC00;
	s2 =	sadd.s32 s5, s1;
	s0 =	sshrl.u32 s0, $0x3  }
0x25d: {  	[hbm4b:s2+s3] =	stream.linear.scatter [tilespmem:s7], [sflag:$0x6], $0x1900, $0x38;
	[tilespmem:$0x19400] =	vst v63  }
0x25e: {  	s16 =	simm.s32 $0xE500;
	s1 =	sadd.s32 s1, s11;
	s0 =	sadd.s32 s5, s0  }
0x25f: {  	[hbm4b:s1+s3] =	stream.linear.scatter [tilespmem:s16], [sflag:$0x6], $0x1900, $0x38;
	[tilespmem:$0x19400] =	vst v63  }
0x260: {  	s20 =	simm.s32 $0xFE00;
	s19 =	sadd.s32 $0x700, s0  }
0x261: {  	[hbm4b:s19+s3] =	stream.linear.scatter [tilespmem:s20], [sflag:$0x6], $0x1900, $0x38;
	[tilespmem:$0x19400] =	vst v63  }
0x262: {  	s22 =	simm.s32 $0x11700;
	s21 =	sadd.s32 $0xA80, s0  }
0x263: {  	[hbm4b:s21+s3] =	stream.linear.scatter [tilespmem:s22], [sflag:$0x6], $0x1900, $0x38;
	[tilespmem:$0x19400] =	vst v63  }
0x264: {  	s24 =	simm.s32 $0x13000;
	s6 =	sadd.s32 $0x1, s6;
	s23 =	sadd.s32 $0xE00, s0  }
0x265: {  	[hbm4b:s23+s3] =	stream.linear.scatter [tilespmem:s24], [sflag:$0x6], $0x1900, $0x38;
	[tilespmem:$0x19400] =	vst v63  }
0x266: {  	s26 =	simm.s32 $0x14900;
	p0 =	sne.s32 s6, $0x20;
	s25 =	sadd.s32 $0x1180, s0  }
0x267: {  	[hbm4b:s25+s3] =	stream.linear.scatter [tilespmem:s26], [sflag:$0x6], $0x1900, $0x38;
	[tilespmem:$0x19400] =	vst v63  }
.Ltmp6:
0x268: {  	_ = 	snop;
	(pc) =	sbr.rel @p0 .LBB2_4-.Ltmp6, $4  }
0x269: {  	s30 =	simm.s32 $0x16200;
	s29 =	sadd.s32 $0x1500, s0  }
0x26a: {  	[hbm4b:s29+s3] =	stream.linear.scatter [tilespmem:s30], [sflag:$0x6], $0x1900, $0x38;
	[tilespmem:$0x19400] =	vst v63  }
0x26b: {  	s31 =	simm.s32 $0x17B00;
	s0 =	sadd.s32 $0x1880, s0  }
0x26c: {  	[hbm4b:s0+s3] =	stream.linear.scatter [tilespmem:s31], [sflag:$0x6], $0x1900, $0x38;
	[tilespmem:$0x19400] =	vst v63  }
0x26d: {  	_ =	swait.ge [sflag:s14], $0x1900  }
0x26e: {  	[sflag:s14] =	ssyncset.done $0x0  }
0x26f: {  	[sflag:s14] =	ssyncadd.s32 $0xFFFFE700  }
0x270: {  	_ =	swait.ge [sflag:s14], $0x1900  }
0x271: {  	[sflag:s14] =	ssyncset.done $0x0  }
0x272: {  	[sflag:s14] =	ssyncadd.s32 $0xFFFFE700  }
0x273: {  	_ =	swait.ge [sflag:s14], $0x1900  }
0x274: {  	[sflag:s14] =	ssyncset.done $0x0  }
0x275: {  	[sflag:s14] =	ssyncadd.s32 $0xFFFFE700  }
0x276: {  	_ =	swait.ge [sflag:s14], $0x1900  }
0x277: {  	[sflag:s14] =	ssyncset.done $0x0  }
0x278: {  	[sflag:s14] =	ssyncadd.s32 $0xFFFFE700  }
0x279: {  	_ =	swait.ge [sflag:s14], $0x1900  }
0x27a: {  	[sflag:s14] =	ssyncset.done $0x0  }
0x27b: {  	[sflag:s14] =	ssyncadd.s32 $0xFFFFE700  }
0x27c: {  	_ =	swait.ge [sflag:s14], $0x1900  }
0x27d: {  	[sflag:s14] =	ssyncset.done $0x0  }
0x27e: {  	[sflag:s14] =	ssyncadd.s32 $0xFFFFE700  }
0x27f: {  	_ =	swait.ge [sflag:s14], $0x1900  }
0x280: {  	[sflag:s14] =	ssyncset.done $0x0  }
0x281: {  	[sflag:s14] =	ssyncadd.s32 $0xFFFFE700  }
0x282: {  	_ =	swait.ge [sflag:s14], $0x1900  }
0x283: {  	[sflag:s14] =	ssyncset.done $0x0  }
0x284: {  	s1 =	simm.s32 $0x6;
	[sflag:s14] =	ssyncadd.s32 $0xFFFFE700  }
0x285: {  	_ =	swait.ge [sflag:s1], $0x1900  }
0x286: {  	[sflag:s1] =	ssyncset.done $0x0  }
0x287: {  	[sflag:s1] =	ssyncadd.s32 $0xFFFFE700  }
0x288: {  	_ =	swait.ge [sflag:s1], $0x1900  }
0x289: {  	[sflag:s1] =	ssyncset.done $0x0  }
0x28a: {  	[sflag:s1] =	ssyncadd.s32 $0xFFFFE700  }
0x28b: {  	_ =	swait.ge [sflag:s1], $0x1900  }
0x28c: {  	[sflag:s1] =	ssyncset.done $0x0  }
0x28d: {  	[sflag:s1] =	ssyncadd.s32 $0xFFFFE700  }
0x28e: {  	_ =	swait.ge [sflag:s1], $0x1900  }
0x28f: {  	[sflag:s1] =	ssyncset.done $0x0  }
0x290: {  	[sflag:s1] =	ssyncadd.s32 $0xFFFFE700  }
0x291: {  	_ =	swait.ge [sflag:s1], $0x1900  }
0x292: {  	[sflag:s1] =	ssyncset.done $0x0  }
0x293: {  	[sflag:s1] =	ssyncadd.s32 $0xFFFFE700  }
0x294: {  	_ =	swait.ge [sflag:s1], $0x1900  }
0x295: {  	[sflag:s1] =	ssyncset.done $0x0  }
0x296: {  	[sflag:s1] =	ssyncadd.s32 $0xFFFFE700  }
0x297: {  	_ =	swait.ge [sflag:s1], $0x1900  }
0x298: {  	[sflag:s1] =	ssyncset.done $0x0  }
0x299: {  	[sflag:s1] =	ssyncadd.s32 $0xFFFFE700  }
0x29a: {  	_ =	swait.ge [sflag:s1], $0x1900  }
0x29b: {  	s2 =	rddreg [dreg:$0xa]  }
0x29c: {  	s0 =	rddreg [dreg:$0x9];
	s2 =	sadd.s32 $0x1, s2  }
0x29d: {  	p0 =	sne.s32 s2, s0  }
.Ltmp7:
0x29e: {  	_ = 	snop;
	(pc) =	sbr.rel @p0 .LBB2_1-.Ltmp7, $3  }
0x29f: {  	_ =	sdelay $0x1  }
0x2a0: {  	[sflag:s1] =	ssyncset.done $0x0  }
0x2a1: {  	[sflag:s1] =	ssyncadd.s32 $0xFFFFE700  }
0x2a2: {  	_ =	sfence.sel $0x180000  }
0x2a3: {  	[bflag:$0x0] =	sbarrier.arrive $0xFFFF  }
0x2a4: {  	_ =	strace $0x90000047  }
0x2a5: {  	s0 =	stileid.u32;
	[bflag:$0x2] =	sbarrier.arrive $0xFFFF  }
0x2a6: {  	p0 =	sne.s32 s0, $0x0;
	s0 =	rddreg [dreg:$0x2]  }
0x2a7: {  	s0 =	sadd.s32 @!p0 $0x100000, s0  }
0x2a8: {  	[sflag:s0] =	ssyncadd.tile.s32 @!p0 $0x1;
	_ =	shalt  }
.Lfunc_end2:
_tile_overlayer_lowered:
.L_overlay_start_2:
0x2a9: {  	(tag) =	ssettag $0x2  }
0x2aa: {  	s0 =	rddreg [dreg:$0x0];
	s2 =	stileid.u32  }
0x2ab: {  	s1 =	rddreg [dreg:$0x1];
	p0 =	sne.s32 s2, $0x0  }
0x2ac: {  	s3 =	rddreg [dreg:$0x2];
	[bflag:$0x3] =	sbarrier.arrive $0xFFFF;
	s2 =	simm.s32 @!p0 $0x1C07  }
0x2ad: {  	[timem:s3], [sflag:s2] =	dma.local @!p0 [hbm:s0], s1  }
0x2ae: {  	s0 =	simm.s32 @!p0 $0x7  }
0x2af: {  	_ =	swait.ge @!p0 [sflag:s0], s1  }
0x2b0: {  	s1 =	ssub.s32 @!p0 $0x0, s1;
	[sflag:s0] =	ssyncset.done @!p0 $0x0  }
0x2b1: {  	[sflag:s0] =	ssyncadd.s32 @!p0 s1  }
0x2b2: {  	[bflag:$0x3] =	sbarrier.arrive $0xFFFF  }
0x2b3: {  	_ =	shalt  }

</sc_bundles>
